<compile_context>
chip_gen: v7x
topology: tpu7x:2x2x1
jax: 0.10.2.dev20260603
libtpu: 0.0.44.dev20260713+nightly
codegen_flags: <defaults>
</compile_context>

<pallas_src>
import functools

import jax
import jax.numpy as jnp
from jax import lax
from jax.experimental import pallas as pl
from jax.experimental.pallas import tpu as pltpu
from jax.experimental.pallas import tpu_sc as plsc

_L = 16
_NW = 32
_FILL = -2147483648


@functools.cache
def _sc_lookup(n_rows: int, n_cols: int, rows_per_chunk: int,
               n_table: int, ext_pad: int):
    rows_per_w = n_rows // _NW
    n_chunks = rows_per_w // rows_per_chunk
    assert n_chunks % 4 == 0 and n_chunks >= 12
    lo, hi, bias = -(n_table + 1), n_table + 6, n_table + 1
    mesh = plsc.VectorSubcoreMesh(core_axis_name="c", subcore_axis_name="s")

    @functools.partial(
        pl.kernel,
        mesh=mesh,
        compiler_params=pltpu.CompilerParams(
            needs_layout_passes=False, use_tc_tiling_on_sc=True),
        out_type=jax.ShapeDtypeStruct((n_rows, n_cols), jnp.int32),
        scratch_types=[
            pltpu.VMEM((ext_pad,), jnp.int32),
            pltpu.VMEM((rows_per_chunk, n_cols), jnp.int32),
            pltpu.VMEM((rows_per_chunk, n_cols), jnp.int32),
            pltpu.VMEM((rows_per_chunk, n_cols), jnp.int32),
            pltpu.VMEM((rows_per_chunk, n_cols), jnp.int32),
            pltpu.VMEM((rows_per_chunk, n_cols), jnp.int32),
            pltpu.VMEM((rows_per_chunk, n_cols), jnp.int32),
            pltpu.SemaphoreType.DMA,
            pltpu.SemaphoreType.DMA,
            pltpu.SemaphoreType.DMA,
            pltpu.SemaphoreType.DMA,
            pltpu.SemaphoreType.DMA,
            pltpu.SemaphoreType.DMA,
        ],
    )
    def k(idx_hbm, table_hbm, out_hbm, table_v,
          in0, in1, out0, out1, out2, out3,
          si0, si1, so0, so1, so2, so3):
        wid = lax.axis_index("s") * 2 + lax.axis_index("c")
        base = wid * rows_per_w
        ins, sis = (in0, in1), (si0, si1)
        outs, sos = (out0, out1, out2, out3), (so0, so1, so2, so3)
        pltpu.sync_copy(table_hbm, table_v)

        def start_in(c, b):
            r0 = base + c * rows_per_chunk
            pltpu.async_copy(idx_hbm.at[pl.ds(r0, rows_per_chunk), :],
                             ins[b], sis[b])

        def wait_in(c, b):
            r0 = base + c * rows_per_chunk
            pltpu.make_async_copy(idx_hbm.at[pl.ds(r0, rows_per_chunk), :],
                                  ins[b], sis[b]).wait()

        def start_out(c, b):
            r0 = base + c * rows_per_chunk
            pltpu.async_copy(outs[b],
                             out_hbm.at[pl.ds(r0, rows_per_chunk), :], sos[b])

        def wait_out(c, b):
            r0 = base + c * rows_per_chunk
            pltpu.make_async_copy(outs[b],
                                  out_hbm.at[pl.ds(r0, rows_per_chunk), :],
                                  sos[b]).wait()

        vecs_per_row = n_cols // _L
        n_vecs = rows_per_chunk * vecs_per_row

        def compute(bi, bo):
            @plsc.parallel_loop(0, n_vecs, unroll=8)
            def _(v):
                r = v // vecs_per_row
                c = (v % vecs_per_row) * _L
                raw = ins[bi][r, pl.ds(c, _L)]
                idx = jnp.minimum(jnp.maximum(raw, lo), hi) + bias
                outs[bo][r, pl.ds(c, _L)] = plsc.load_gather(table_v, [idx])

        def compute_strict(bi, bo):
            def cbody(v, carry):
                r = v // vecs_per_row
                c = (v % vecs_per_row) * _L
                raw = ins[bi][r, pl.ds(c, _L)]
                idx = jnp.minimum(jnp.maximum(raw, lo), hi) + bias
                outs[bo][r, pl.ds(c, _L)] = plsc.load_gather(table_v, [idx])
                return carry
            lax.fori_loop(0, n_vecs, cbody, 0, unroll=8)

        n = n_chunks
        start_in(0, 0)
        start_in(1, 1)
        wait_in(0, 0); compute(0, 0); start_in(2, 0)
        wait_in(1, 1); compute(1, 1); start_out(0, 0); start_in(3, 1)
        wait_in(2, 0); compute(0, 2); start_out(1, 1); start_in(4, 0)
        wait_in(3, 1); compute(1, 3); start_out(2, 2); start_in(5, 1)

        def body(g, carry):
            for j in range(4):
                c = 4 * g + j
                wait_in(c, j % 2)
                wait_out(c - 4, j)
                compute(j % 2, j)
                start_out(c - 1, (j - 1) % 4)
                start_in(c + 2, j % 2)
            return carry

        lax.fori_loop(1, (n - 4) // 4, body, 0)

        c = n - 4
        wait_in(c, 0); wait_out(c - 4, 0); compute(0, 0)
        start_out(c - 1, 3); start_in(c + 2, 0)
        c = n - 3
        wait_in(c, 1); wait_out(c - 4, 1); compute(1, 1)
        start_out(c - 1, 0); start_in(c + 2, 1)
        c = n - 2
        wait_in(c, 0); wait_out(c - 4, 2); compute(0, 2)
        start_out(c - 1, 1)
        c = n - 1
        wait_in(c, 1); wait_out(c - 4, 3); compute_strict(1, 3)
        start_out(c - 1, 2)

        wait_out(n - 4, 0)
        wait_out(n - 3, 1)
        wait_out(n - 2, 2)
        start_out(n - 1, 3)
        wait_out(n - 1, 3)

    return k


def kernel(atomic_nums, conv_tensor):
    arr = atomic_nums.astype(jnp.int32)
    n_rows, n_cols = arr.shape
    table = conv_tensor.astype(jnp.int32)
    n = table.shape[0]
    fill = jnp.full((8,), _FILL, dtype=jnp.int32)
    ext = jnp.concatenate([fill[:1], table, table, fill[:7]])
    ext_pad = -(-ext.shape[0] // _L) * _L
    ext = jnp.pad(ext, (0, ext_pad - ext.shape[0]))
    out = _sc_lookup(n_rows, n_cols, 8, n, ext_pad)(arr, ext)
    return out.astype(conv_tensor.dtype)

# --- scband reference (transcript-rebuilt; emitter-appended) ---
"""Pipeline reference for scband-species-converter-5299989643364 (READ-ONLY COPY).

The authoritative reference and input builder live on the scoring server;
editing this copy changes nothing except your own understanding.
"""

import jax, jax.numpy as jnp
import numpy as np

_SYMBOLS = ["H", "C", "N", "O", "S", "F", "Cl"]
_ATOMIC_NUMBER = {"H": 1, "C": 6, "N": 7, "O": 8, "S": 16, "F": 9, "Cl": 17}
_TABLE_SIZE = 120  # maxidx + 2 for the periodic table


def _build_conv_tensor():
    conv = np.full((_TABLE_SIZE,), -1, dtype=np.int64)
    for i, s in enumerate(_SYMBOLS):
        conv[_ATOMIC_NUMBER[s]] = i
    return jnp.asarray(conv)


def setup_inputs() -> dict:
    # All-ones atomic numbers (hydrogen) keep every value inside the supported
    # element set so the original torch module's validity check passes.
    atomic_nums = jnp.ones((16384, 2048), dtype=jnp.int64)
    conv_tensor = _build_conv_tensor()
    return {"atomic_nums": atomic_nums, "conv_tensor": conv_tensor}


def reference(atomic_nums, conv_tensor):
    # elem_idxs = self.conv_tensor[atomic_nums]
    elem_idxs = jnp.take(conv_tensor, atomic_nums, axis=0)
    return elem_idxs

if __name__ == "__main__":
    import jax
    _d = setup_inputs()
    print(jax.jit(kernel)(*tuple(_d.values())))

</pallas_src>

<mosaic_0001>
#map = affine_map<(d0, d1) -> (0, 0)>
#map1 = affine_map<(d0, d1) -> (0)>
module attributes {stable_mosaic.version = 14 : i64} {
  func.func @k(%arg0: i32, %arg1: i32, %arg2: memref<16384x2048xi32, #tpu.memory_space<hbm>>, %arg3: memref<256xi32, #tpu.memory_space<hbm>>, %arg4: memref<16384x2048xi32, #tpu.memory_space<hbm>>, %arg5: memref<256xi32, #tpu.memory_space<vmem>>, %arg6: memref<8x2048xi32, #tpu.memory_space<vmem>>, %arg7: memref<8x2048xi32, #tpu.memory_space<vmem>>, %arg8: memref<8x2048xi32, #tpu.memory_space<vmem>>, %arg9: memref<8x2048xi32, #tpu.memory_space<vmem>>, %arg10: memref<8x2048xi32, #tpu.memory_space<vmem>>, %arg11: memref<8x2048xi32, #tpu.memory_space<vmem>>, %arg12: memref<!tpu.dma_semaphore, #tpu.memory_space<semaphore_mem>>, %arg13: memref<!tpu.dma_semaphore, #tpu.memory_space<semaphore_mem>>, %arg14: memref<!tpu.dma_semaphore, #tpu.memory_space<semaphore_mem>>, %arg15: memref<!tpu.dma_semaphore, #tpu.memory_space<semaphore_mem>>, %arg16: memref<!tpu.dma_semaphore, #tpu.memory_space<semaphore_mem>>, %arg17: memref<!tpu.dma_semaphore, #tpu.memory_space<semaphore_mem>>) attributes {dimension_semantics = [#tpu.dimension_semantics<core_parallel>, #tpu.dimension_semantics<subcore_parallel>], iteration_bounds = array<i64: 2, 16>, scalar_prefetch = 0 : i64, scratch_operands = 13 : i64, tpu.core_type = #tpu.core_type<sc_vector_subcore>, window_params = [{transform_indices = #map}, {transform_indices = #map1}, {transform_indices = #map}]} {
    %mul3A = arith.constant 2 : i32
    %mul3A_0 = arith.muli %arg1, %mul3A : i32
    %add3A = arith.addi %mul3A_0, %arg0 : i32
    %mul3A_1 = arith.constant 512 : i32
    %mul3A_2 = arith.muli %add3A, %mul3A_1 : i32
    "tpu.region"() ({
      %run_scoped3A = tpu.sem_alloc : memref<!tpu.dma_semaphore, #tpu.memory_space<semaphore_mem>>
      tpu.enqueue_dma source(%arg3 : memref<256xi32, #tpu.memory_space<hbm>>) target(%arg5 : memref<256xi32, #tpu.memory_space<vmem>>) target_semaphore(%run_scoped3A : memref<!tpu.dma_semaphore, #tpu.memory_space<semaphore_mem>>)
      tpu.wait_dma2 semaphore(%run_scoped3A : memref<!tpu.dma_semaphore, #tpu.memory_space<semaphore_mem>>) src(%arg3 : memref<256xi32, #tpu.memory_space<hbm>>) dst(%arg5 : memref<256xi32, #tpu.memory_space<vmem>>)
      tpu.yield
    }) : () -> ()
    %add3A_3 = arith.constant 0 : i32
    %add3A_4 = arith.addi %mul3A_2, %add3A_3 : i32
    %dma_start3A = arith.constant 0 : i32
    %dma_start3A_5 = tpu.memref_slice %arg2[%add3A_4, %dma_start3A] : memref<16384x2048xi32, #tpu.memory_space<hbm>> -> memref<8x2048xi32, #tpu.memory_space<hbm>>
    %dma_start3A_6 = arith.constant 0 : i32
    %dma_start3A_7 = tpu.memref_slice %arg2[%add3A_4, %dma_start3A_6] : memref<16384x2048xi32, #tpu.memory_space<hbm>> -> memref<8x2048xi32, #tpu.memory_space<hbm>>
    tpu.enqueue_dma source(%dma_start3A_7 : memref<8x2048xi32, #tpu.memory_space<hbm>>) target(%arg6 : memref<8x2048xi32, #tpu.memory_space<vmem>>) target_semaphore(%arg12 : memref<!tpu.dma_semaphore, #tpu.memory_space<semaphore_mem>>)
    %add3A_8 = arith.constant 8 : i32
    %add3A_9 = arith.addi %mul3A_2, %add3A_8 : i32
    %dma_start3A_10 = arith.constant 0 : i32
    %dma_start3A_11 = tpu.memref_slice %arg2[%add3A_9, %dma_start3A_10] : memref<16384x2048xi32, #tpu.memory_space<hbm>> -> memref<8x2048xi32, #tpu.memory_space<hbm>>
    %dma_start3A_12 = arith.constant 0 : i32
    %dma_start3A_13 = tpu.memref_slice %arg2[%add3A_9, %dma_start3A_12] : memref<16384x2048xi32, #tpu.memory_space<hbm>> -> memref<8x2048xi32, #tpu.memory_space<hbm>>
    tpu.enqueue_dma source(%dma_start3A_13 : memref<8x2048xi32, #tpu.memory_space<hbm>>) target(%arg7 : memref<8x2048xi32, #tpu.memory_space<vmem>>) target_semaphore(%arg13 : memref<!tpu.dma_semaphore, #tpu.memory_space<semaphore_mem>>)
    %add3A_14 = arith.constant 0 : i32
    %add3A_15 = arith.addi %mul3A_2, %add3A_14 : i32
    %dma_wait3A = arith.constant 0 : i32
    %dma_wait3A_16 = tpu.memref_slice %arg2[%add3A_15, %dma_wait3A] : memref<16384x2048xi32, #tpu.memory_space<hbm>> -> memref<8x2048xi32, #tpu.memory_space<hbm>>
    %dma_wait3A_17 = arith.constant 0 : i32
    %dma_wait3A_18 = tpu.memref_slice %arg2[%add3A_15, %dma_wait3A_17] : memref<16384x2048xi32, #tpu.memory_space<hbm>> -> memref<8x2048xi32, #tpu.memory_space<hbm>>
    tpu.wait_dma2 semaphore(%arg12 : memref<!tpu.dma_semaphore, #tpu.memory_space<semaphore_mem>>) src(%dma_wait3A_18 : memref<8x2048xi32, #tpu.memory_space<hbm>>) dst(%arg6 : memref<8x2048xi32, #tpu.memory_space<vmem>>)
    %parallel_loop3A = arith.constant 0 : i32
    %parallel_loop3A_19 = arith.constant 1024 : i32
    %parallel_loop3A_20 = arith.constant 1 : i32
    scf.for %parallel_loop3A_224 = %parallel_loop3A to %parallel_loop3A_19 step %parallel_loop3A_20  : i32 {
      %parallel_loop3A_225 = arith.constant 128 : i32
      %parallel_loop3A_226 = arith.divsi %parallel_loop3A_224, %parallel_loop3A_225 : i32
      %parallel_loop3A_227 = arith.constant 0 : i32
      %parallel_loop3A_228 = arith.cmpi sgt, %parallel_loop3A_224, %parallel_loop3A_227 : i32
      %parallel_loop3A_229 = arith.extui %parallel_loop3A_228 : i1 to i32
      %parallel_loop3A_230 = arith.constant 0 : i32
      %parallel_loop3A_231 = arith.cmpi slt, %parallel_loop3A_224, %parallel_loop3A_230 : i32
      %parallel_loop3A_232 = arith.extui %parallel_loop3A_231 : i1 to i32
      %parallel_loop3A_233 = arith.subi %parallel_loop3A_229, %parallel_loop3A_232 : i32
      %parallel_loop3A_234 = arith.constant 0 : i32
      %parallel_loop3A_235 = arith.cmpi sgt, %parallel_loop3A_225, %parallel_loop3A_234 : i32
      %parallel_loop3A_236 = arith.extui %parallel_loop3A_235 : i1 to i32
      %parallel_loop3A_237 = arith.constant 0 : i32
      %parallel_loop3A_238 = arith.cmpi slt, %parallel_loop3A_225, %parallel_loop3A_237 : i32
      %parallel_loop3A_239 = arith.extui %parallel_loop3A_238 : i1 to i32
      %parallel_loop3A_240 = arith.subi %parallel_loop3A_236, %parallel_loop3A_239 : i32
      %parallel_loop3A_241 = arith.cmpi ne, %parallel_loop3A_233, %parallel_loop3A_240 : i32
      %parallel_loop3A_242 = arith.remsi %parallel_loop3A_224, %parallel_loop3A_225 : i32
      %parallel_loop3A_243 = arith.constant 0 : i32
      %parallel_loop3A_244 = arith.cmpi ne, %parallel_loop3A_242, %parallel_loop3A_243 : i32
      %parallel_loop3A_245 = arith.andi %parallel_loop3A_241, %parallel_loop3A_244 : i1
      %parallel_loop3A_246 = arith.constant 1 : i32
      %parallel_loop3A_247 = arith.subi %parallel_loop3A_226, %parallel_loop3A_246 : i32
      %parallel_loop3A_248 = arith.select %parallel_loop3A_245, %parallel_loop3A_247, %parallel_loop3A_226 : i32
      %parallel_loop3A_249 = arith.constant 128 : i32
      %parallel_loop3A_250 = arith.constant 0 : i32
      %parallel_loop3A_251 = arith.cmpi eq, %parallel_loop3A_249, %parallel_loop3A_250 : i32
      %parallel_loop3A_252 = arith.constant 1 : i32
      %parallel_loop3A_253 = arith.select %parallel_loop3A_251, %parallel_loop3A_252, %parallel_loop3A_249 : i32
      %parallel_loop3A_254 = arith.remsi %parallel_loop3A_224, %parallel_loop3A_253 : i32
      %parallel_loop3A_255 = arith.constant 0 : i32
      %parallel_loop3A_256 = arith.cmpi ne, %parallel_loop3A_254, %parallel_loop3A_255 : i32
      %parallel_loop3A_257 = arith.constant 0 : i32
      %parallel_loop3A_258 = arith.cmpi slt, %parallel_loop3A_254, %parallel_loop3A_257 : i32
      %parallel_loop3A_259 = arith.constant 0 : i32
      %parallel_loop3A_260 = arith.cmpi slt, %parallel_loop3A_253, %parallel_loop3A_259 : i32
      %parallel_loop3A_261 = arith.xori %parallel_loop3A_258, %parallel_loop3A_260 : i1
      %parallel_loop3A_262 = arith.andi %parallel_loop3A_261, %parallel_loop3A_256 : i1
      %parallel_loop3A_263 = arith.addi %parallel_loop3A_254, %parallel_loop3A_253 : i32
      %parallel_loop3A_264 = arith.select %parallel_loop3A_262, %parallel_loop3A_263, %parallel_loop3A_254 : i32
      %parallel_loop3A_265 = arith.constant 16 : i32
      %parallel_loop3A_266 = arith.muli %parallel_loop3A_264, %parallel_loop3A_265 : i32
      %parallel_loop3A_267 = arith.index_cast %parallel_loop3A_248 : i32 to index
      %parallel_loop3A_268 = arith.index_cast %parallel_loop3A_266 : i32 to index
      %parallel_loop3A_269 = tpu.vector_load %arg6[%parallel_loop3A_267, %parallel_loop3A_268] {strides = array<i32>} : memref<8x2048xi32, #tpu.memory_space<vmem>>, vector<16xi32>,
      %parallel_loop3A_270 = arith.constant -121 : i32
      %parallel_loop3A_271 = vector.broadcast %parallel_loop3A_270 : i32 to vector<16xi32>
      %parallel_loop3A_272 = arith.maxsi %parallel_loop3A_269, %parallel_loop3A_271 : vector<16xi32>
      %parallel_loop3A_273 = arith.constant 126 : i32
      %parallel_loop3A_274 = vector.broadcast %parallel_loop3A_273 : i32 to vector<16xi32>
      %parallel_loop3A_275 = arith.minsi %parallel_loop3A_272, %parallel_loop3A_274 : vector<16xi32>
      %parallel_loop3A_276 = arith.constant 121 : i32
      %parallel_loop3A_277 = vector.broadcast %parallel_loop3A_276 : i32 to vector<16xi32>
      %parallel_loop3A_278 = arith.addi %parallel_loop3A_275, %parallel_loop3A_277 : vector<16xi32>
      %parallel_loop3A_279 = tpu.vector_load_idx %arg5[%parallel_loop3A_278] : memref<256xi32, #tpu.memory_space<vmem>>[vector<16xi32>], vector<16xi32>,
      %parallel_loop3A_280 = arith.index_cast %parallel_loop3A_248 : i32 to index
      %parallel_loop3A_281 = arith.index_cast %parallel_loop3A_266 : i32 to index
      %parallel_loop3A_282 = tpu.vector_load %arg8[%parallel_loop3A_280, %parallel_loop3A_281] {strides = array<i32>} : memref<8x2048xi32, #tpu.memory_space<vmem>>, vector<16xi32>,
      tpu.vector_store %arg8[%parallel_loop3A_280, %parallel_loop3A_281], %parallel_loop3A_279 {strides = array<i32>} : memref<8x2048xi32, #tpu.memory_space<vmem>>, vector<16xi32>,
    } {sc.loop_unroll_factor = 8 : i64, sc.parallel_access}
    %add3A_21 = arith.constant 16 : i32
    %add3A_22 = arith.addi %mul3A_2, %add3A_21 : i32
    %dma_start3A_23 = arith.constant 0 : i32
    %dma_start3A_24 = tpu.memref_slice %arg2[%add3A_22, %dma_start3A_23] : memref<16384x2048xi32, #tpu.memory_space<hbm>> -> memref<8x2048xi32, #tpu.memory_space<hbm>>
    %dma_start3A_25 = arith.constant 0 : i32
    %dma_start3A_26 = tpu.memref_slice %arg2[%add3A_22, %dma_start3A_25] : memref<16384x2048xi32, #tpu.memory_space<hbm>> -> memref<8x2048xi32, #tpu.memory_space<hbm>>
    tpu.enqueue_dma source(%dma_start3A_26 : memref<8x2048xi32, #tpu.memory_space<hbm>>) target(%arg6 : memref<8x2048xi32, #tpu.memory_space<vmem>>) target_semaphore(%arg12 : memref<!tpu.dma_semaphore, #tpu.memory_space<semaphore_mem>>)
    %add3A_27 = arith.constant 8 : i32
    %add3A_28 = arith.addi %mul3A_2, %add3A_27 : i32
    %dma_wait3A_29 = arith.constant 0 : i32
    %dma_wait3A_30 = tpu.memref_slice %arg2[%add3A_28, %dma_wait3A_29] : memref<16384x2048xi32, #tpu.memory_space<hbm>> -> memref<8x2048xi32, #tpu.memory_space<hbm>>
    %dma_wait3A_31 = arith.constant 0 : i32
    %dma_wait3A_32 = tpu.memref_slice %arg2[%add3A_28, %dma_wait3A_31] : memref<16384x2048xi32, #tpu.memory_space<hbm>> -> memref<8x2048xi32, #tpu.memory_space<hbm>>
    tpu.wait_dma2 semaphore(%arg13 : memref<!tpu.dma_semaphore, #tpu.memory_space<semaphore_mem>>) src(%dma_wait3A_32 : memref<8x2048xi32, #tpu.memory_space<hbm>>) dst(%arg7 : memref<8x2048xi32, #tpu.memory_space<vmem>>)
    %parallel_loop3A_33 = arith.constant 0 : i32
    %parallel_loop3A_34 = arith.constant 1024 : i32
    %parallel_loop3A_35 = arith.constant 1 : i32
    scf.for %parallel_loop3A_224 = %parallel_loop3A_33 to %parallel_loop3A_34 step %parallel_loop3A_35  : i32 {
      %parallel_loop3A_225 = arith.constant 128 : i32
      %parallel_loop3A_226 = arith.divsi %parallel_loop3A_224, %parallel_loop3A_225 : i32
      %parallel_loop3A_227 = arith.constant 0 : i32
      %parallel_loop3A_228 = arith.cmpi sgt, %parallel_loop3A_224, %parallel_loop3A_227 : i32
      %parallel_loop3A_229 = arith.extui %parallel_loop3A_228 : i1 to i32
      %parallel_loop3A_230 = arith.constant 0 : i32
      %parallel_loop3A_231 = arith.cmpi slt, %parallel_loop3A_224, %parallel_loop3A_230 : i32
      %parallel_loop3A_232 = arith.extui %parallel_loop3A_231 : i1 to i32
      %parallel_loop3A_233 = arith.subi %parallel_loop3A_229, %parallel_loop3A_232 : i32
      %parallel_loop3A_234 = arith.constant 0 : i32
      %parallel_loop3A_235 = arith.cmpi sgt, %parallel_loop3A_225, %parallel_loop3A_234 : i32
      %parallel_loop3A_236 = arith.extui %parallel_loop3A_235 : i1 to i32
      %parallel_loop3A_237 = arith.constant 0 : i32
      %parallel_loop3A_238 = arith.cmpi slt, %parallel_loop3A_225, %parallel_loop3A_237 : i32
      %parallel_loop3A_239 = arith.extui %parallel_loop3A_238 : i1 to i32
      %parallel_loop3A_240 = arith.subi %parallel_loop3A_236, %parallel_loop3A_239 : i32
      %parallel_loop3A_241 = arith.cmpi ne, %parallel_loop3A_233, %parallel_loop3A_240 : i32
      %parallel_loop3A_242 = arith.remsi %parallel_loop3A_224, %parallel_loop3A_225 : i32
      %parallel_loop3A_243 = arith.constant 0 : i32
      %parallel_loop3A_244 = arith.cmpi ne, %parallel_loop3A_242, %parallel_loop3A_243 : i32
      %parallel_loop3A_245 = arith.andi %parallel_loop3A_241, %parallel_loop3A_244 : i1
      %parallel_loop3A_246 = arith.constant 1 : i32
      %parallel_loop3A_247 = arith.subi %parallel_loop3A_226, %parallel_loop3A_246 : i32
      %parallel_loop3A_248 = arith.select %parallel_loop3A_245, %parallel_loop3A_247, %parallel_loop3A_226 : i32
      %parallel_loop3A_249 = arith.constant 128 : i32
      %parallel_loop3A_250 = arith.constant 0 : i32
      %parallel_loop3A_251 = arith.cmpi eq, %parallel_loop3A_249, %parallel_loop3A_250 : i32
      %parallel_loop3A_252 = arith.constant 1 : i32
      %parallel_loop3A_253 = arith.select %parallel_loop3A_251, %parallel_loop3A_252, %parallel_loop3A_249 : i32
      %parallel_loop3A_254 = arith.remsi %parallel_loop3A_224, %parallel_loop3A_253 : i32
      %parallel_loop3A_255 = arith.constant 0 : i32
      %parallel_loop3A_256 = arith.cmpi ne, %parallel_loop3A_254, %parallel_loop3A_255 : i32
      %parallel_loop3A_257 = arith.constant 0 : i32
      %parallel_loop3A_258 = arith.cmpi slt, %parallel_loop3A_254, %parallel_loop3A_257 : i32
      %parallel_loop3A_259 = arith.constant 0 : i32
      %parallel_loop3A_260 = arith.cmpi slt, %parallel_loop3A_253, %parallel_loop3A_259 : i32
      %parallel_loop3A_261 = arith.xori %parallel_loop3A_258, %parallel_loop3A_260 : i1
      %parallel_loop3A_262 = arith.andi %parallel_loop3A_261, %parallel_loop3A_256 : i1
      %parallel_loop3A_263 = arith.addi %parallel_loop3A_254, %parallel_loop3A_253 : i32
      %parallel_loop3A_264 = arith.select %parallel_loop3A_262, %parallel_loop3A_263, %parallel_loop3A_254 : i32
      %parallel_loop3A_265 = arith.constant 16 : i32
      %parallel_loop3A_266 = arith.muli %parallel_loop3A_264, %parallel_loop3A_265 : i32
      %parallel_loop3A_267 = arith.index_cast %parallel_loop3A_248 : i32 to index
      %parallel_loop3A_268 = arith.index_cast %parallel_loop3A_266 : i32 to index
      %parallel_loop3A_269 = tpu.vector_load %arg7[%parallel_loop3A_267, %parallel_loop3A_268] {strides = array<i32>} : memref<8x2048xi32, #tpu.memory_space<vmem>>, vector<16xi32>,
      %parallel_loop3A_270 = arith.constant -121 : i32
      %parallel_loop3A_271 = vector.broadcast %parallel_loop3A_270 : i32 to vector<16xi32>
      %parallel_loop3A_272 = arith.maxsi %parallel_loop3A_269, %parallel_loop3A_271 : vector<16xi32>
      %parallel_loop3A_273 = arith.constant 126 : i32
      %parallel_loop3A_274 = vector.broadcast %parallel_loop3A_273 : i32 to vector<16xi32>
      %parallel_loop3A_275 = arith.minsi %parallel_loop3A_272, %parallel_loop3A_274 : vector<16xi32>
      %parallel_loop3A_276 = arith.constant 121 : i32
      %parallel_loop3A_277 = vector.broadcast %parallel_loop3A_276 : i32 to vector<16xi32>
      %parallel_loop3A_278 = arith.addi %parallel_loop3A_275, %parallel_loop3A_277 : vector<16xi32>
      %parallel_loop3A_279 = tpu.vector_load_idx %arg5[%parallel_loop3A_278] : memref<256xi32, #tpu.memory_space<vmem>>[vector<16xi32>], vector<16xi32>,
      %parallel_loop3A_280 = arith.index_cast %parallel_loop3A_248 : i32 to index
      %parallel_loop3A_281 = arith.index_cast %parallel_loop3A_266 : i32 to index
      %parallel_loop3A_282 = tpu.vector_load %arg9[%parallel_loop3A_280, %parallel_loop3A_281] {strides = array<i32>} : memref<8x2048xi32, #tpu.memory_space<vmem>>, vector<16xi32>,
      tpu.vector_store %arg9[%parallel_loop3A_280, %parallel_loop3A_281], %parallel_loop3A_279 {strides = array<i32>} : memref<8x2048xi32, #tpu.memory_space<vmem>>, vector<16xi32>,
    } {sc.loop_unroll_factor = 8 : i64, sc.parallel_access}
    %add3A_36 = arith.constant 0 : i32
    %add3A_37 = arith.addi %mul3A_2, %add3A_36 : i32
    %dma_start3A_38 = arith.constant 0 : i32
    %dma_start3A_39 = tpu.memref_slice %arg4[%add3A_37, %dma_start3A_38] : memref<16384x2048xi32, #tpu.memory_space<hbm>> -> memref<8x2048xi32, #tpu.memory_space<hbm>>
    %dma_start3A_40 = arith.constant 0 : i32
    %dma_start3A_41 = tpu.memref_slice %arg4[%add3A_37, %dma_start3A_40] : memref<16384x2048xi32, #tpu.memory_space<hbm>> -> memref<8x2048xi32, #tpu.memory_space<hbm>>
    tpu.enqueue_dma source(%arg8 : memref<8x2048xi32, #tpu.memory_space<vmem>>) target(%dma_start3A_41 : memref<8x2048xi32, #tpu.memory_space<hbm>>) target_semaphore(%arg14 : memref<!tpu.dma_semaphore, #tpu.memory_space<semaphore_mem>>)
    %add3A_42 = arith.constant 24 : i32
    %add3A_43 = arith.addi %mul3A_2, %add3A_42 : i32
    %dma_start3A_44 = arith.constant 0 : i32
    %dma_start3A_45 = tpu.memref_slice %arg2[%add3A_43, %dma_start3A_44] : memref<16384x2048xi32, #tpu.memory_space<hbm>> -> memref<8x2048xi32, #tpu.memory_space<hbm>>
    %dma_start3A_46 = arith.constant 0 : i32
    %dma_start3A_47 = tpu.memref_slice %arg2[%add3A_43, %dma_start3A_46] : memref<16384x2048xi32, #tpu.memory_space<hbm>> -> memref<8x2048xi32, #tpu.memory_space<hbm>>
    tpu.enqueue_dma source(%dma_start3A_47 : memref<8x2048xi32, #tpu.memory_space<hbm>>) target(%arg7 : memref<8x2048xi32, #tpu.memory_space<vmem>>) target_semaphore(%arg13 : memref<!tpu.dma_semaphore, #tpu.memory_space<semaphore_mem>>)
    %add3A_48 = arith.constant 16 : i32
    %add3A_49 = arith.addi %mul3A_2, %add3A_48 : i32
    %dma_wait3A_50 = arith.constant 0 : i32
    %dma_wait3A_51 = tpu.memref_slice %arg2[%add3A_49, %dma_wait3A_50] : memref<16384x2048xi32, #tpu.memory_space<hbm>> -> memref<8x2048xi32, #tpu.memory_space<hbm>>
    %dma_wait3A_52 = arith.constant 0 : i32
    %dma_wait3A_53 = tpu.memref_slice %arg2[%add3A_49, %dma_wait3A_52] : memref<16384x2048xi32, #tpu.memory_space<hbm>> -> memref<8x2048xi32, #tpu.memory_space<hbm>>
    tpu.wait_dma2 semaphore(%arg12 : memref<!tpu.dma_semaphore, #tpu.memory_space<semaphore_mem>>) src(%dma_wait3A_53 : memref<8x2048xi32, #tpu.memory_space<hbm>>) dst(%arg6 : memref<8x2048xi32, #tpu.memory_space<vmem>>)
    %parallel_loop3A_54 = arith.constant 0 : i32
    %parallel_loop3A_55 = arith.constant 1024 : i32
    %parallel_loop3A_56 = arith.constant 1 : i32
    scf.for %parallel_loop3A_224 = %parallel_loop3A_54 to %parallel_loop3A_55 step %parallel_loop3A_56  : i32 {
      %parallel_loop3A_225 = arith.constant 128 : i32
      %parallel_loop3A_226 = arith.divsi %parallel_loop3A_224, %parallel_loop3A_225 : i32
      %parallel_loop3A_227 = arith.constant 0 : i32
      %parallel_loop3A_228 = arith.cmpi sgt, %parallel_loop3A_224, %parallel_loop3A_227 : i32
      %parallel_loop3A_229 = arith.extui %parallel_loop3A_228 : i1 to i32
      %parallel_loop3A_230 = arith.constant 0 : i32
      %parallel_loop3A_231 = arith.cmpi slt, %parallel_loop3A_224, %parallel_loop3A_230 : i32
      %parallel_loop3A_232 = arith.extui %parallel_loop3A_231 : i1 to i32
      %parallel_loop3A_233 = arith.subi %parallel_loop3A_229, %parallel_loop3A_232 : i32
      %parallel_loop3A_234 = arith.constant 0 : i32
      %parallel_loop3A_235 = arith.cmpi sgt, %parallel_loop3A_225, %parallel_loop3A_234 : i32
      %parallel_loop3A_236 = arith.extui %parallel_loop3A_235 : i1 to i32
      %parallel_loop3A_237 = arith.constant 0 : i32
      %parallel_loop3A_238 = arith.cmpi slt, %parallel_loop3A_225, %parallel_loop3A_237 : i32
      %parallel_loop3A_239 = arith.extui %parallel_loop3A_238 : i1 to i32
      %parallel_loop3A_240 = arith.subi %parallel_loop3A_236, %parallel_loop3A_239 : i32
      %parallel_loop3A_241 = arith.cmpi ne, %parallel_loop3A_233, %parallel_loop3A_240 : i32
      %parallel_loop3A_242 = arith.remsi %parallel_loop3A_224, %parallel_loop3A_225 : i32
      %parallel_loop3A_243 = arith.constant 0 : i32
      %parallel_loop3A_244 = arith.cmpi ne, %parallel_loop3A_242, %parallel_loop3A_243 : i32
      %parallel_loop3A_245 = arith.andi %parallel_loop3A_241, %parallel_loop3A_244 : i1
      %parallel_loop3A_246 = arith.constant 1 : i32
      %parallel_loop3A_247 = arith.subi %parallel_loop3A_226, %parallel_loop3A_246 : i32
      %parallel_loop3A_248 = arith.select %parallel_loop3A_245, %parallel_loop3A_247, %parallel_loop3A_226 : i32
      %parallel_loop3A_249 = arith.constant 128 : i32
      %parallel_loop3A_250 = arith.constant 0 : i32
      %parallel_loop3A_251 = arith.cmpi eq, %parallel_loop3A_249, %parallel_loop3A_250 : i32
      %parallel_loop3A_252 = arith.constant 1 : i32
      %parallel_loop3A_253 = arith.select %parallel_loop3A_251, %parallel_loop3A_252, %parallel_loop3A_249 : i32
      %parallel_loop3A_254 = arith.remsi %parallel_loop3A_224, %parallel_loop3A_253 : i32
      %parallel_loop3A_255 = arith.constant 0 : i32
      %parallel_loop3A_256 = arith.cmpi ne, %parallel_loop3A_254, %parallel_loop3A_255 : i32
      %parallel_loop3A_257 = arith.constant 0 : i32
      %parallel_loop3A_258 = arith.cmpi slt, %parallel_loop3A_254, %parallel_loop3A_257 : i32
      %parallel_loop3A_259 = arith.constant 0 : i32
      %parallel_loop3A_260 = arith.cmpi slt, %parallel_loop3A_253, %parallel_loop3A_259 : i32
      %parallel_loop3A_261 = arith.xori %parallel_loop3A_258, %parallel_loop3A_260 : i1
      %parallel_loop3A_262 = arith.andi %parallel_loop3A_261, %parallel_loop3A_256 : i1
      %parallel_loop3A_263 = arith.addi %parallel_loop3A_254, %parallel_loop3A_253 : i32
      %parallel_loop3A_264 = arith.select %parallel_loop3A_262, %parallel_loop3A_263, %parallel_loop3A_254 : i32
      %parallel_loop3A_265 = arith.constant 16 : i32
      %parallel_loop3A_266 = arith.muli %parallel_loop3A_264, %parallel_loop3A_265 : i32
      %parallel_loop3A_267 = arith.index_cast %parallel_loop3A_248 : i32 to index
      %parallel_loop3A_268 = arith.index_cast %parallel_loop3A_266 : i32 to index
      %parallel_loop3A_269 = tpu.vector_load %arg6[%parallel_loop3A_267, %parallel_loop3A_268] {strides = array<i32>} : memref<8x2048xi32, #tpu.memory_space<vmem>>, vector<16xi32>,
      %parallel_loop3A_270 = arith.constant -121 : i32
      %parallel_loop3A_271 = vector.broadcast %parallel_loop3A_270 : i32 to vector<16xi32>
      %parallel_loop3A_272 = arith.maxsi %parallel_loop3A_269, %parallel_loop3A_271 : vector<16xi32>
      %parallel_loop3A_273 = arith.constant 126 : i32
      %parallel_loop3A_274 = vector.broadcast %parallel_loop3A_273 : i32 to vector<16xi32>
      %parallel_loop3A_275 = arith.minsi %parallel_loop3A_272, %parallel_loop3A_274 : vector<16xi32>
      %parallel_loop3A_276 = arith.constant 121 : i32
      %parallel_loop3A_277 = vector.broadcast %parallel_loop3A_276 : i32 to vector<16xi32>
      %parallel_loop3A_278 = arith.addi %parallel_loop3A_275, %parallel_loop3A_277 : vector<16xi32>
      %parallel_loop3A_279 = tpu.vector_load_idx %arg5[%parallel_loop3A_278] : memref<256xi32, #tpu.memory_space<vmem>>[vector<16xi32>], vector<16xi32>,
      %parallel_loop3A_280 = arith.index_cast %parallel_loop3A_248 : i32 to index
      %parallel_loop3A_281 = arith.index_cast %parallel_loop3A_266 : i32 to index
      %parallel_loop3A_282 = tpu.vector_load %arg10[%parallel_loop3A_280, %parallel_loop3A_281] {strides = array<i32>} : memref<8x2048xi32, #tpu.memory_space<vmem>>, vector<16xi32>,
      tpu.vector_store %arg10[%parallel_loop3A_280, %parallel_loop3A_281], %parallel_loop3A_279 {strides = array<i32>} : memref<8x2048xi32, #tpu.memory_space<vmem>>, vector<16xi32>,
    } {sc.loop_unroll_factor = 8 : i64, sc.parallel_access}
    %add3A_57 = arith.constant 8 : i32
    %add3A_58 = arith.addi %mul3A_2, %add3A_57 : i32
    %dma_start3A_59 = arith.constant 0 : i32
    %dma_start3A_60 = tpu.memref_slice %arg4[%add3A_58, %dma_start3A_59] : memref<16384x2048xi32, #tpu.memory_space<hbm>> -> memref<8x2048xi32, #tpu.memory_space<hbm>>
    %dma_start3A_61 = arith.constant 0 : i32
    %dma_start3A_62 = tpu.memref_slice %arg4[%add3A_58, %dma_start3A_61] : memref<16384x2048xi32, #tpu.memory_space<hbm>> -> memref<8x2048xi32, #tpu.memory_space<hbm>>
    tpu.enqueue_dma source(%arg9 : memref<8x2048xi32, #tpu.memory_space<vmem>>) target(%dma_start3A_62 : memref<8x2048xi32, #tpu.memory_space<hbm>>) target_semaphore(%arg15 : memref<!tpu.dma_semaphore, #tpu.memory_space<semaphore_mem>>)
    %add3A_63 = arith.constant 32 : i32
    %add3A_64 = arith.addi %mul3A_2, %add3A_63 : i32
    %dma_start3A_65 = arith.constant 0 : i32
    %dma_start3A_66 = tpu.memref_slice %arg2[%add3A_64, %dma_start3A_65] : memref<16384x2048xi32, #tpu.memory_space<hbm>> -> memref<8x2048xi32, #tpu.memory_space<hbm>>
    %dma_start3A_67 = arith.constant 0 : i32
    %dma_start3A_68 = tpu.memref_slice %arg2[%add3A_64, %dma_start3A_67] : memref<16384x2048xi32, #tpu.memory_space<hbm>> -> memref<8x2048xi32, #tpu.memory_space<hbm>>
    tpu.enqueue_dma source(%dma_start3A_68 : memref<8x2048xi32, #tpu.memory_space<hbm>>) target(%arg6 : memref<8x2048xi32, #tpu.memory_space<vmem>>) target_semaphore(%arg12 : memref<!tpu.dma_semaphore, #tpu.memory_space<semaphore_mem>>)
    %add3A_69 = arith.constant 24 : i32
    %add3A_70 = arith.addi %mul3A_2, %add3A_69 : i32
    %dma_wait3A_71 = arith.constant 0 : i32
    %dma_wait3A_72 = tpu.memref_slice %arg2[%add3A_70, %dma_wait3A_71] : memref<16384x2048xi32, #tpu.memory_space<hbm>> -> memref<8x2048xi32, #tpu.memory_space<hbm>>
    %dma_wait3A_73 = arith.constant 0 : i32
    %dma_wait3A_74 = tpu.memref_slice %arg2[%add3A_70, %dma_wait3A_73] : memref<16384x2048xi32, #tpu.memory_space<hbm>> -> memref<8x2048xi32, #tpu.memory_space<hbm>>
    tpu.wait_dma2 semaphore(%arg13 : memref<!tpu.dma_semaphore, #tpu.memory_space<semaphore_mem>>) src(%dma_wait3A_74 : memref<8x2048xi32, #tpu.memory_space<hbm>>) dst(%arg7 : memref<8x2048xi32, #tpu.memory_space<vmem>>)
    %parallel_loop3A_75 = arith.constant 0 : i32
    %parallel_loop3A_76 = arith.constant 1024 : i32
    %parallel_loop3A_77 = arith.constant 1 : i32
    scf.for %parallel_loop3A_224 = %parallel_loop3A_75 to %parallel_loop3A_76 step %parallel_loop3A_77  : i32 {
      %parallel_loop3A_225 = arith.constant 128 : i32
      %parallel_loop3A_226 = arith.divsi %parallel_loop3A_224, %parallel_loop3A_225 : i32
      %parallel_loop3A_227 = arith.constant 0 : i32
      %parallel_loop3A_228 = arith.cmpi sgt, %parallel_loop3A_224, %parallel_loop3A_227 : i32
      %parallel_loop3A_229 = arith.extui %parallel_loop3A_228 : i1 to i32
      %parallel_loop3A_230 = arith.constant 0 : i32
      %parallel_loop3A_231 = arith.cmpi slt, %parallel_loop3A_224, %parallel_loop3A_230 : i32
      %parallel_loop3A_232 = arith.extui %parallel_loop3A_231 : i1 to i32
      %parallel_loop3A_233 = arith.subi %parallel_loop3A_229, %parallel_loop3A_232 : i32
      %parallel_loop3A_234 = arith.constant 0 : i32
      %parallel_loop3A_235 = arith.cmpi sgt, %parallel_loop3A_225, %parallel_loop3A_234 : i32
      %parallel_loop3A_236 = arith.extui %parallel_loop3A_235 : i1 to i32
      %parallel_loop3A_237 = arith.constant 0 : i32
      %parallel_loop3A_238 = arith.cmpi slt, %parallel_loop3A_225, %parallel_loop3A_237 : i32
      %parallel_loop3A_239 = arith.extui %parallel_loop3A_238 : i1 to i32
      %parallel_loop3A_240 = arith.subi %parallel_loop3A_236, %parallel_loop3A_239 : i32
      %parallel_loop3A_241 = arith.cmpi ne, %parallel_loop3A_233, %parallel_loop3A_240 : i32
      %parallel_loop3A_242 = arith.remsi %parallel_loop3A_224, %parallel_loop3A_225 : i32
      %parallel_loop3A_243 = arith.constant 0 : i32
      %parallel_loop3A_244 = arith.cmpi ne, %parallel_loop3A_242, %parallel_loop3A_243 : i32
      %parallel_loop3A_245 = arith.andi %parallel_loop3A_241, %parallel_loop3A_244 : i1
      %parallel_loop3A_246 = arith.constant 1 : i32
      %parallel_loop3A_247 = arith.subi %parallel_loop3A_226, %parallel_loop3A_246 : i32
      %parallel_loop3A_248 = arith.select %parallel_loop3A_245, %parallel_loop3A_247, %parallel_loop3A_226 : i32
      %parallel_loop3A_249 = arith.constant 128 : i32
      %parallel_loop3A_250 = arith.constant 0 : i32
      %parallel_loop3A_251 = arith.cmpi eq, %parallel_loop3A_249, %parallel_loop3A_250 : i32
      %parallel_loop3A_252 = arith.constant 1 : i32
      %parallel_loop3A_253 = arith.select %parallel_loop3A_251, %parallel_loop3A_252, %parallel_loop3A_249 : i32
      %parallel_loop3A_254 = arith.remsi %parallel_loop3A_224, %parallel_loop3A_253 : i32
      %parallel_loop3A_255 = arith.constant 0 : i32
      %parallel_loop3A_256 = arith.cmpi ne, %parallel_loop3A_254, %parallel_loop3A_255 : i32
      %parallel_loop3A_257 = arith.constant 0 : i32
      %parallel_loop3A_258 = arith.cmpi slt, %parallel_loop3A_254, %parallel_loop3A_257 : i32
      %parallel_loop3A_259 = arith.constant 0 : i32
      %parallel_loop3A_260 = arith.cmpi slt, %parallel_loop3A_253, %parallel_loop3A_259 : i32
      %parallel_loop3A_261 = arith.xori %parallel_loop3A_258, %parallel_loop3A_260 : i1
      %parallel_loop3A_262 = arith.andi %parallel_loop3A_261, %parallel_loop3A_256 : i1
      %parallel_loop3A_263 = arith.addi %parallel_loop3A_254, %parallel_loop3A_253 : i32
      %parallel_loop3A_264 = arith.select %parallel_loop3A_262, %parallel_loop3A_263, %parallel_loop3A_254 : i32
      %parallel_loop3A_265 = arith.constant 16 : i32
      %parallel_loop3A_266 = arith.muli %parallel_loop3A_264, %parallel_loop3A_265 : i32
      %parallel_loop3A_267 = arith.index_cast %parallel_loop3A_248 : i32 to index
      %parallel_loop3A_268 = arith.index_cast %parallel_loop3A_266 : i32 to index
      %parallel_loop3A_269 = tpu.vector_load %arg7[%parallel_loop3A_267, %parallel_loop3A_268] {strides = array<i32>} : memref<8x2048xi32, #tpu.memory_space<vmem>>, vector<16xi32>,
      %parallel_loop3A_270 = arith.constant -121 : i32
      %parallel_loop3A_271 = vector.broadcast %parallel_loop3A_270 : i32 to vector<16xi32>
      %parallel_loop3A_272 = arith.maxsi %parallel_loop3A_269, %parallel_loop3A_271 : vector<16xi32>
      %parallel_loop3A_273 = arith.constant 126 : i32
      %parallel_loop3A_274 = vector.broadcast %parallel_loop3A_273 : i32 to vector<16xi32>
      %parallel_loop3A_275 = arith.minsi %parallel_loop3A_272, %parallel_loop3A_274 : vector<16xi32>
      %parallel_loop3A_276 = arith.constant 121 : i32
      %parallel_loop3A_277 = vector.broadcast %parallel_loop3A_276 : i32 to vector<16xi32>
      %parallel_loop3A_278 = arith.addi %parallel_loop3A_275, %parallel_loop3A_277 : vector<16xi32>
      %parallel_loop3A_279 = tpu.vector_load_idx %arg5[%parallel_loop3A_278] : memref<256xi32, #tpu.memory_space<vmem>>[vector<16xi32>], vector<16xi32>,
      %parallel_loop3A_280 = arith.index_cast %parallel_loop3A_248 : i32 to index
      %parallel_loop3A_281 = arith.index_cast %parallel_loop3A_266 : i32 to index
      %parallel_loop3A_282 = tpu.vector_load %arg11[%parallel_loop3A_280, %parallel_loop3A_281] {strides = array<i32>} : memref<8x2048xi32, #tpu.memory_space<vmem>>, vector<16xi32>,
      tpu.vector_store %arg11[%parallel_loop3A_280, %parallel_loop3A_281], %parallel_loop3A_279 {strides = array<i32>} : memref<8x2048xi32, #tpu.memory_space<vmem>>, vector<16xi32>,
    } {sc.loop_unroll_factor = 8 : i64, sc.parallel_access}
    %add3A_78 = arith.constant 16 : i32
    %add3A_79 = arith.addi %mul3A_2, %add3A_78 : i32
    %dma_start3A_80 = arith.constant 0 : i32
    %dma_start3A_81 = tpu.memref_slice %arg4[%add3A_79, %dma_start3A_80] : memref<16384x2048xi32, #tpu.memory_space<hbm>> -> memref<8x2048xi32, #tpu.memory_space<hbm>>
    %dma_start3A_82 = arith.constant 0 : i32
    %dma_start3A_83 = tpu.memref_slice %arg4[%add3A_79, %dma_start3A_82] : memref<16384x2048xi32, #tpu.memory_space<hbm>> -> memref<8x2048xi32, #tpu.memory_space<hbm>>
    tpu.enqueue_dma source(%arg10 : memref<8x2048xi32, #tpu.memory_space<vmem>>) target(%dma_start3A_83 : memref<8x2048xi32, #tpu.memory_space<hbm>>) target_semaphore(%arg16 : memref<!tpu.dma_semaphore, #tpu.memory_space<semaphore_mem>>)
    %add3A_84 = arith.constant 40 : i32
    %add3A_85 = arith.addi %mul3A_2, %add3A_84 : i32
    %dma_start3A_86 = arith.constant 0 : i32
    %dma_start3A_87 = tpu.memref_slice %arg2[%add3A_85, %dma_start3A_86] : memref<16384x2048xi32, #tpu.memory_space<hbm>> -> memref<8x2048xi32, #tpu.memory_space<hbm>>
    %dma_start3A_88 = arith.constant 0 : i32
    %dma_start3A_89 = tpu.memref_slice %arg2[%add3A_85, %dma_start3A_88] : memref<16384x2048xi32, #tpu.memory_space<hbm>> -> memref<8x2048xi32, #tpu.memory_space<hbm>>
    tpu.enqueue_dma source(%dma_start3A_89 : memref<8x2048xi32, #tpu.memory_space<hbm>>) target(%arg7 : memref<8x2048xi32, #tpu.memory_space<vmem>>) target_semaphore(%arg13 : memref<!tpu.dma_semaphore, #tpu.memory_space<semaphore_mem>>)
    %scan3A = arith.constant 0 : i32
    %scan3A_90 = arith.constant 1 : i32
    %scan3A_91 = arith.constant 14 : i32
    %scan3A_92 = arith.addi %scan3A_90, %scan3A_91 : i32
    %scan3A_93 = arith.constant 1 : i32
    scf.for %scan3A_224 = %scan3A_90 to %scan3A_92 step %scan3A_93  : i32 {
      %mul3A_225 = arith.constant 4 : i32
      %mul3A_226 = arith.muli %mul3A_225, %scan3A_224 : i32
      %add3A_227 = arith.constant 0 : i32
      %add3A_228 = arith.addi %mul3A_226, %add3A_227 : i32
      %mul3A_229 = arith.constant 8 : i32
      %mul3A_230 = arith.muli %add3A_228, %mul3A_229 : i32
      %add3A_231 = arith.addi %mul3A_2, %mul3A_230 : i32
      %dma_wait3A_232 = arith.constant 0 : i32
      %dma_wait3A_233 = tpu.memref_slice %arg2[%add3A_231, %dma_wait3A_232] : memref<16384x2048xi32, #tpu.memory_space<hbm>> -> memref<8x2048xi32, #tpu.memory_space<hbm>>
      %dma_wait3A_234 = arith.constant 0 : i32
      %dma_wait3A_235 = tpu.memref_slice %arg2[%add3A_231, %dma_wait3A_234] : memref<16384x2048xi32, #tpu.memory_space<hbm>> -> memref<8x2048xi32, #tpu.memory_space<hbm>>
      tpu.wait_dma2 semaphore(%arg12 : memref<!tpu.dma_semaphore, #tpu.memory_space<semaphore_mem>>) src(%dma_wait3A_235 : memref<8x2048xi32, #tpu.memory_space<hbm>>) dst(%arg6 : memref<8x2048xi32, #tpu.memory_space<vmem>>)
      %sub3A = arith.constant 4 : i32
      %sub3A_236 = arith.subi %add3A_228, %sub3A : i32
      %mul3A_237 = arith.constant 8 : i32
      %mul3A_238 = arith.muli %sub3A_236, %mul3A_237 : i32
      %add3A_239 = arith.addi %mul3A_2, %mul3A_238 : i32
      %dma_wait3A_240 = arith.constant 0 : i32
      %dma_wait3A_241 = tpu.memref_slice %arg4[%add3A_239, %dma_wait3A_240] : memref<16384x2048xi32, #tpu.memory_space<hbm>> -> memref<8x2048xi32, #tpu.memory_space<hbm>>
      %dma_wait3A_242 = arith.constant 0 : i32
      %dma_wait3A_243 = tpu.memref_slice %arg4[%add3A_239, %dma_wait3A_242] : memref<16384x2048xi32, #tpu.memory_space<hbm>> -> memref<8x2048xi32, #tpu.memory_space<hbm>>
      tpu.wait_dma2 semaphore(%arg14 : memref<!tpu.dma_semaphore, #tpu.memory_space<semaphore_mem>>) src(%arg8 : memref<8x2048xi32, #tpu.memory_space<vmem>>) dst(%dma_wait3A_243 : memref<8x2048xi32, #tpu.memory_space<hbm>>)
      %parallel_loop3A_244 = arith.constant 0 : i32
      %parallel_loop3A_245 = arith.constant 1024 : i32
      %parallel_loop3A_246 = arith.constant 1 : i32
      scf.for %parallel_loop3A_388 = %parallel_loop3A_244 to %parallel_loop3A_245 step %parallel_loop3A_246  : i32 {
        %parallel_loop3A_389 = arith.constant 128 : i32
        %parallel_loop3A_390 = arith.divsi %parallel_loop3A_388, %parallel_loop3A_389 : i32
        %parallel_loop3A_391 = arith.constant 0 : i32
        %parallel_loop3A_392 = arith.cmpi sgt, %parallel_loop3A_388, %parallel_loop3A_391 : i32
        %parallel_loop3A_393 = arith.extui %parallel_loop3A_392 : i1 to i32
        %parallel_loop3A_394 = arith.constant 0 : i32
        %parallel_loop3A_395 = arith.cmpi slt, %parallel_loop3A_388, %parallel_loop3A_394 : i32
        %parallel_loop3A_396 = arith.extui %parallel_loop3A_395 : i1 to i32
        %parallel_loop3A_397 = arith.subi %parallel_loop3A_393, %parallel_loop3A_396 : i32
        %parallel_loop3A_398 = arith.constant 0 : i32
        %parallel_loop3A_399 = arith.cmpi sgt, %parallel_loop3A_389, %parallel_loop3A_398 : i32
        %parallel_loop3A_400 = arith.extui %parallel_loop3A_399 : i1 to i32
        %parallel_loop3A_401 = arith.constant 0 : i32
        %parallel_loop3A_402 = arith.cmpi slt, %parallel_loop3A_389, %parallel_loop3A_401 : i32
        %parallel_loop3A_403 = arith.extui %parallel_loop3A_402 : i1 to i32
        %parallel_loop3A_404 = arith.subi %parallel_loop3A_400, %parallel_loop3A_403 : i32
        %parallel_loop3A_405 = arith.cmpi ne, %parallel_loop3A_397, %parallel_loop3A_404 : i32
        %parallel_loop3A_406 = arith.remsi %parallel_loop3A_388, %parallel_loop3A_389 : i32
        %parallel_loop3A_407 = arith.constant 0 : i32
        %parallel_loop3A_408 = arith.cmpi ne, %parallel_loop3A_406, %parallel_loop3A_407 : i32
        %parallel_loop3A_409 = arith.andi %parallel_loop3A_405, %parallel_loop3A_408 : i1
        %parallel_loop3A_410 = arith.constant 1 : i32
        %parallel_loop3A_411 = arith.subi %parallel_loop3A_390, %parallel_loop3A_410 : i32
        %parallel_loop3A_412 = arith.select %parallel_loop3A_409, %parallel_loop3A_411, %parallel_loop3A_390 : i32
        %parallel_loop3A_413 = arith.constant 128 : i32
        %parallel_loop3A_414 = arith.constant 0 : i32
        %parallel_loop3A_415 = arith.cmpi eq, %parallel_loop3A_413, %parallel_loop3A_414 : i32
        %parallel_loop3A_416 = arith.constant 1 : i32
        %parallel_loop3A_417 = arith.select %parallel_loop3A_415, %parallel_loop3A_416, %parallel_loop3A_413 : i32
        %parallel_loop3A_418 = arith.remsi %parallel_loop3A_388, %parallel_loop3A_417 : i32
        %parallel_loop3A_419 = arith.constant 0 : i32
        %parallel_loop3A_420 = arith.cmpi ne, %parallel_loop3A_418, %parallel_loop3A_419 : i32
        %parallel_loop3A_421 = arith.constant 0 : i32
        %parallel_loop3A_422 = arith.cmpi slt, %parallel_loop3A_418, %parallel_loop3A_421 : i32
        %parallel_loop3A_423 = arith.constant 0 : i32
        %parallel_loop3A_424 = arith.cmpi slt, %parallel_loop3A_417, %parallel_loop3A_423 : i32
        %parallel_loop3A_425 = arith.xori %parallel_loop3A_422, %parallel_loop3A_424 : i1
        %parallel_loop3A_426 = arith.andi %parallel_loop3A_425, %parallel_loop3A_420 : i1
        %parallel_loop3A_427 = arith.addi %parallel_loop3A_418, %parallel_loop3A_417 : i32
        %parallel_loop3A_428 = arith.select %parallel_loop3A_426, %parallel_loop3A_427, %parallel_loop3A_418 : i32
        %parallel_loop3A_429 = arith.constant 16 : i32
        %parallel_loop3A_430 = arith.muli %parallel_loop3A_428, %parallel_loop3A_429 : i32
        %parallel_loop3A_431 = arith.index_cast %parallel_loop3A_412 : i32 to index
        %parallel_loop3A_432 = arith.index_cast %parallel_loop3A_430 : i32 to index
        %parallel_loop3A_433 = tpu.vector_load %arg6[%parallel_loop3A_431, %parallel_loop3A_432] {strides = array<i32>} : memref<8x2048xi32, #tpu.memory_space<vmem>>, vector<16xi32>,
        %parallel_loop3A_434 = arith.constant -121 : i32
        %parallel_loop3A_435 = vector.broadcast %parallel_loop3A_434 : i32 to vector<16xi32>
        %parallel_loop3A_436 = arith.maxsi %parallel_loop3A_433, %parallel_loop3A_435 : vector<16xi32>
        %parallel_loop3A_437 = arith.constant 126 : i32
        %parallel_loop3A_438 = vector.broadcast %parallel_loop3A_437 : i32 to vector<16xi32>
        %parallel_loop3A_439 = arith.minsi %parallel_loop3A_436, %parallel_loop3A_438 : vector<16xi32>
        %parallel_loop3A_440 = arith.constant 121 : i32
        %parallel_loop3A_441 = vector.broadcast %parallel_loop3A_440 : i32 to vector<16xi32>
        %parallel_loop3A_442 = arith.addi %parallel_loop3A_439, %parallel_loop3A_441 : vector<16xi32>
        %parallel_loop3A_443 = tpu.vector_load_idx %arg5[%parallel_loop3A_442] : memref<256xi32, #tpu.memory_space<vmem>>[vector<16xi32>], vector<16xi32>,
        %parallel_loop3A_444 = arith.index_cast %parallel_loop3A_412 : i32 to index
        %parallel_loop3A_445 = arith.index_cast %parallel_loop3A_430 : i32 to index
        %parallel_loop3A_446 = tpu.vector_load %arg8[%parallel_loop3A_444, %parallel_loop3A_445] {strides = array<i32>} : memref<8x2048xi32, #tpu.memory_space<vmem>>, vector<16xi32>,
        tpu.vector_store %arg8[%parallel_loop3A_444, %parallel_loop3A_445], %parallel_loop3A_443 {strides = array<i32>} : memref<8x2048xi32, #tpu.memory_space<vmem>>, vector<16xi32>,
      } {sc.loop_unroll_factor = 8 : i64, sc.parallel_access}
      %sub3A_247 = arith.constant 1 : i32
      %sub3A_248 = arith.subi %add3A_228, %sub3A_247 : i32
      %mul3A_249 = arith.constant 8 : i32
      %mul3A_250 = arith.muli %sub3A_248, %mul3A_249 : i32
      %add3A_251 = arith.addi %mul3A_2, %mul3A_250 : i32
      %dma_start3A_252 = arith.constant 0 : i32
      %dma_start3A_253 = tpu.memref_slice %arg4[%add3A_251, %dma_start3A_252] : memref<16384x2048xi32, #tpu.memory_space<hbm>> -> memref<8x2048xi32, #tpu.memory_space<hbm>>
      %dma_start3A_254 = arith.constant 0 : i32
      %dma_start3A_255 = tpu.memref_slice %arg4[%add3A_251, %dma_start3A_254] : memref<16384x2048xi32, #tpu.memory_space<hbm>> -> memref<8x2048xi32, #tpu.memory_space<hbm>>
      tpu.enqueue_dma source(%arg11 : memref<8x2048xi32, #tpu.memory_space<vmem>>) target(%dma_start3A_255 : memref<8x2048xi32, #tpu.memory_space<hbm>>) target_semaphore(%arg17 : memref<!tpu.dma_semaphore, #tpu.memory_space<semaphore_mem>>)
      %add3A_256 = arith.constant 2 : i32
      %add3A_257 = arith.addi %add3A_228, %add3A_256 : i32
      %mul3A_258 = arith.constant 8 : i32
      %mul3A_259 = arith.muli %add3A_257, %mul3A_258 : i32
      %add3A_260 = arith.addi %mul3A_2, %mul3A_259 : i32
      %dma_start3A_261 = arith.constant 0 : i32
      %dma_start3A_262 = tpu.memref_slice %arg2[%add3A_260, %dma_start3A_261] : memref<16384x2048xi32, #tpu.memory_space<hbm>> -> memref<8x2048xi32, #tpu.memory_space<hbm>>
      %dma_start3A_263 = arith.constant 0 : i32
      %dma_start3A_264 = tpu.memref_slice %arg2[%add3A_260, %dma_start3A_263] : memref<16384x2048xi32, #tpu.memory_space<hbm>> -> memref<8x2048xi32, #tpu.memory_space<hbm>>
      tpu.enqueue_dma source(%dma_start3A_264 : memref<8x2048xi32, #tpu.memory_space<hbm>>) target(%arg6 : memref<8x2048xi32, #tpu.memory_space<vmem>>) target_semaphore(%arg12 : memref<!tpu.dma_semaphore, #tpu.memory_space<semaphore_mem>>)
      %mul3A_265 = arith.constant 4 : i32
      %mul3A_266 = arith.muli %mul3A_265, %scan3A_224 : i32
      %add3A_267 = arith.constant 1 : i32
      %add3A_268 = arith.addi %mul3A_266, %add3A_267 : i32
      %mul3A_269 = arith.constant 8 : i32
      %mul3A_270 = arith.muli %add3A_268, %mul3A_269 : i32
      %add3A_271 = arith.addi %mul3A_2, %mul3A_270 : i32
      %dma_wait3A_272 = arith.constant 0 : i32
      %dma_wait3A_273 = tpu.memref_slice %arg2[%add3A_271, %dma_wait3A_272] : memref<16384x2048xi32, #tpu.memory_space<hbm>> -> memref<8x2048xi32, #tpu.memory_space<hbm>>
      %dma_wait3A_274 = arith.constant 0 : i32
      %dma_wait3A_275 = tpu.memref_slice %arg2[%add3A_271, %dma_wait3A_274] : memref<16384x2048xi32, #tpu.memory_space<hbm>> -> memref<8x2048xi32, #tpu.memory_space<hbm>>
      tpu.wait_dma2 semaphore(%arg13 : memref<!tpu.dma_semaphore, #tpu.memory_space<semaphore_mem>>) src(%dma_wait3A_275 : memref<8x2048xi32, #tpu.memory_space<hbm>>) dst(%arg7 : memref<8x2048xi32, #tpu.memory_space<vmem>>)
      %sub3A_276 = arith.constant 4 : i32
      %sub3A_277 = arith.subi %add3A_268, %sub3A_276 : i32
      %mul3A_278 = arith.constant 8 : i32
      %mul3A_279 = arith.muli %sub3A_277, %mul3A_278 : i32
      %add3A_280 = arith.addi %mul3A_2, %mul3A_279 : i32
      %dma_wait3A_281 = arith.constant 0 : i32
      %dma_wait3A_282 = tpu.memref_slice %arg4[%add3A_280, %dma_wait3A_281] : memref<16384x2048xi32, #tpu.memory_space<hbm>> -> memref<8x2048xi32, #tpu.memory_space<hbm>>
      %dma_wait3A_283 = arith.constant 0 : i32
      %dma_wait3A_284 = tpu.memref_slice %arg4[%add3A_280, %dma_wait3A_283] : memref<16384x2048xi32, #tpu.memory_space<hbm>> -> memref<8x2048xi32, #tpu.memory_space<hbm>>
      tpu.wait_dma2 semaphore(%arg15 : memref<!tpu.dma_semaphore, #tpu.memory_space<semaphore_mem>>) src(%arg9 : memref<8x2048xi32, #tpu.memory_space<vmem>>) dst(%dma_wait3A_284 : memref<8x2048xi32, #tpu.memory_space<hbm>>)
      %parallel_loop3A_285 = arith.constant 0 : i32
      %parallel_loop3A_286 = arith.constant 1024 : i32
      %parallel_loop3A_287 = arith.constant 1 : i32
      scf.for %parallel_loop3A_388 = %parallel_loop3A_285 to %parallel_loop3A_286 step %parallel_loop3A_287  : i32 {
        %parallel_loop3A_389 = arith.constant 128 : i32
        %parallel_loop3A_390 = arith.divsi %parallel_loop3A_388, %parallel_loop3A_389 : i32
        %parallel_loop3A_391 = arith.constant 0 : i32
        %parallel_loop3A_392 = arith.cmpi sgt, %parallel_loop3A_388, %parallel_loop3A_391 : i32
        %parallel_loop3A_393 = arith.extui %parallel_loop3A_392 : i1 to i32
        %parallel_loop3A_394 = arith.constant 0 : i32
        %parallel_loop3A_395 = arith.cmpi slt, %parallel_loop3A_388, %parallel_loop3A_394 : i32
        %parallel_loop3A_396 = arith.extui %parallel_loop3A_395 : i1 to i32
        %parallel_loop3A_397 = arith.subi %parallel_loop3A_393, %parallel_loop3A_396 : i32
        %parallel_loop3A_398 = arith.constant 0 : i32
        %parallel_loop3A_399 = arith.cmpi sgt, %parallel_loop3A_389, %parallel_loop3A_398 : i32
        %parallel_loop3A_400 = arith.extui %parallel_loop3A_399 : i1 to i32
        %parallel_loop3A_401 = arith.constant 0 : i32
        %parallel_loop3A_402 = arith.cmpi slt, %parallel_loop3A_389, %parallel_loop3A_401 : i32
        %parallel_loop3A_403 = arith.extui %parallel_loop3A_402 : i1 to i32
        %parallel_loop3A_404 = arith.subi %parallel_loop3A_400, %parallel_loop3A_403 : i32
        %parallel_loop3A_405 = arith.cmpi ne, %parallel_loop3A_397, %parallel_loop3A_404 : i32
        %parallel_loop3A_406 = arith.remsi %parallel_loop3A_388, %parallel_loop3A_389 : i32
        %parallel_loop3A_407 = arith.constant 0 : i32
        %parallel_loop3A_408 = arith.cmpi ne, %parallel_loop3A_406, %parallel_loop3A_407 : i32
        %parallel_loop3A_409 = arith.andi %parallel_loop3A_405, %parallel_loop3A_408 : i1
        %parallel_loop3A_410 = arith.constant 1 : i32
        %parallel_loop3A_411 = arith.subi %parallel_loop3A_390, %parallel_loop3A_410 : i32
        %parallel_loop3A_412 = arith.select %parallel_loop3A_409, %parallel_loop3A_411, %parallel_loop3A_390 : i32
        %parallel_loop3A_413 = arith.constant 128 : i32
        %parallel_loop3A_414 = arith.constant 0 : i32
        %parallel_loop3A_415 = arith.cmpi eq, %parallel_loop3A_413, %parallel_loop3A_414 : i32
        %parallel_loop3A_416 = arith.constant 1 : i32
        %parallel_loop3A_417 = arith.select %parallel_loop3A_415, %parallel_loop3A_416, %parallel_loop3A_413 : i32
        %parallel_loop3A_418 = arith.remsi %parallel_loop3A_388, %parallel_loop3A_417 : i32
        %parallel_loop3A_419 = arith.constant 0 : i32
        %parallel_loop3A_420 = arith.cmpi ne, %parallel_loop3A_418, %parallel_loop3A_419 : i32
        %parallel_loop3A_421 = arith.constant 0 : i32
        %parallel_loop3A_422 = arith.cmpi slt, %parallel_loop3A_418, %parallel_loop3A_421 : i32
        %parallel_loop3A_423 = arith.constant 0 : i32
        %parallel_loop3A_424 = arith.cmpi slt, %parallel_loop3A_417, %parallel_loop3A_423 : i32
        %parallel_loop3A_425 = arith.xori %parallel_loop3A_422, %parallel_loop3A_424 : i1
        %parallel_loop3A_426 = arith.andi %parallel_loop3A_425, %parallel_loop3A_420 : i1
        %parallel_loop3A_427 = arith.addi %parallel_loop3A_418, %parallel_loop3A_417 : i32
        %parallel_loop3A_428 = arith.select %parallel_loop3A_426, %parallel_loop3A_427, %parallel_loop3A_418 : i32
        %parallel_loop3A_429 = arith.constant 16 : i32
        %parallel_loop3A_430 = arith.muli %parallel_loop3A_428, %parallel_loop3A_429 : i32
        %parallel_loop3A_431 = arith.index_cast %parallel_loop3A_412 : i32 to index
        %parallel_loop3A_432 = arith.index_cast %parallel_loop3A_430 : i32 to index
        %parallel_loop3A_433 = tpu.vector_load %arg7[%parallel_loop3A_431, %parallel_loop3A_432] {strides = array<i32>} : memref<8x2048xi32, #tpu.memory_space<vmem>>, vector<16xi32>,
        %parallel_loop3A_434 = arith.constant -121 : i32
        %parallel_loop3A_435 = vector.broadcast %parallel_loop3A_434 : i32 to vector<16xi32>
        %parallel_loop3A_436 = arith.maxsi %parallel_loop3A_433, %parallel_loop3A_435 : vector<16xi32>
        %parallel_loop3A_437 = arith.constant 126 : i32
        %parallel_loop3A_438 = vector.broadcast %parallel_loop3A_437 : i32 to vector<16xi32>
        %parallel_loop3A_439 = arith.minsi %parallel_loop3A_436, %parallel_loop3A_438 : vector<16xi32>
        %parallel_loop3A_440 = arith.constant 121 : i32
        %parallel_loop3A_441 = vector.broadcast %parallel_loop3A_440 : i32 to vector<16xi32>
        %parallel_loop3A_442 = arith.addi %parallel_loop3A_439, %parallel_loop3A_441 : vector<16xi32>
        %parallel_loop3A_443 = tpu.vector_load_idx %arg5[%parallel_loop3A_442] : memref<256xi32, #tpu.memory_space<vmem>>[vector<16xi32>], vector<16xi32>,
        %parallel_loop3A_444 = arith.index_cast %parallel_loop3A_412 : i32 to index
        %parallel_loop3A_445 = arith.index_cast %parallel_loop3A_430 : i32 to index
        %parallel_loop3A_446 = tpu.vector_load %arg9[%parallel_loop3A_444, %parallel_loop3A_445] {strides = array<i32>} : memref<8x2048xi32, #tpu.memory_space<vmem>>, vector<16xi32>,
        tpu.vector_store %arg9[%parallel_loop3A_444, %parallel_loop3A_445], %parallel_loop3A_443 {strides = array<i32>} : memref<8x2048xi32, #tpu.memory_space<vmem>>, vector<16xi32>,
      } {sc.loop_unroll_factor = 8 : i64, sc.parallel_access}
      %sub3A_288 = arith.constant 1 : i32
      %sub3A_289 = arith.subi %add3A_268, %sub3A_288 : i32
      %mul3A_290 = arith.constant 8 : i32
      %mul3A_291 = arith.muli %sub3A_289, %mul3A_290 : i32
      %add3A_292 = arith.addi %mul3A_2, %mul3A_291 : i32
      %dma_start3A_293 = arith.constant 0 : i32
      %dma_start3A_294 = tpu.memref_slice %arg4[%add3A_292, %dma_start3A_293] : memref<16384x2048xi32, #tpu.memory_space<hbm>> -> memref<8x2048xi32, #tpu.memory_space<hbm>>
      %dma_start3A_295 = arith.constant 0 : i32
      %dma_start3A_296 = tpu.memref_slice %arg4[%add3A_292, %dma_start3A_295] : memref<16384x2048xi32, #tpu.memory_space<hbm>> -> memref<8x2048xi32, #tpu.memory_space<hbm>>
      tpu.enqueue_dma source(%arg8 : memref<8x2048xi32, #tpu.memory_space<vmem>>) target(%dma_start3A_296 : memref<8x2048xi32, #tpu.memory_space<hbm>>) target_semaphore(%arg14 : memref<!tpu.dma_semaphore, #tpu.memory_space<semaphore_mem>>)
      %add3A_297 = arith.constant 2 : i32
      %add3A_298 = arith.addi %add3A_268, %add3A_297 : i32
      %mul3A_299 = arith.constant 8 : i32
      %mul3A_300 = arith.muli %add3A_298, %mul3A_299 : i32
      %add3A_301 = arith.addi %mul3A_2, %mul3A_300 : i32
      %dma_start3A_302 = arith.constant 0 : i32
      %dma_start3A_303 = tpu.memref_slice %arg2[%add3A_301, %dma_start3A_302] : memref<16384x2048xi32, #tpu.memory_space<hbm>> -> memref<8x2048xi32, #tpu.memory_space<hbm>>
      %dma_start3A_304 = arith.constant 0 : i32
      %dma_start3A_305 = tpu.memref_slice %arg2[%add3A_301, %dma_start3A_304] : memref<16384x2048xi32, #tpu.memory_space<hbm>> -> memref<8x2048xi32, #tpu.memory_space<hbm>>
      tpu.enqueue_dma source(%dma_start3A_305 : memref<8x2048xi32, #tpu.memory_space<hbm>>) target(%arg7 : memref<8x2048xi32, #tpu.memory_space<vmem>>) target_semaphore(%arg13 : memref<!tpu.dma_semaphore, #tpu.memory_space<semaphore_mem>>)
      %mul3A_306 = arith.constant 4 : i32
      %mul3A_307 = arith.muli %mul3A_306, %scan3A_224 : i32
      %add3A_308 = arith.constant 2 : i32
      %add3A_309 = arith.addi %mul3A_307, %add3A_308 : i32
      %mul3A_310 = arith.constant 8 : i32
      %mul3A_311 = arith.muli %add3A_309, %mul3A_310 : i32
      %add3A_312 = arith.addi %mul3A_2, %mul3A_311 : i32
      %dma_wait3A_313 = arith.constant 0 : i32
      %dma_wait3A_314 = tpu.memref_slice %arg2[%add3A_312, %dma_wait3A_313] : memref<16384x2048xi32, #tpu.memory_space<hbm>> -> memref<8x2048xi32, #tpu.memory_space<hbm>>
      %dma_wait3A_315 = arith.constant 0 : i32
      %dma_wait3A_316 = tpu.memref_slice %arg2[%add3A_312, %dma_wait3A_315] : memref<16384x2048xi32, #tpu.memory_space<hbm>> -> memref<8x2048xi32, #tpu.memory_space<hbm>>
      tpu.wait_dma2 semaphore(%arg12 : memref<!tpu.dma_semaphore, #tpu.memory_space<semaphore_mem>>) src(%dma_wait3A_316 : memref<8x2048xi32, #tpu.memory_space<hbm>>) dst(%arg6 : memref<8x2048xi32, #tpu.memory_space<vmem>>)
      %sub3A_317 = arith.constant 4 : i32
      %sub3A_318 = arith.subi %add3A_309, %sub3A_317 : i32
      %mul3A_319 = arith.constant 8 : i32
      %mul3A_320 = arith.muli %sub3A_318, %mul3A_319 : i32
      %add3A_321 = arith.addi %mul3A_2, %mul3A_320 : i32
      %dma_wait3A_322 = arith.constant 0 : i32
      %dma_wait3A_323 = tpu.memref_slice %arg4[%add3A_321, %dma_wait3A_322] : memref<16384x2048xi32, #tpu.memory_space<hbm>> -> memref<8x2048xi32, #tpu.memory_space<hbm>>
      %dma_wait3A_324 = arith.constant 0 : i32
      %dma_wait3A_325 = tpu.memref_slice %arg4[%add3A_321, %dma_wait3A_324] : memref<16384x2048xi32, #tpu.memory_space<hbm>> -> memref<8x2048xi32, #tpu.memory_space<hbm>>
      tpu.wait_dma2 semaphore(%arg16 : memref<!tpu.dma_semaphore, #tpu.memory_space<semaphore_mem>>) src(%arg10 : memref<8x2048xi32, #tpu.memory_space<vmem>>) dst(%dma_wait3A_325 : memref<8x2048xi32, #tpu.memory_space<hbm>>)
      %parallel_loop3A_326 = arith.constant 0 : i32
      %parallel_loop3A_327 = arith.constant 1024 : i32
      %parallel_loop3A_328 = arith.constant 1 : i32
      scf.for %parallel_loop3A_388 = %parallel_loop3A_326 to %parallel_loop3A_327 step %parallel_loop3A_328  : i32 {
        %parallel_loop3A_389 = arith.constant 128 : i32
        %parallel_loop3A_390 = arith.divsi %parallel_loop3A_388, %parallel_loop3A_389 : i32
        %parallel_loop3A_391 = arith.constant 0 : i32
        %parallel_loop3A_392 = arith.cmpi sgt, %parallel_loop3A_388, %parallel_loop3A_391 : i32
        %parallel_loop3A_393 = arith.extui %parallel_loop3A_392 : i1 to i32
        %parallel_loop3A_394 = arith.constant 0 : i32
        %parallel_loop3A_395 = arith.cmpi slt, %parallel_loop3A_388, %parallel_loop3A_394 : i32
        %parallel_loop3A_396 = arith.extui %parallel_loop3A_395 : i1 to i32
        %parallel_loop3A_397 = arith.subi %parallel_loop3A_393, %parallel_loop3A_396 : i32
        %parallel_loop3A_398 = arith.constant 0 : i32
        %parallel_loop3A_399 = arith.cmpi sgt, %parallel_loop3A_389, %parallel_loop3A_398 : i32
        %parallel_loop3A_400 = arith.extui %parallel_loop3A_399 : i1 to i32
        %parallel_loop3A_401 = arith.constant 0 : i32
        %parallel_loop3A_402 = arith.cmpi slt, %parallel_loop3A_389, %parallel_loop3A_401 : i32
        %parallel_loop3A_403 = arith.extui %parallel_loop3A_402 : i1 to i32
        %parallel_loop3A_404 = arith.subi %parallel_loop3A_400, %parallel_loop3A_403 : i32
        %parallel_loop3A_405 = arith.cmpi ne, %parallel_loop3A_397, %parallel_loop3A_404 : i32
        %parallel_loop3A_406 = arith.remsi %parallel_loop3A_388, %parallel_loop3A_389 : i32
        %parallel_loop3A_407 = arith.constant 0 : i32
        %parallel_loop3A_408 = arith.cmpi ne, %parallel_loop3A_406, %parallel_loop3A_407 : i32
        %parallel_loop3A_409 = arith.andi %parallel_loop3A_405, %parallel_loop3A_408 : i1
        %parallel_loop3A_410 = arith.constant 1 : i32
        %parallel_loop3A_411 = arith.subi %parallel_loop3A_390, %parallel_loop3A_410 : i32
        %parallel_loop3A_412 = arith.select %parallel_loop3A_409, %parallel_loop3A_411, %parallel_loop3A_390 : i32
        %parallel_loop3A_413 = arith.constant 128 : i32
        %parallel_loop3A_414 = arith.constant 0 : i32
        %parallel_loop3A_415 = arith.cmpi eq, %parallel_loop3A_413, %parallel_loop3A_414 : i32
        %parallel_loop3A_416 = arith.constant 1 : i32
        %parallel_loop3A_417 = arith.select %parallel_loop3A_415, %parallel_loop3A_416, %parallel_loop3A_413 : i32
        %parallel_loop3A_418 = arith.remsi %parallel_loop3A_388, %parallel_loop3A_417 : i32
        %parallel_loop3A_419 = arith.constant 0 : i32
        %parallel_loop3A_420 = arith.cmpi ne, %parallel_loop3A_418, %parallel_loop3A_419 : i32
        %parallel_loop3A_421 = arith.constant 0 : i32
        %parallel_loop3A_422 = arith.cmpi slt, %parallel_loop3A_418, %parallel_loop3A_421 : i32
        %parallel_loop3A_423 = arith.constant 0 : i32
        %parallel_loop3A_424 = arith.cmpi slt, %parallel_loop3A_417, %parallel_loop3A_423 : i32
        %parallel_loop3A_425 = arith.xori %parallel_loop3A_422, %parallel_loop3A_424 : i1
        %parallel_loop3A_426 = arith.andi %parallel_loop3A_425, %parallel_loop3A_420 : i1
        %parallel_loop3A_427 = arith.addi %parallel_loop3A_418, %parallel_loop3A_417 : i32
        %parallel_loop3A_428 = arith.select %parallel_loop3A_426, %parallel_loop3A_427, %parallel_loop3A_418 : i32
        %parallel_loop3A_429 = arith.constant 16 : i32
        %parallel_loop3A_430 = arith.muli %parallel_loop3A_428, %parallel_loop3A_429 : i32
        %parallel_loop3A_431 = arith.index_cast %parallel_loop3A_412 : i32 to index
        %parallel_loop3A_432 = arith.index_cast %parallel_loop3A_430 : i32 to index
        %parallel_loop3A_433 = tpu.vector_load %arg6[%parallel_loop3A_431, %parallel_loop3A_432] {strides = array<i32>} : memref<8x2048xi32, #tpu.memory_space<vmem>>, vector<16xi32>,
        %parallel_loop3A_434 = arith.constant -121 : i32
        %parallel_loop3A_435 = vector.broadcast %parallel_loop3A_434 : i32 to vector<16xi32>
        %parallel_loop3A_436 = arith.maxsi %parallel_loop3A_433, %parallel_loop3A_435 : vector<16xi32>
        %parallel_loop3A_437 = arith.constant 126 : i32
        %parallel_loop3A_438 = vector.broadcast %parallel_loop3A_437 : i32 to vector<16xi32>
        %parallel_loop3A_439 = arith.minsi %parallel_loop3A_436, %parallel_loop3A_438 : vector<16xi32>
        %parallel_loop3A_440 = arith.constant 121 : i32
        %parallel_loop3A_441 = vector.broadcast %parallel_loop3A_440 : i32 to vector<16xi32>
        %parallel_loop3A_442 = arith.addi %parallel_loop3A_439, %parallel_loop3A_441 : vector<16xi32>
        %parallel_loop3A_443 = tpu.vector_load_idx %arg5[%parallel_loop3A_442] : memref<256xi32, #tpu.memory_space<vmem>>[vector<16xi32>], vector<16xi32>,
        %parallel_loop3A_444 = arith.index_cast %parallel_loop3A_412 : i32 to index
        %parallel_loop3A_445 = arith.index_cast %parallel_loop3A_430 : i32 to index
        %parallel_loop3A_446 = tpu.vector_load %arg10[%parallel_loop3A_444, %parallel_loop3A_445] {strides = array<i32>} : memref<8x2048xi32, #tpu.memory_space<vmem>>, vector<16xi32>,
        tpu.vector_store %arg10[%parallel_loop3A_444, %parallel_loop3A_445], %parallel_loop3A_443 {strides = array<i32>} : memref<8x2048xi32, #tpu.memory_space<vmem>>, vector<16xi32>,
      } {sc.loop_unroll_factor = 8 : i64, sc.parallel_access}
      %sub3A_329 = arith.constant 1 : i32
      %sub3A_330 = arith.subi %add3A_309, %sub3A_329 : i32
      %mul3A_331 = arith.constant 8 : i32
      %mul3A_332 = arith.muli %sub3A_330, %mul3A_331 : i32
      %add3A_333 = arith.addi %mul3A_2, %mul3A_332 : i32
      %dma_start3A_334 = arith.constant 0 : i32
      %dma_start3A_335 = tpu.memref_slice %arg4[%add3A_333, %dma_start3A_334] : memref<16384x2048xi32, #tpu.memory_space<hbm>> -> memref<8x2048xi32, #tpu.memory_space<hbm>>
      %dma_start3A_336 = arith.constant 0 : i32
      %dma_start3A_337 = tpu.memref_slice %arg4[%add3A_333, %dma_start3A_336] : memref<16384x2048xi32, #tpu.memory_space<hbm>> -> memref<8x2048xi32, #tpu.memory_space<hbm>>
      tpu.enqueue_dma source(%arg9 : memref<8x2048xi32, #tpu.memory_space<vmem>>) target(%dma_start3A_337 : memref<8x2048xi32, #tpu.memory_space<hbm>>) target_semaphore(%arg15 : memref<!tpu.dma_semaphore, #tpu.memory_space<semaphore_mem>>)
      %add3A_338 = arith.constant 2 : i32
      %add3A_339 = arith.addi %add3A_309, %add3A_338 : i32
      %mul3A_340 = arith.constant 8 : i32
      %mul3A_341 = arith.muli %add3A_339, %mul3A_340 : i32
      %add3A_342 = arith.addi %mul3A_2, %mul3A_341 : i32
      %dma_start3A_343 = arith.constant 0 : i32
      %dma_start3A_344 = tpu.memref_slice %arg2[%add3A_342, %dma_start3A_343] : memref<16384x2048xi32, #tpu.memory_space<hbm>> -> memref<8x2048xi32, #tpu.memory_space<hbm>>
      %dma_start3A_345 = arith.constant 0 : i32
      %dma_start3A_346 = tpu.memref_slice %arg2[%add3A_342, %dma_start3A_345] : memref<16384x2048xi32, #tpu.memory_space<hbm>> -> memref<8x2048xi32, #tpu.memory_space<hbm>>
      tpu.enqueue_dma source(%dma_start3A_346 : memref<8x2048xi32, #tpu.memory_space<hbm>>) target(%arg6 : memref<8x2048xi32, #tpu.memory_space<vmem>>) target_semaphore(%arg12 : memref<!tpu.dma_semaphore, #tpu.memory_space<semaphore_mem>>)
      %mul3A_347 = arith.constant 4 : i32
      %mul3A_348 = arith.muli %mul3A_347, %scan3A_224 : i32
      %add3A_349 = arith.constant 3 : i32
      %add3A_350 = arith.addi %mul3A_348, %add3A_349 : i32
      %mul3A_351 = arith.constant 8 : i32
      %mul3A_352 = arith.muli %add3A_350, %mul3A_351 : i32
      %add3A_353 = arith.addi %mul3A_2, %mul3A_352 : i32
      %dma_wait3A_354 = arith.constant 0 : i32
      %dma_wait3A_355 = tpu.memref_slice %arg2[%add3A_353, %dma_wait3A_354] : memref<16384x2048xi32, #tpu.memory_space<hbm>> -> memref<8x2048xi32, #tpu.memory_space<hbm>>
      %dma_wait3A_356 = arith.constant 0 : i32
      %dma_wait3A_357 = tpu.memref_slice %arg2[%add3A_353, %dma_wait3A_356] : memref<16384x2048xi32, #tpu.memory_space<hbm>> -> memref<8x2048xi32, #tpu.memory_space<hbm>>
      tpu.wait_dma2 semaphore(%arg13 : memref<!tpu.dma_semaphore, #tpu.memory_space<semaphore_mem>>) src(%dma_wait3A_357 : memref<8x2048xi32, #tpu.memory_space<hbm>>) dst(%arg7 : memref<8x2048xi32, #tpu.memory_space<vmem>>)
      %sub3A_358 = arith.constant 4 : i32
      %sub3A_359 = arith.subi %add3A_350, %sub3A_358 : i32
      %mul3A_360 = arith.constant 8 : i32
      %mul3A_361 = arith.muli %sub3A_359, %mul3A_360 : i32
      %add3A_362 = arith.addi %mul3A_2, %mul3A_361 : i32
      %dma_wait3A_363 = arith.constant 0 : i32
      %dma_wait3A_364 = tpu.memref_slice %arg4[%add3A_362, %dma_wait3A_363] : memref<16384x2048xi32, #tpu.memory_space<hbm>> -> memref<8x2048xi32, #tpu.memory_space<hbm>>
      %dma_wait3A_365 = arith.constant 0 : i32
      %dma_wait3A_366 = tpu.memref_slice %arg4[%add3A_362, %dma_wait3A_365] : memref<16384x2048xi32, #tpu.memory_space<hbm>> -> memref<8x2048xi32, #tpu.memory_space<hbm>>
      tpu.wait_dma2 semaphore(%arg17 : memref<!tpu.dma_semaphore, #tpu.memory_space<semaphore_mem>>) src(%arg11 : memref<8x2048xi32, #tpu.memory_space<vmem>>) dst(%dma_wait3A_366 : memref<8x2048xi32, #tpu.memory_space<hbm>>)
      %parallel_loop3A_367 = arith.constant 0 : i32
      %parallel_loop3A_368 = arith.constant 1024 : i32
      %parallel_loop3A_369 = arith.constant 1 : i32
      scf.for %parallel_loop3A_388 = %parallel_loop3A_367 to %parallel_loop3A_368 step %parallel_loop3A_369  : i32 {
        %parallel_loop3A_389 = arith.constant 128 : i32
        %parallel_loop3A_390 = arith.divsi %parallel_loop3A_388, %parallel_loop3A_389 : i32
        %parallel_loop3A_391 = arith.constant 0 : i32
        %parallel_loop3A_392 = arith.cmpi sgt, %parallel_loop3A_388, %parallel_loop3A_391 : i32
        %parallel_loop3A_393 = arith.extui %parallel_loop3A_392 : i1 to i32
        %parallel_loop3A_394 = arith.constant 0 : i32
        %parallel_loop3A_395 = arith.cmpi slt, %parallel_loop3A_388, %parallel_loop3A_394 : i32
        %parallel_loop3A_396 = arith.extui %parallel_loop3A_395 : i1 to i32
        %parallel_loop3A_397 = arith.subi %parallel_loop3A_393, %parallel_loop3A_396 : i32
        %parallel_loop3A_398 = arith.constant 0 : i32
        %parallel_loop3A_399 = arith.cmpi sgt, %parallel_loop3A_389, %parallel_loop3A_398 : i32
        %parallel_loop3A_400 = arith.extui %parallel_loop3A_399 : i1 to i32
        %parallel_loop3A_401 = arith.constant 0 : i32
        %parallel_loop3A_402 = arith.cmpi slt, %parallel_loop3A_389, %parallel_loop3A_401 : i32
        %parallel_loop3A_403 = arith.extui %parallel_loop3A_402 : i1 to i32
        %parallel_loop3A_404 = arith.subi %parallel_loop3A_400, %parallel_loop3A_403 : i32
        %parallel_loop3A_405 = arith.cmpi ne, %parallel_loop3A_397, %parallel_loop3A_404 : i32
        %parallel_loop3A_406 = arith.remsi %parallel_loop3A_388, %parallel_loop3A_389 : i32
        %parallel_loop3A_407 = arith.constant 0 : i32
        %parallel_loop3A_408 = arith.cmpi ne, %parallel_loop3A_406, %parallel_loop3A_407 : i32
        %parallel_loop3A_409 = arith.andi %parallel_loop3A_405, %parallel_loop3A_408 : i1
        %parallel_loop3A_410 = arith.constant 1 : i32
        %parallel_loop3A_411 = arith.subi %parallel_loop3A_390, %parallel_loop3A_410 : i32
        %parallel_loop3A_412 = arith.select %parallel_loop3A_409, %parallel_loop3A_411, %parallel_loop3A_390 : i32
        %parallel_loop3A_413 = arith.constant 128 : i32
        %parallel_loop3A_414 = arith.constant 0 : i32
        %parallel_loop3A_415 = arith.cmpi eq, %parallel_loop3A_413, %parallel_loop3A_414 : i32
        %parallel_loop3A_416 = arith.constant 1 : i32
        %parallel_loop3A_417 = arith.select %parallel_loop3A_415, %parallel_loop3A_416, %parallel_loop3A_413 : i32
        %parallel_loop3A_418 = arith.remsi %parallel_loop3A_388, %parallel_loop3A_417 : i32
        %parallel_loop3A_419 = arith.constant 0 : i32
        %parallel_loop3A_420 = arith.cmpi ne, %parallel_loop3A_418, %parallel_loop3A_419 : i32
        %parallel_loop3A_421 = arith.constant 0 : i32
        %parallel_loop3A_422 = arith.cmpi slt, %parallel_loop3A_418, %parallel_loop3A_421 : i32
        %parallel_loop3A_423 = arith.constant 0 : i32
        %parallel_loop3A_424 = arith.cmpi slt, %parallel_loop3A_417, %parallel_loop3A_423 : i32
        %parallel_loop3A_425 = arith.xori %parallel_loop3A_422, %parallel_loop3A_424 : i1
        %parallel_loop3A_426 = arith.andi %parallel_loop3A_425, %parallel_loop3A_420 : i1
        %parallel_loop3A_427 = arith.addi %parallel_loop3A_418, %parallel_loop3A_417 : i32
        %parallel_loop3A_428 = arith.select %parallel_loop3A_426, %parallel_loop3A_427, %parallel_loop3A_418 : i32
        %parallel_loop3A_429 = arith.constant 16 : i32
        %parallel_loop3A_430 = arith.muli %parallel_loop3A_428, %parallel_loop3A_429 : i32
        %parallel_loop3A_431 = arith.index_cast %parallel_loop3A_412 : i32 to index
        %parallel_loop3A_432 = arith.index_cast %parallel_loop3A_430 : i32 to index
        %parallel_loop3A_433 = tpu.vector_load %arg7[%parallel_loop3A_431, %parallel_loop3A_432] {strides = array<i32>} : memref<8x2048xi32, #tpu.memory_space<vmem>>, vector<16xi32>,
        %parallel_loop3A_434 = arith.constant -121 : i32
        %parallel_loop3A_435 = vector.broadcast %parallel_loop3A_434 : i32 to vector<16xi32>
        %parallel_loop3A_436 = arith.maxsi %parallel_loop3A_433, %parallel_loop3A_435 : vector<16xi32>
        %parallel_loop3A_437 = arith.constant 126 : i32
        %parallel_loop3A_438 = vector.broadcast %parallel_loop3A_437 : i32 to vector<16xi32>
        %parallel_loop3A_439 = arith.minsi %parallel_loop3A_436, %parallel_loop3A_438 : vector<16xi32>
        %parallel_loop3A_440 = arith.constant 121 : i32
        %parallel_loop3A_441 = vector.broadcast %parallel_loop3A_440 : i32 to vector<16xi32>
        %parallel_loop3A_442 = arith.addi %parallel_loop3A_439, %parallel_loop3A_441 : vector<16xi32>
        %parallel_loop3A_443 = tpu.vector_load_idx %arg5[%parallel_loop3A_442] : memref<256xi32, #tpu.memory_space<vmem>>[vector<16xi32>], vector<16xi32>,
        %parallel_loop3A_444 = arith.index_cast %parallel_loop3A_412 : i32 to index
        %parallel_loop3A_445 = arith.index_cast %parallel_loop3A_430 : i32 to index
        %parallel_loop3A_446 = tpu.vector_load %arg11[%parallel_loop3A_444, %parallel_loop3A_445] {strides = array<i32>} : memref<8x2048xi32, #tpu.memory_space<vmem>>, vector<16xi32>,
        tpu.vector_store %arg11[%parallel_loop3A_444, %parallel_loop3A_445], %parallel_loop3A_443 {strides = array<i32>} : memref<8x2048xi32, #tpu.memory_space<vmem>>, vector<16xi32>,
      } {sc.loop_unroll_factor = 8 : i64, sc.parallel_access}
      %sub3A_370 = arith.constant 1 : i32
      %sub3A_371 = arith.subi %add3A_350, %sub3A_370 : i32
      %mul3A_372 = arith.constant 8 : i32
      %mul3A_373 = arith.muli %sub3A_371, %mul3A_372 : i32
      %add3A_374 = arith.addi %mul3A_2, %mul3A_373 : i32
      %dma_start3A_375 = arith.constant 0 : i32
      %dma_start3A_376 = tpu.memref_slice %arg4[%add3A_374, %dma_start3A_375] : memref<16384x2048xi32, #tpu.memory_space<hbm>> -> memref<8x2048xi32, #tpu.memory_space<hbm>>
      %dma_start3A_377 = arith.constant 0 : i32
      %dma_start3A_378 = tpu.memref_slice %arg4[%add3A_374, %dma_start3A_377] : memref<16384x2048xi32, #tpu.memory_space<hbm>> -> memref<8x2048xi32, #tpu.memory_space<hbm>>
      tpu.enqueue_dma source(%arg10 : memref<8x2048xi32, #tpu.memory_space<vmem>>) target(%dma_start3A_378 : memref<8x2048xi32, #tpu.memory_space<hbm>>) target_semaphore(%arg16 : memref<!tpu.dma_semaphore, #tpu.memory_space<semaphore_mem>>)
      %add3A_379 = arith.constant 2 : i32
      %add3A_380 = arith.addi %add3A_350, %add3A_379 : i32
      %mul3A_381 = arith.constant 8 : i32
      %mul3A_382 = arith.muli %add3A_380, %mul3A_381 : i32
      %add3A_383 = arith.addi %mul3A_2, %mul3A_382 : i32
      %dma_start3A_384 = arith.constant 0 : i32
      %dma_start3A_385 = tpu.memref_slice %arg2[%add3A_383, %dma_start3A_384] : memref<16384x2048xi32, #tpu.memory_space<hbm>> -> memref<8x2048xi32, #tpu.memory_space<hbm>>
      %dma_start3A_386 = arith.constant 0 : i32
      %dma_start3A_387 = tpu.memref_slice %arg2[%add3A_383, %dma_start3A_386] : memref<16384x2048xi32, #tpu.memory_space<hbm>> -> memref<8x2048xi32, #tpu.memory_space<hbm>>
      tpu.enqueue_dma source(%dma_start3A_387 : memref<8x2048xi32, #tpu.memory_space<hbm>>) target(%arg7 : memref<8x2048xi32, #tpu.memory_space<vmem>>) target_semaphore(%arg13 : memref<!tpu.dma_semaphore, #tpu.memory_space<semaphore_mem>>)
    }
    %scan3A_94 = arith.constant 14 : i32
    %add3A_95 = arith.constant 480 : i32
    %add3A_96 = arith.addi %mul3A_2, %add3A_95 : i32
    %dma_wait3A_97 = arith.constant 0 : i32
    %dma_wait3A_98 = tpu.memref_slice %arg2[%add3A_96, %dma_wait3A_97] : memref<16384x2048xi32, #tpu.memory_space<hbm>> -> memref<8x2048xi32, #tpu.memory_space<hbm>>
    %dma_wait3A_99 = arith.constant 0 : i32
    %dma_wait3A_100 = tpu.memref_slice %arg2[%add3A_96, %dma_wait3A_99] : memref<16384x2048xi32, #tpu.memory_space<hbm>> -> memref<8x2048xi32, #tpu.memory_space<hbm>>
    tpu.wait_dma2 semaphore(%arg12 : memref<!tpu.dma_semaphore, #tpu.memory_space<semaphore_mem>>) src(%dma_wait3A_100 : memref<8x2048xi32, #tpu.memory_space<hbm>>) dst(%arg6 : memref<8x2048xi32, #tpu.memory_space<vmem>>)
    %add3A_101 = arith.constant 448 : i32
    %add3A_102 = arith.addi %mul3A_2, %add3A_101 : i32
    %dma_wait3A_103 = arith.constant 0 : i32
    %dma_wait3A_104 = tpu.memref_slice %arg4[%add3A_102, %dma_wait3A_103] : memref<16384x2048xi32, #tpu.memory_space<hbm>> -> memref<8x2048xi32, #tpu.memory_space<hbm>>
    %dma_wait3A_105 = arith.constant 0 : i32
    %dma_wait3A_106 = tpu.memref_slice %arg4[%add3A_102, %dma_wait3A_105] : memref<16384x2048xi32, #tpu.memory_space<hbm>> -> memref<8x2048xi32, #tpu.memory_space<hbm>>
    tpu.wait_dma2 semaphore(%arg14 : memref<!tpu.dma_semaphore, #tpu.memory_space<semaphore_mem>>) src(%arg8 : memref<8x2048xi32, #tpu.memory_space<vmem>>) dst(%dma_wait3A_106 : memref<8x2048xi32, #tpu.memory_space<hbm>>)
    %parallel_loop3A_107 = arith.constant 0 : i32
    %parallel_loop3A_108 = arith.constant 1024 : i32
    %parallel_loop3A_109 = arith.constant 1 : i32
    scf.for %parallel_loop3A_224 = %parallel_loop3A_107 to %parallel_loop3A_108 step %parallel_loop3A_109  : i32 {
      %parallel_loop3A_225 = arith.constant 128 : i32
      %parallel_loop3A_226 = arith.divsi %parallel_loop3A_224, %parallel_loop3A_225 : i32
      %parallel_loop3A_227 = arith.constant 0 : i32
      %parallel_loop3A_228 = arith.cmpi sgt, %parallel_loop3A_224, %parallel_loop3A_227 : i32
      %parallel_loop3A_229 = arith.extui %parallel_loop3A_228 : i1 to i32
      %parallel_loop3A_230 = arith.constant 0 : i32
      %parallel_loop3A_231 = arith.cmpi slt, %parallel_loop3A_224, %parallel_loop3A_230 : i32
      %parallel_loop3A_232 = arith.extui %parallel_loop3A_231 : i1 to i32
      %parallel_loop3A_233 = arith.subi %parallel_loop3A_229, %parallel_loop3A_232 : i32
      %parallel_loop3A_234 = arith.constant 0 : i32
      %parallel_loop3A_235 = arith.cmpi sgt, %parallel_loop3A_225, %parallel_loop3A_234 : i32
      %parallel_loop3A_236 = arith.extui %parallel_loop3A_235 : i1 to i32
      %parallel_loop3A_237 = arith.constant 0 : i32
      %parallel_loop3A_238 = arith.cmpi slt, %parallel_loop3A_225, %parallel_loop3A_237 : i32
      %parallel_loop3A_239 = arith.extui %parallel_loop3A_238 : i1 to i32
      %parallel_loop3A_240 = arith.subi %parallel_loop3A_236, %parallel_loop3A_239 : i32
      %parallel_loop3A_241 = arith.cmpi ne, %parallel_loop3A_233, %parallel_loop3A_240 : i32
      %parallel_loop3A_242 = arith.remsi %parallel_loop3A_224, %parallel_loop3A_225 : i32
      %parallel_loop3A_243 = arith.constant 0 : i32
      %parallel_loop3A_244 = arith.cmpi ne, %parallel_loop3A_242, %parallel_loop3A_243 : i32
      %parallel_loop3A_245 = arith.andi %parallel_loop3A_241, %parallel_loop3A_244 : i1
      %parallel_loop3A_246 = arith.constant 1 : i32
      %parallel_loop3A_247 = arith.subi %parallel_loop3A_226, %parallel_loop3A_246 : i32
      %parallel_loop3A_248 = arith.select %parallel_loop3A_245, %parallel_loop3A_247, %parallel_loop3A_226 : i32
      %parallel_loop3A_249 = arith.constant 128 : i32
      %parallel_loop3A_250 = arith.constant 0 : i32
      %parallel_loop3A_251 = arith.cmpi eq, %parallel_loop3A_249, %parallel_loop3A_250 : i32
      %parallel_loop3A_252 = arith.constant 1 : i32
      %parallel_loop3A_253 = arith.select %parallel_loop3A_251, %parallel_loop3A_252, %parallel_loop3A_249 : i32
      %parallel_loop3A_254 = arith.remsi %parallel_loop3A_224, %parallel_loop3A_253 : i32
      %parallel_loop3A_255 = arith.constant 0 : i32
      %parallel_loop3A_256 = arith.cmpi ne, %parallel_loop3A_254, %parallel_loop3A_255 : i32
      %parallel_loop3A_257 = arith.constant 0 : i32
      %parallel_loop3A_258 = arith.cmpi slt, %parallel_loop3A_254, %parallel_loop3A_257 : i32
      %parallel_loop3A_259 = arith.constant 0 : i32
      %parallel_loop3A_260 = arith.cmpi slt, %parallel_loop3A_253, %parallel_loop3A_259 : i32
      %parallel_loop3A_261 = arith.xori %parallel_loop3A_258, %parallel_loop3A_260 : i1
      %parallel_loop3A_262 = arith.andi %parallel_loop3A_261, %parallel_loop3A_256 : i1
      %parallel_loop3A_263 = arith.addi %parallel_loop3A_254, %parallel_loop3A_253 : i32
      %parallel_loop3A_264 = arith.select %parallel_loop3A_262, %parallel_loop3A_263, %parallel_loop3A_254 : i32
      %parallel_loop3A_265 = arith.constant 16 : i32
      %parallel_loop3A_266 = arith.muli %parallel_loop3A_264, %parallel_loop3A_265 : i32
      %parallel_loop3A_267 = arith.index_cast %parallel_loop3A_248 : i32 to index
      %parallel_loop3A_268 = arith.index_cast %parallel_loop3A_266 : i32 to index
      %parallel_loop3A_269 = tpu.vector_load %arg6[%parallel_loop3A_267, %parallel_loop3A_268] {strides = array<i32>} : memref<8x2048xi32, #tpu.memory_space<vmem>>, vector<16xi32>,
      %parallel_loop3A_270 = arith.constant -121 : i32
      %parallel_loop3A_271 = vector.broadcast %parallel_loop3A_270 : i32 to vector<16xi32>
      %parallel_loop3A_272 = arith.maxsi %parallel_loop3A_269, %parallel_loop3A_271 : vector<16xi32>
      %parallel_loop3A_273 = arith.constant 126 : i32
      %parallel_loop3A_274 = vector.broadcast %parallel_loop3A_273 : i32 to vector<16xi32>
      %parallel_loop3A_275 = arith.minsi %parallel_loop3A_272, %parallel_loop3A_274 : vector<16xi32>
      %parallel_loop3A_276 = arith.constant 121 : i32
      %parallel_loop3A_277 = vector.broadcast %parallel_loop3A_276 : i32 to vector<16xi32>
      %parallel_loop3A_278 = arith.addi %parallel_loop3A_275, %parallel_loop3A_277 : vector<16xi32>
      %parallel_loop3A_279 = tpu.vector_load_idx %arg5[%parallel_loop3A_278] : memref<256xi32, #tpu.memory_space<vmem>>[vector<16xi32>], vector<16xi32>,
      %parallel_loop3A_280 = arith.index_cast %parallel_loop3A_248 : i32 to index
      %parallel_loop3A_281 = arith.index_cast %parallel_loop3A_266 : i32 to index
      %parallel_loop3A_282 = tpu.vector_load %arg8[%parallel_loop3A_280, %parallel_loop3A_281] {strides = array<i32>} : memref<8x2048xi32, #tpu.memory_space<vmem>>, vector<16xi32>,
      tpu.vector_store %arg8[%parallel_loop3A_280, %parallel_loop3A_281], %parallel_loop3A_279 {strides = array<i32>} : memref<8x2048xi32, #tpu.memory_space<vmem>>, vector<16xi32>,
    } {sc.loop_unroll_factor = 8 : i64, sc.parallel_access}
    %add3A_110 = arith.constant 472 : i32
    %add3A_111 = arith.addi %mul3A_2, %add3A_110 : i32
    %dma_start3A_112 = arith.constant 0 : i32
    %dma_start3A_113 = tpu.memref_slice %arg4[%add3A_111, %dma_start3A_112] : memref<16384x2048xi32, #tpu.memory_space<hbm>> -> memref<8x2048xi32, #tpu.memory_space<hbm>>
    %dma_start3A_114 = arith.constant 0 : i32
    %dma_start3A_115 = tpu.memref_slice %arg4[%add3A_111, %dma_start3A_114] : memref<16384x2048xi32, #tpu.memory_space<hbm>> -> memref<8x2048xi32, #tpu.memory_space<hbm>>
    tpu.enqueue_dma source(%arg11 : memref<8x2048xi32, #tpu.memory_space<vmem>>) target(%dma_start3A_115 : memref<8x2048xi32, #tpu.memory_space<hbm>>) target_semaphore(%arg17 : memref<!tpu.dma_semaphore, #tpu.memory_space<semaphore_mem>>)
    %add3A_116 = arith.constant 496 : i32
    %add3A_117 = arith.addi %mul3A_2, %add3A_116 : i32
    %dma_start3A_118 = arith.constant 0 : i32
    %dma_start3A_119 = tpu.memref_slice %arg2[%add3A_117, %dma_start3A_118] : memref<16384x2048xi32, #tpu.memory_space<hbm>> -> memref<8x2048xi32, #tpu.memory_space<hbm>>
    %dma_start3A_120 = arith.constant 0 : i32
    %dma_start3A_121 = tpu.memref_slice %arg2[%add3A_117, %dma_start3A_120] : memref<16384x2048xi32, #tpu.memory_space<hbm>> -> memref<8x2048xi32, #tpu.memory_space<hbm>>
    tpu.enqueue_dma source(%dma_start3A_121 : memref<8x2048xi32, #tpu.memory_space<hbm>>) target(%arg6 : memref<8x2048xi32, #tpu.memory_space<vmem>>) target_semaphore(%arg12 : memref<!tpu.dma_semaphore, #tpu.memory_space<semaphore_mem>>)
    %add3A_122 = arith.constant 488 : i32
    %add3A_123 = arith.addi %mul3A_2, %add3A_122 : i32
    %dma_wait3A_124 = arith.constant 0 : i32
    %dma_wait3A_125 = tpu.memref_slice %arg2[%add3A_123, %dma_wait3A_124] : memref<16384x2048xi32, #tpu.memory_space<hbm>> -> memref<8x2048xi32, #tpu.memory_space<hbm>>
    %dma_wait3A_126 = arith.constant 0 : i32
    %dma_wait3A_127 = tpu.memref_slice %arg2[%add3A_123, %dma_wait3A_126] : memref<16384x2048xi32, #tpu.memory_space<hbm>> -> memref<8x2048xi32, #tpu.memory_space<hbm>>
    tpu.wait_dma2 semaphore(%arg13 : memref<!tpu.dma_semaphore, #tpu.memory_space<semaphore_mem>>) src(%dma_wait3A_127 : memref<8x2048xi32, #tpu.memory_space<hbm>>) dst(%arg7 : memref<8x2048xi32, #tpu.memory_space<vmem>>)
    %add3A_128 = arith.constant 456 : i32
    %add3A_129 = arith.addi %mul3A_2, %add3A_128 : i32
    %dma_wait3A_130 = arith.constant 0 : i32
    %dma_wait3A_131 = tpu.memref_slice %arg4[%add3A_129, %dma_wait3A_130] : memref<16384x2048xi32, #tpu.memory_space<hbm>> -> memref<8x2048xi32, #tpu.memory_space<hbm>>
    %dma_wait3A_132 = arith.constant 0 : i32
    %dma_wait3A_133 = tpu.memref_slice %arg4[%add3A_129, %dma_wait3A_132] : memref<16384x2048xi32, #tpu.memory_space<hbm>> -> memref<8x2048xi32, #tpu.memory_space<hbm>>
    tpu.wait_dma2 semaphore(%arg15 : memref<!tpu.dma_semaphore, #tpu.memory_space<semaphore_mem>>) src(%arg9 : memref<8x2048xi32, #tpu.memory_space<vmem>>) dst(%dma_wait3A_133 : memref<8x2048xi32, #tpu.memory_space<hbm>>)
    %parallel_loop3A_134 = arith.constant 0 : i32
    %parallel_loop3A_135 = arith.constant 1024 : i32
    %parallel_loop3A_136 = arith.constant 1 : i32
    scf.for %parallel_loop3A_224 = %parallel_loop3A_134 to %parallel_loop3A_135 step %parallel_loop3A_136  : i32 {
      %parallel_loop3A_225 = arith.constant 128 : i32
      %parallel_loop3A_226 = arith.divsi %parallel_loop3A_224, %parallel_loop3A_225 : i32
      %parallel_loop3A_227 = arith.constant 0 : i32
      %parallel_loop3A_228 = arith.cmpi sgt, %parallel_loop3A_224, %parallel_loop3A_227 : i32
      %parallel_loop3A_229 = arith.extui %parallel_loop3A_228 : i1 to i32
      %parallel_loop3A_230 = arith.constant 0 : i32
      %parallel_loop3A_231 = arith.cmpi slt, %parallel_loop3A_224, %parallel_loop3A_230 : i32
      %parallel_loop3A_232 = arith.extui %parallel_loop3A_231 : i1 to i32
      %parallel_loop3A_233 = arith.subi %parallel_loop3A_229, %parallel_loop3A_232 : i32
      %parallel_loop3A_234 = arith.constant 0 : i32
      %parallel_loop3A_235 = arith.cmpi sgt, %parallel_loop3A_225, %parallel_loop3A_234 : i32
      %parallel_loop3A_236 = arith.extui %parallel_loop3A_235 : i1 to i32
      %parallel_loop3A_237 = arith.constant 0 : i32
      %parallel_loop3A_238 = arith.cmpi slt, %parallel_loop3A_225, %parallel_loop3A_237 : i32
      %parallel_loop3A_239 = arith.extui %parallel_loop3A_238 : i1 to i32
      %parallel_loop3A_240 = arith.subi %parallel_loop3A_236, %parallel_loop3A_239 : i32
      %parallel_loop3A_241 = arith.cmpi ne, %parallel_loop3A_233, %parallel_loop3A_240 : i32
      %parallel_loop3A_242 = arith.remsi %parallel_loop3A_224, %parallel_loop3A_225 : i32
      %parallel_loop3A_243 = arith.constant 0 : i32
      %parallel_loop3A_244 = arith.cmpi ne, %parallel_loop3A_242, %parallel_loop3A_243 : i32
      %parallel_loop3A_245 = arith.andi %parallel_loop3A_241, %parallel_loop3A_244 : i1
      %parallel_loop3A_246 = arith.constant 1 : i32
      %parallel_loop3A_247 = arith.subi %parallel_loop3A_226, %parallel_loop3A_246 : i32
      %parallel_loop3A_248 = arith.select %parallel_loop3A_245, %parallel_loop3A_247, %parallel_loop3A_226 : i32
      %parallel_loop3A_249 = arith.constant 128 : i32
      %parallel_loop3A_250 = arith.constant 0 : i32
      %parallel_loop3A_251 = arith.cmpi eq, %parallel_loop3A_249, %parallel_loop3A_250 : i32
      %parallel_loop3A_252 = arith.constant 1 : i32
      %parallel_loop3A_253 = arith.select %parallel_loop3A_251, %parallel_loop3A_252, %parallel_loop3A_249 : i32
      %parallel_loop3A_254 = arith.remsi %parallel_loop3A_224, %parallel_loop3A_253 : i32
      %parallel_loop3A_255 = arith.constant 0 : i32
      %parallel_loop3A_256 = arith.cmpi ne, %parallel_loop3A_254, %parallel_loop3A_255 : i32
      %parallel_loop3A_257 = arith.constant 0 : i32
      %parallel_loop3A_258 = arith.cmpi slt, %parallel_loop3A_254, %parallel_loop3A_257 : i32
      %parallel_loop3A_259 = arith.constant 0 : i32
      %parallel_loop3A_260 = arith.cmpi slt, %parallel_loop3A_253, %parallel_loop3A_259 : i32
      %parallel_loop3A_261 = arith.xori %parallel_loop3A_258, %parallel_loop3A_260 : i1
      %parallel_loop3A_262 = arith.andi %parallel_loop3A_261, %parallel_loop3A_256 : i1
      %parallel_loop3A_263 = arith.addi %parallel_loop3A_254, %parallel_loop3A_253 : i32
      %parallel_loop3A_264 = arith.select %parallel_loop3A_262, %parallel_loop3A_263, %parallel_loop3A_254 : i32
      %parallel_loop3A_265 = arith.constant 16 : i32
      %parallel_loop3A_266 = arith.muli %parallel_loop3A_264, %parallel_loop3A_265 : i32
      %parallel_loop3A_267 = arith.index_cast %parallel_loop3A_248 : i32 to index
      %parallel_loop3A_268 = arith.index_cast %parallel_loop3A_266 : i32 to index
      %parallel_loop3A_269 = tpu.vector_load %arg7[%parallel_loop3A_267, %parallel_loop3A_268] {strides = array<i32>} : memref<8x2048xi32, #tpu.memory_space<vmem>>, vector<16xi32>,
      %parallel_loop3A_270 = arith.constant -121 : i32
      %parallel_loop3A_271 = vector.broadcast %parallel_loop3A_270 : i32 to vector<16xi32>
      %parallel_loop3A_272 = arith.maxsi %parallel_loop3A_269, %parallel_loop3A_271 : vector<16xi32>
      %parallel_loop3A_273 = arith.constant 126 : i32
      %parallel_loop3A_274 = vector.broadcast %parallel_loop3A_273 : i32 to vector<16xi32>
      %parallel_loop3A_275 = arith.minsi %parallel_loop3A_272, %parallel_loop3A_274 : vector<16xi32>
      %parallel_loop3A_276 = arith.constant 121 : i32
      %parallel_loop3A_277 = vector.broadcast %parallel_loop3A_276 : i32 to vector<16xi32>
      %parallel_loop3A_278 = arith.addi %parallel_loop3A_275, %parallel_loop3A_277 : vector<16xi32>
      %parallel_loop3A_279 = tpu.vector_load_idx %arg5[%parallel_loop3A_278] : memref<256xi32, #tpu.memory_space<vmem>>[vector<16xi32>], vector<16xi32>,
      %parallel_loop3A_280 = arith.index_cast %parallel_loop3A_248 : i32 to index
      %parallel_loop3A_281 = arith.index_cast %parallel_loop3A_266 : i32 to index
      %parallel_loop3A_282 = tpu.vector_load %arg9[%parallel_loop3A_280, %parallel_loop3A_281] {strides = array<i32>} : memref<8x2048xi32, #tpu.memory_space<vmem>>, vector<16xi32>,
      tpu.vector_store %arg9[%parallel_loop3A_280, %parallel_loop3A_281], %parallel_loop3A_279 {strides = array<i32>} : memref<8x2048xi32, #tpu.memory_space<vmem>>, vector<16xi32>,
    } {sc.loop_unroll_factor = 8 : i64, sc.parallel_access}
    %add3A_137 = arith.constant 480 : i32
    %add3A_138 = arith.addi %mul3A_2, %add3A_137 : i32
    %dma_start3A_139 = arith.constant 0 : i32
    %dma_start3A_140 = tpu.memref_slice %arg4[%add3A_138, %dma_start3A_139] : memref<16384x2048xi32, #tpu.memory_space<hbm>> -> memref<8x2048xi32, #tpu.memory_space<hbm>>
    %dma_start3A_141 = arith.constant 0 : i32
    %dma_start3A_142 = tpu.memref_slice %arg4[%add3A_138, %dma_start3A_141] : memref<16384x2048xi32, #tpu.memory_space<hbm>> -> memref<8x2048xi32, #tpu.memory_space<hbm>>
    tpu.enqueue_dma source(%arg8 : memref<8x2048xi32, #tpu.memory_space<vmem>>) target(%dma_start3A_142 : memref<8x2048xi32, #tpu.memory_space<hbm>>) target_semaphore(%arg14 : memref<!tpu.dma_semaphore, #tpu.memory_space<semaphore_mem>>)
    %add3A_143 = arith.constant 504 : i32
    %add3A_144 = arith.addi %mul3A_2, %add3A_143 : i32
    %dma_start3A_145 = arith.constant 0 : i32
    %dma_start3A_146 = tpu.memref_slice %arg2[%add3A_144, %dma_start3A_145] : memref<16384x2048xi32, #tpu.memory_space<hbm>> -> memref<8x2048xi32, #tpu.memory_space<hbm>>
    %dma_start3A_147 = arith.constant 0 : i32
    %dma_start3A_148 = tpu.memref_slice %arg2[%add3A_144, %dma_start3A_147] : memref<16384x2048xi32, #tpu.memory_space<hbm>> -> memref<8x2048xi32, #tpu.memory_space<hbm>>
    tpu.enqueue_dma source(%dma_start3A_148 : memref<8x2048xi32, #tpu.memory_space<hbm>>) target(%arg7 : memref<8x2048xi32, #tpu.memory_space<vmem>>) target_semaphore(%arg13 : memref<!tpu.dma_semaphore, #tpu.memory_space<semaphore_mem>>)
    %add3A_149 = arith.constant 496 : i32
    %add3A_150 = arith.addi %mul3A_2, %add3A_149 : i32
    %dma_wait3A_151 = arith.constant 0 : i32
    %dma_wait3A_152 = tpu.memref_slice %arg2[%add3A_150, %dma_wait3A_151] : memref<16384x2048xi32, #tpu.memory_space<hbm>> -> memref<8x2048xi32, #tpu.memory_space<hbm>>
    %dma_wait3A_153 = arith.constant 0 : i32
    %dma_wait3A_154 = tpu.memref_slice %arg2[%add3A_150, %dma_wait3A_153] : memref<16384x2048xi32, #tpu.memory_space<hbm>> -> memref<8x2048xi32, #tpu.memory_space<hbm>>
    tpu.wait_dma2 semaphore(%arg12 : memref<!tpu.dma_semaphore, #tpu.memory_space<semaphore_mem>>) src(%dma_wait3A_154 : memref<8x2048xi32, #tpu.memory_space<hbm>>) dst(%arg6 : memref<8x2048xi32, #tpu.memory_space<vmem>>)
    %add3A_155 = arith.constant 464 : i32
    %add3A_156 = arith.addi %mul3A_2, %add3A_155 : i32
    %dma_wait3A_157 = arith.constant 0 : i32
    %dma_wait3A_158 = tpu.memref_slice %arg4[%add3A_156, %dma_wait3A_157] : memref<16384x2048xi32, #tpu.memory_space<hbm>> -> memref<8x2048xi32, #tpu.memory_space<hbm>>
    %dma_wait3A_159 = arith.constant 0 : i32
    %dma_wait3A_160 = tpu.memref_slice %arg4[%add3A_156, %dma_wait3A_159] : memref<16384x2048xi32, #tpu.memory_space<hbm>> -> memref<8x2048xi32, #tpu.memory_space<hbm>>
    tpu.wait_dma2 semaphore(%arg16 : memref<!tpu.dma_semaphore, #tpu.memory_space<semaphore_mem>>) src(%arg10 : memref<8x2048xi32, #tpu.memory_space<vmem>>) dst(%dma_wait3A_160 : memref<8x2048xi32, #tpu.memory_space<hbm>>)
    %parallel_loop3A_161 = arith.constant 0 : i32
    %parallel_loop3A_162 = arith.constant 1024 : i32
    %parallel_loop3A_163 = arith.constant 1 : i32
    scf.for %parallel_loop3A_224 = %parallel_loop3A_161 to %parallel_loop3A_162 step %parallel_loop3A_163  : i32 {
      %parallel_loop3A_225 = arith.constant 128 : i32
      %parallel_loop3A_226 = arith.divsi %parallel_loop3A_224, %parallel_loop3A_225 : i32
      %parallel_loop3A_227 = arith.constant 0 : i32
      %parallel_loop3A_228 = arith.cmpi sgt, %parallel_loop3A_224, %parallel_loop3A_227 : i32
      %parallel_loop3A_229 = arith.extui %parallel_loop3A_228 : i1 to i32
      %parallel_loop3A_230 = arith.constant 0 : i32
      %parallel_loop3A_231 = arith.cmpi slt, %parallel_loop3A_224, %parallel_loop3A_230 : i32
      %parallel_loop3A_232 = arith.extui %parallel_loop3A_231 : i1 to i32
      %parallel_loop3A_233 = arith.subi %parallel_loop3A_229, %parallel_loop3A_232 : i32
      %parallel_loop3A_234 = arith.constant 0 : i32
      %parallel_loop3A_235 = arith.cmpi sgt, %parallel_loop3A_225, %parallel_loop3A_234 : i32
      %parallel_loop3A_236 = arith.extui %parallel_loop3A_235 : i1 to i32
      %parallel_loop3A_237 = arith.constant 0 : i32
      %parallel_loop3A_238 = arith.cmpi slt, %parallel_loop3A_225, %parallel_loop3A_237 : i32
      %parallel_loop3A_239 = arith.extui %parallel_loop3A_238 : i1 to i32
      %parallel_loop3A_240 = arith.subi %parallel_loop3A_236, %parallel_loop3A_239 : i32
      %parallel_loop3A_241 = arith.cmpi ne, %parallel_loop3A_233, %parallel_loop3A_240 : i32
      %parallel_loop3A_242 = arith.remsi %parallel_loop3A_224, %parallel_loop3A_225 : i32
      %parallel_loop3A_243 = arith.constant 0 : i32
      %parallel_loop3A_244 = arith.cmpi ne, %parallel_loop3A_242, %parallel_loop3A_243 : i32
      %parallel_loop3A_245 = arith.andi %parallel_loop3A_241, %parallel_loop3A_244 : i1
      %parallel_loop3A_246 = arith.constant 1 : i32
      %parallel_loop3A_247 = arith.subi %parallel_loop3A_226, %parallel_loop3A_246 : i32
      %parallel_loop3A_248 = arith.select %parallel_loop3A_245, %parallel_loop3A_247, %parallel_loop3A_226 : i32
      %parallel_loop3A_249 = arith.constant 128 : i32
      %parallel_loop3A_250 = arith.constant 0 : i32
      %parallel_loop3A_251 = arith.cmpi eq, %parallel_loop3A_249, %parallel_loop3A_250 : i32
      %parallel_loop3A_252 = arith.constant 1 : i32
      %parallel_loop3A_253 = arith.select %parallel_loop3A_251, %parallel_loop3A_252, %parallel_loop3A_249 : i32
      %parallel_loop3A_254 = arith.remsi %parallel_loop3A_224, %parallel_loop3A_253 : i32
      %parallel_loop3A_255 = arith.constant 0 : i32
      %parallel_loop3A_256 = arith.cmpi ne, %parallel_loop3A_254, %parallel_loop3A_255 : i32
      %parallel_loop3A_257 = arith.constant 0 : i32
      %parallel_loop3A_258 = arith.cmpi slt, %parallel_loop3A_254, %parallel_loop3A_257 : i32
      %parallel_loop3A_259 = arith.constant 0 : i32
      %parallel_loop3A_260 = arith.cmpi slt, %parallel_loop3A_253, %parallel_loop3A_259 : i32
      %parallel_loop3A_261 = arith.xori %parallel_loop3A_258, %parallel_loop3A_260 : i1
      %parallel_loop3A_262 = arith.andi %parallel_loop3A_261, %parallel_loop3A_256 : i1
      %parallel_loop3A_263 = arith.addi %parallel_loop3A_254, %parallel_loop3A_253 : i32
      %parallel_loop3A_264 = arith.select %parallel_loop3A_262, %parallel_loop3A_263, %parallel_loop3A_254 : i32
      %parallel_loop3A_265 = arith.constant 16 : i32
      %parallel_loop3A_266 = arith.muli %parallel_loop3A_264, %parallel_loop3A_265 : i32
      %parallel_loop3A_267 = arith.index_cast %parallel_loop3A_248 : i32 to index
      %parallel_loop3A_268 = arith.index_cast %parallel_loop3A_266 : i32 to index
      %parallel_loop3A_269 = tpu.vector_load %arg6[%parallel_loop3A_267, %parallel_loop3A_268] {strides = array<i32>} : memref<8x2048xi32, #tpu.memory_space<vmem>>, vector<16xi32>,
      %parallel_loop3A_270 = arith.constant -121 : i32
      %parallel_loop3A_271 = vector.broadcast %parallel_loop3A_270 : i32 to vector<16xi32>
      %parallel_loop3A_272 = arith.maxsi %parallel_loop3A_269, %parallel_loop3A_271 : vector<16xi32>
      %parallel_loop3A_273 = arith.constant 126 : i32
      %parallel_loop3A_274 = vector.broadcast %parallel_loop3A_273 : i32 to vector<16xi32>
      %parallel_loop3A_275 = arith.minsi %parallel_loop3A_272, %parallel_loop3A_274 : vector<16xi32>
      %parallel_loop3A_276 = arith.constant 121 : i32
      %parallel_loop3A_277 = vector.broadcast %parallel_loop3A_276 : i32 to vector<16xi32>
      %parallel_loop3A_278 = arith.addi %parallel_loop3A_275, %parallel_loop3A_277 : vector<16xi32>
      %parallel_loop3A_279 = tpu.vector_load_idx %arg5[%parallel_loop3A_278] : memref<256xi32, #tpu.memory_space<vmem>>[vector<16xi32>], vector<16xi32>,
      %parallel_loop3A_280 = arith.index_cast %parallel_loop3A_248 : i32 to index
      %parallel_loop3A_281 = arith.index_cast %parallel_loop3A_266 : i32 to index
      %parallel_loop3A_282 = tpu.vector_load %arg10[%parallel_loop3A_280, %parallel_loop3A_281] {strides = array<i32>} : memref<8x2048xi32, #tpu.memory_space<vmem>>, vector<16xi32>,
      tpu.vector_store %arg10[%parallel_loop3A_280, %parallel_loop3A_281], %parallel_loop3A_279 {strides = array<i32>} : memref<8x2048xi32, #tpu.memory_space<vmem>>, vector<16xi32>,
    } {sc.loop_unroll_factor = 8 : i64, sc.parallel_access}
    %add3A_164 = arith.constant 488 : i32
    %add3A_165 = arith.addi %mul3A_2, %add3A_164 : i32
    %dma_start3A_166 = arith.constant 0 : i32
    %dma_start3A_167 = tpu.memref_slice %arg4[%add3A_165, %dma_start3A_166] : memref<16384x2048xi32, #tpu.memory_space<hbm>> -> memref<8x2048xi32, #tpu.memory_space<hbm>>
    %dma_start3A_168 = arith.constant 0 : i32
    %dma_start3A_169 = tpu.memref_slice %arg4[%add3A_165, %dma_start3A_168] : memref<16384x2048xi32, #tpu.memory_space<hbm>> -> memref<8x2048xi32, #tpu.memory_space<hbm>>
    tpu.enqueue_dma source(%arg9 : memref<8x2048xi32, #tpu.memory_space<vmem>>) target(%dma_start3A_169 : memref<8x2048xi32, #tpu.memory_space<hbm>>) target_semaphore(%arg15 : memref<!tpu.dma_semaphore, #tpu.memory_space<semaphore_mem>>)
    %add3A_170 = arith.constant 504 : i32
    %add3A_171 = arith.addi %mul3A_2, %add3A_170 : i32
    %dma_wait3A_172 = arith.constant 0 : i32
    %dma_wait3A_173 = tpu.memref_slice %arg2[%add3A_171, %dma_wait3A_172] : memref<16384x2048xi32, #tpu.memory_space<hbm>> -> memref<8x2048xi32, #tpu.memory_space<hbm>>
    %dma_wait3A_174 = arith.constant 0 : i32
    %dma_wait3A_175 = tpu.memref_slice %arg2[%add3A_171, %dma_wait3A_174] : memref<16384x2048xi32, #tpu.memory_space<hbm>> -> memref<8x2048xi32, #tpu.memory_space<hbm>>
    tpu.wait_dma2 semaphore(%arg13 : memref<!tpu.dma_semaphore, #tpu.memory_space<semaphore_mem>>) src(%dma_wait3A_175 : memref<8x2048xi32, #tpu.memory_space<hbm>>) dst(%arg7 : memref<8x2048xi32, #tpu.memory_space<vmem>>)
    %add3A_176 = arith.constant 472 : i32
    %add3A_177 = arith.addi %mul3A_2, %add3A_176 : i32
    %dma_wait3A_178 = arith.constant 0 : i32
    %dma_wait3A_179 = tpu.memref_slice %arg4[%add3A_177, %dma_wait3A_178] : memref<16384x2048xi32, #tpu.memory_space<hbm>> -> memref<8x2048xi32, #tpu.memory_space<hbm>>
    %dma_wait3A_180 = arith.constant 0 : i32
    %dma_wait3A_181 = tpu.memref_slice %arg4[%add3A_177, %dma_wait3A_180] : memref<16384x2048xi32, #tpu.memory_space<hbm>> -> memref<8x2048xi32, #tpu.memory_space<hbm>>
    tpu.wait_dma2 semaphore(%arg17 : memref<!tpu.dma_semaphore, #tpu.memory_space<semaphore_mem>>) src(%arg11 : memref<8x2048xi32, #tpu.memory_space<vmem>>) dst(%dma_wait3A_181 : memref<8x2048xi32, #tpu.memory_space<hbm>>)
    %scan3A_182 = arith.constant 0 : i32
    %scan3A_183 = arith.constant 0 : i32
    %scan3A_184 = arith.constant 1024 : i32
    %scan3A_185 = arith.addi %scan3A_183, %scan3A_184 : i32
    %scan3A_186 = arith.constant 8 : i32
    scf.for %scan3A_224 = %scan3A_183 to %scan3A_185 step %scan3A_186  : i32 {
      %jit3A = arith.constant 128 : i32
      %div3A = arith.divsi %scan3A_224, %jit3A : i32
      %sign3A = arith.constant 0 : i32
      %sign3A_225 = arith.cmpi sgt, %scan3A_224, %sign3A : i32
      %sign3A_226 = arith.extui %sign3A_225 : i1 to i32
      %sign3A_227 = arith.constant 0 : i32
      %sign3A_228 = arith.cmpi slt, %scan3A_224, %sign3A_227 : i32
      %sign3A_229 = arith.extui %sign3A_228 : i1 to i32
      %sign3A_230 = arith.subi %sign3A_226, %sign3A_229 : i32
      %sign3A_231 = arith.constant 0 : i32
      %sign3A_232 = arith.cmpi sgt, %jit3A, %sign3A_231 : i32
      %sign3A_233 = arith.extui %sign3A_232 : i1 to i32
      %sign3A_234 = arith.constant 0 : i32
      %sign3A_235 = arith.cmpi slt, %jit3A, %sign3A_234 : i32
      %sign3A_236 = arith.extui %sign3A_235 : i1 to i32
      %sign3A_237 = arith.subi %sign3A_233, %sign3A_236 : i32
      %ne3A = arith.cmpi ne, %sign3A_230, %sign3A_237 : i32
      %rem3A = arith.remsi %scan3A_224, %jit3A : i32
      %ne3A_238 = arith.constant 0 : i32
      %ne3A_239 = arith.cmpi ne, %rem3A, %ne3A_238 : i32
      %and3A = arith.andi %ne3A, %ne3A_239 : i1
      %sub3A = arith.constant 1 : i32
      %sub3A_240 = arith.subi %div3A, %sub3A : i32
      %select_n3A = arith.select %and3A, %sub3A_240, %div3A : i32
      %jit3A_241 = arith.constant 128 : i32
      %eq3A = arith.constant 0 : i32
      %eq3A_242 = arith.cmpi eq, %jit3A_241, %eq3A : i32
      %jit3A_243 = arith.constant 1 : i32
      %select_n3A_244 = arith.select %eq3A_242, %jit3A_243, %jit3A_241 : i32
      %rem3A_245 = arith.remsi %scan3A_224, %select_n3A_244 : i32
      %ne3A_246 = arith.constant 0 : i32
      %ne3A_247 = arith.cmpi ne, %rem3A_245, %ne3A_246 : i32
      %lt3A = arith.constant 0 : i32
      %lt3A_248 = arith.cmpi slt, %rem3A_245, %lt3A : i32
      %lt3A_249 = arith.constant 0 : i32
      %lt3A_250 = arith.cmpi slt, %select_n3A_244, %lt3A_249 : i32
      %ne3A_251 = arith.xori %lt3A_248, %lt3A_250 : i1
      %and3A_252 = arith.andi %ne3A_251, %ne3A_247 : i1
      %add3A_253 = arith.addi %rem3A_245, %select_n3A_244 : i32
      %select_n3A_254 = arith.select %and3A_252, %add3A_253, %rem3A_245 : i32
      %mul3A_255 = arith.constant 16 : i32
      %mul3A_256 = arith.muli %select_n3A_254, %mul3A_255 : i32
      %get3A = arith.index_cast %select_n3A : i32 to index
      %get3A_257 = arith.index_cast %mul3A_256 : i32 to index
      %get3A_258 = tpu.vector_load %arg7[%get3A, %get3A_257] {strides = array<i32>} : memref<8x2048xi32, #tpu.memory_space<vmem>>, vector<16xi32>,
      %max3A = arith.constant -121 : i32
      %max3A_259 = vector.broadcast %max3A : i32 to vector<16xi32>
      %max3A_260 = arith.maxsi %get3A_258, %max3A_259 : vector<16xi32>
      %min3A = arith.constant 126 : i32
      %min3A_261 = vector.broadcast %min3A : i32 to vector<16xi32>
      %min3A_262 = arith.minsi %max3A_260, %min3A_261 : vector<16xi32>
      %add3A_263 = arith.constant 121 : i32
      %add3A_264 = vector.broadcast %add3A_263 : i32 to vector<16xi32>
      %add3A_265 = arith.addi %min3A_262, %add3A_264 : vector<16xi32>
      %gather3A = tpu.vector_load_idx %arg5[%add3A_265] : memref<256xi32, #tpu.memory_space<vmem>>[vector<16xi32>], vector<16xi32>,
      %swap3A = arith.index_cast %select_n3A : i32 to index
      %swap3A_266 = arith.index_cast %mul3A_256 : i32 to index
      %swap3A_267 = tpu.vector_load %arg11[%swap3A, %swap3A_266] {strides = array<i32>} : memref<8x2048xi32, #tpu.memory_space<vmem>>, vector<16xi32>,
      tpu.vector_store %arg11[%swap3A, %swap3A_266], %gather3A {strides = array<i32>} : memref<8x2048xi32, #tpu.memory_space<vmem>>, vector<16xi32>,
      %scan3A_268 = arith.constant 1 : i32
      %scan3A_269 = arith.addi %scan3A_224, %scan3A_268 : i32
      %jit3A_270 = arith.constant 128 : i32
      %div3A_271 = arith.divsi %scan3A_269, %jit3A_270 : i32
      %sign3A_272 = arith.constant 0 : i32
      %sign3A_273 = arith.cmpi sgt, %scan3A_269, %sign3A_272 : i32
      %sign3A_274 = arith.extui %sign3A_273 : i1 to i32
      %sign3A_275 = arith.constant 0 : i32
      %sign3A_276 = arith.cmpi slt, %scan3A_269, %sign3A_275 : i32
      %sign3A_277 = arith.extui %sign3A_276 : i1 to i32
      %sign3A_278 = arith.subi %sign3A_274, %sign3A_277 : i32
      %sign3A_279 = arith.constant 0 : i32
      %sign3A_280 = arith.cmpi sgt, %jit3A_270, %sign3A_279 : i32
      %sign3A_281 = arith.extui %sign3A_280 : i1 to i32
      %sign3A_282 = arith.constant 0 : i32
      %sign3A_283 = arith.cmpi slt, %jit3A_270, %sign3A_282 : i32
      %sign3A_284 = arith.extui %sign3A_283 : i1 to i32
      %sign3A_285 = arith.subi %sign3A_281, %sign3A_284 : i32
      %ne3A_286 = arith.cmpi ne, %sign3A_278, %sign3A_285 : i32
      %rem3A_287 = arith.remsi %scan3A_269, %jit3A_270 : i32
      %ne3A_288 = arith.constant 0 : i32
      %ne3A_289 = arith.cmpi ne, %rem3A_287, %ne3A_288 : i32
      %and3A_290 = arith.andi %ne3A_286, %ne3A_289 : i1
      %sub3A_291 = arith.constant 1 : i32
      %sub3A_292 = arith.subi %div3A_271, %sub3A_291 : i32
      %select_n3A_293 = arith.select %and3A_290, %sub3A_292, %div3A_271 : i32
      %jit3A_294 = arith.constant 128 : i32
      %eq3A_295 = arith.constant 0 : i32
      %eq3A_296 = arith.cmpi eq, %jit3A_294, %eq3A_295 : i32
      %jit3A_297 = arith.constant 1 : i32
      %select_n3A_298 = arith.select %eq3A_296, %jit3A_297, %jit3A_294 : i32
      %rem3A_299 = arith.remsi %scan3A_269, %select_n3A_298 : i32
      %ne3A_300 = arith.constant 0 : i32
      %ne3A_301 = arith.cmpi ne, %rem3A_299, %ne3A_300 : i32
      %lt3A_302 = arith.constant 0 : i32
      %lt3A_303 = arith.cmpi slt, %rem3A_299, %lt3A_302 : i32
      %lt3A_304 = arith.constant 0 : i32
      %lt3A_305 = arith.cmpi slt, %select_n3A_298, %lt3A_304 : i32
      %ne3A_306 = arith.xori %lt3A_303, %lt3A_305 : i1
      %and3A_307 = arith.andi %ne3A_306, %ne3A_301 : i1
      %add3A_308 = arith.addi %rem3A_299, %select_n3A_298 : i32
      %select_n3A_309 = arith.select %and3A_307, %add3A_308, %rem3A_299 : i32
      %mul3A_310 = arith.constant 16 : i32
      %mul3A_311 = arith.muli %select_n3A_309, %mul3A_310 : i32
      %get3A_312 = arith.index_cast %select_n3A_293 : i32 to index
      %get3A_313 = arith.index_cast %mul3A_311 : i32 to index
      %get3A_314 = tpu.vector_load %arg7[%get3A_312, %get3A_313] {strides = array<i32>} : memref<8x2048xi32, #tpu.memory_space<vmem>>, vector<16xi32>,
      %max3A_315 = arith.constant -121 : i32
      %max3A_316 = vector.broadcast %max3A_315 : i32 to vector<16xi32>
      %max3A_317 = arith.maxsi %get3A_314, %max3A_316 : vector<16xi32>
      %min3A_318 = arith.constant 126 : i32
      %min3A_319 = vector.broadcast %min3A_318 : i32 to vector<16xi32>
      %min3A_320 = arith.minsi %max3A_317, %min3A_319 : vector<16xi32>
      %add3A_321 = arith.constant 121 : i32
      %add3A_322 = vector.broadcast %add3A_321 : i32 to vector<16xi32>
      %add3A_323 = arith.addi %min3A_320, %add3A_322 : vector<16xi32>
      %gather3A_324 = tpu.vector_load_idx %arg5[%add3A_323] : memref<256xi32, #tpu.memory_space<vmem>>[vector<16xi32>], vector<16xi32>,
      %swap3A_325 = arith.index_cast %select_n3A_293 : i32 to index
      %swap3A_326 = arith.index_cast %mul3A_311 : i32 to index
      %swap3A_327 = tpu.vector_load %arg11[%swap3A_325, %swap3A_326] {strides = array<i32>} : memref<8x2048xi32, #tpu.memory_space<vmem>>, vector<16xi32>,
      tpu.vector_store %arg11[%swap3A_325, %swap3A_326], %gather3A_324 {strides = array<i32>} : memref<8x2048xi32, #tpu.memory_space<vmem>>, vector<16xi32>,
      %scan3A_328 = arith.constant 2 : i32
      %scan3A_329 = arith.addi %scan3A_224, %scan3A_328 : i32
      %jit3A_330 = arith.constant 128 : i32
      %div3A_331 = arith.divsi %scan3A_329, %jit3A_330 : i32
      %sign3A_332 = arith.constant 0 : i32
      %sign3A_333 = arith.cmpi sgt, %scan3A_329, %sign3A_332 : i32
      %sign3A_334 = arith.extui %sign3A_333 : i1 to i32
      %sign3A_335 = arith.constant 0 : i32
      %sign3A_336 = arith.cmpi slt, %scan3A_329, %sign3A_335 : i32
      %sign3A_337 = arith.extui %sign3A_336 : i1 to i32
      %sign3A_338 = arith.subi %sign3A_334, %sign3A_337 : i32
      %sign3A_339 = arith.constant 0 : i32
      %sign3A_340 = arith.cmpi sgt, %jit3A_330, %sign3A_339 : i32
      %sign3A_341 = arith.extui %sign3A_340 : i1 to i32
      %sign3A_342 = arith.constant 0 : i32
      %sign3A_343 = arith.cmpi slt, %jit3A_330, %sign3A_342 : i32
      %sign3A_344 = arith.extui %sign3A_343 : i1 to i32
      %sign3A_345 = arith.subi %sign3A_341, %sign3A_344 : i32
      %ne3A_346 = arith.cmpi ne, %sign3A_338, %sign3A_345 : i32
      %rem3A_347 = arith.remsi %scan3A_329, %jit3A_330 : i32
      %ne3A_348 = arith.constant 0 : i32
      %ne3A_349 = arith.cmpi ne, %rem3A_347, %ne3A_348 : i32
      %and3A_350 = arith.andi %ne3A_346, %ne3A_349 : i1
      %sub3A_351 = arith.constant 1 : i32
      %sub3A_352 = arith.subi %div3A_331, %sub3A_351 : i32
      %select_n3A_353 = arith.select %and3A_350, %sub3A_352, %div3A_331 : i32
      %jit3A_354 = arith.constant 128 : i32
      %eq3A_355 = arith.constant 0 : i32
      %eq3A_356 = arith.cmpi eq, %jit3A_354, %eq3A_355 : i32
      %jit3A_357 = arith.constant 1 : i32
      %select_n3A_358 = arith.select %eq3A_356, %jit3A_357, %jit3A_354 : i32
      %rem3A_359 = arith.remsi %scan3A_329, %select_n3A_358 : i32
      %ne3A_360 = arith.constant 0 : i32
      %ne3A_361 = arith.cmpi ne, %rem3A_359, %ne3A_360 : i32
      %lt3A_362 = arith.constant 0 : i32
      %lt3A_363 = arith.cmpi slt, %rem3A_359, %lt3A_362 : i32
      %lt3A_364 = arith.constant 0 : i32
      %lt3A_365 = arith.cmpi slt, %select_n3A_358, %lt3A_364 : i32
      %ne3A_366 = arith.xori %lt3A_363, %lt3A_365 : i1
      %and3A_367 = arith.andi %ne3A_366, %ne3A_361 : i1
      %add3A_368 = arith.addi %rem3A_359, %select_n3A_358 : i32
      %select_n3A_369 = arith.select %and3A_367, %add3A_368, %rem3A_359 : i32
      %mul3A_370 = arith.constant 16 : i32
      %mul3A_371 = arith.muli %select_n3A_369, %mul3A_370 : i32
      %get3A_372 = arith.index_cast %select_n3A_353 : i32 to index
      %get3A_373 = arith.index_cast %mul3A_371 : i32 to index
      %get3A_374 = tpu.vector_load %arg7[%get3A_372, %get3A_373] {strides = array<i32>} : memref<8x2048xi32, #tpu.memory_space<vmem>>, vector<16xi32>,
      %max3A_375 = arith.constant -121 : i32
      %max3A_376 = vector.broadcast %max3A_375 : i32 to vector<16xi32>
      %max3A_377 = arith.maxsi %get3A_374, %max3A_376 : vector<16xi32>
      %min3A_378 = arith.constant 126 : i32
      %min3A_379 = vector.broadcast %min3A_378 : i32 to vector<16xi32>
      %min3A_380 = arith.minsi %max3A_377, %min3A_379 : vector<16xi32>
      %add3A_381 = arith.constant 121 : i32
      %add3A_382 = vector.broadcast %add3A_381 : i32 to vector<16xi32>
      %add3A_383 = arith.addi %min3A_380, %add3A_382 : vector<16xi32>
      %gather3A_384 = tpu.vector_load_idx %arg5[%add3A_383] : memref<256xi32, #tpu.memory_space<vmem>>[vector<16xi32>], vector<16xi32>,
      %swap3A_385 = arith.index_cast %select_n3A_353 : i32 to index
      %swap3A_386 = arith.index_cast %mul3A_371 : i32 to index
      %swap3A_387 = tpu.vector_load %arg11[%swap3A_385, %swap3A_386] {strides = array<i32>} : memref<8x2048xi32, #tpu.memory_space<vmem>>, vector<16xi32>,
      tpu.vector_store %arg11[%swap3A_385, %swap3A_386], %gather3A_384 {strides = array<i32>} : memref<8x2048xi32, #tpu.memory_space<vmem>>, vector<16xi32>,
      %scan3A_388 = arith.constant 3 : i32
      %scan3A_389 = arith.addi %scan3A_224, %scan3A_388 : i32
      %jit3A_390 = arith.constant 128 : i32
      %div3A_391 = arith.divsi %scan3A_389, %jit3A_390 : i32
      %sign3A_392 = arith.constant 0 : i32
      %sign3A_393 = arith.cmpi sgt, %scan3A_389, %sign3A_392 : i32
      %sign3A_394 = arith.extui %sign3A_393 : i1 to i32
      %sign3A_395 = arith.constant 0 : i32
      %sign3A_396 = arith.cmpi slt, %scan3A_389, %sign3A_395 : i32
      %sign3A_397 = arith.extui %sign3A_396 : i1 to i32
      %sign3A_398 = arith.subi %sign3A_394, %sign3A_397 : i32
      %sign3A_399 = arith.constant 0 : i32
      %sign3A_400 = arith.cmpi sgt, %jit3A_390, %sign3A_399 : i32
      %sign3A_401 = arith.extui %sign3A_400 : i1 to i32
      %sign3A_402 = arith.constant 0 : i32
      %sign3A_403 = arith.cmpi slt, %jit3A_390, %sign3A_402 : i32
      %sign3A_404 = arith.extui %sign3A_403 : i1 to i32
      %sign3A_405 = arith.subi %sign3A_401, %sign3A_404 : i32
      %ne3A_406 = arith.cmpi ne, %sign3A_398, %sign3A_405 : i32
      %rem3A_407 = arith.remsi %scan3A_389, %jit3A_390 : i32
      %ne3A_408 = arith.constant 0 : i32
      %ne3A_409 = arith.cmpi ne, %rem3A_407, %ne3A_408 : i32
      %and3A_410 = arith.andi %ne3A_406, %ne3A_409 : i1
      %sub3A_411 = arith.constant 1 : i32
      %sub3A_412 = arith.subi %div3A_391, %sub3A_411 : i32
      %select_n3A_413 = arith.select %and3A_410, %sub3A_412, %div3A_391 : i32
      %jit3A_414 = arith.constant 128 : i32
      %eq3A_415 = arith.constant 0 : i32
      %eq3A_416 = arith.cmpi eq, %jit3A_414, %eq3A_415 : i32
      %jit3A_417 = arith.constant 1 : i32
      %select_n3A_418 = arith.select %eq3A_416, %jit3A_417, %jit3A_414 : i32
      %rem3A_419 = arith.remsi %scan3A_389, %select_n3A_418 : i32
      %ne3A_420 = arith.constant 0 : i32
      %ne3A_421 = arith.cmpi ne, %rem3A_419, %ne3A_420 : i32
      %lt3A_422 = arith.constant 0 : i32
      %lt3A_423 = arith.cmpi slt, %rem3A_419, %lt3A_422 : i32
      %lt3A_424 = arith.constant 0 : i32
      %lt3A_425 = arith.cmpi slt, %select_n3A_418, %lt3A_424 : i32
      %ne3A_426 = arith.xori %lt3A_423, %lt3A_425 : i1
      %and3A_427 = arith.andi %ne3A_426, %ne3A_421 : i1
      %add3A_428 = arith.addi %rem3A_419, %select_n3A_418 : i32
      %select_n3A_429 = arith.select %and3A_427, %add3A_428, %rem3A_419 : i32
      %mul3A_430 = arith.constant 16 : i32
      %mul3A_431 = arith.muli %select_n3A_429, %mul3A_430 : i32
      %get3A_432 = arith.index_cast %select_n3A_413 : i32 to index
      %get3A_433 = arith.index_cast %mul3A_431 : i32 to index
      %get3A_434 = tpu.vector_load %arg7[%get3A_432, %get3A_433] {strides = array<i32>} : memref<8x2048xi32, #tpu.memory_space<vmem>>, vector<16xi32>,
      %max3A_435 = arith.constant -121 : i32
      %max3A_436 = vector.broadcast %max3A_435 : i32 to vector<16xi32>
      %max3A_437 = arith.maxsi %get3A_434, %max3A_436 : vector<16xi32>
      %min3A_438 = arith.constant 126 : i32
      %min3A_439 = vector.broadcast %min3A_438 : i32 to vector<16xi32>
      %min3A_440 = arith.minsi %max3A_437, %min3A_439 : vector<16xi32>
      %add3A_441 = arith.constant 121 : i32
      %add3A_442 = vector.broadcast %add3A_441 : i32 to vector<16xi32>
      %add3A_443 = arith.addi %min3A_440, %add3A_442 : vector<16xi32>
      %gather3A_444 = tpu.vector_load_idx %arg5[%add3A_443] : memref<256xi32, #tpu.memory_space<vmem>>[vector<16xi32>], vector<16xi32>,
      %swap3A_445 = arith.index_cast %select_n3A_413 : i32 to index
      %swap3A_446 = arith.index_cast %mul3A_431 : i32 to index
      %swap3A_447 = tpu.vector_load %arg11[%swap3A_445, %swap3A_446] {strides = array<i32>} : memref<8x2048xi32, #tpu.memory_space<vmem>>, vector<16xi32>,
      tpu.vector_store %arg11[%swap3A_445, %swap3A_446], %gather3A_444 {strides = array<i32>} : memref<8x2048xi32, #tpu.memory_space<vmem>>, vector<16xi32>,
      %scan3A_448 = arith.constant 4 : i32
      %scan3A_449 = arith.addi %scan3A_224, %scan3A_448 : i32
      %jit3A_450 = arith.constant 128 : i32
      %div3A_451 = arith.divsi %scan3A_449, %jit3A_450 : i32
      %sign3A_452 = arith.constant 0 : i32
      %sign3A_453 = arith.cmpi sgt, %scan3A_449, %sign3A_452 : i32
      %sign3A_454 = arith.extui %sign3A_453 : i1 to i32
      %sign3A_455 = arith.constant 0 : i32
      %sign3A_456 = arith.cmpi slt, %scan3A_449, %sign3A_455 : i32
      %sign3A_457 = arith.extui %sign3A_456 : i1 to i32
      %sign3A_458 = arith.subi %sign3A_454, %sign3A_457 : i32
      %sign3A_459 = arith.constant 0 : i32
      %sign3A_460 = arith.cmpi sgt, %jit3A_450, %sign3A_459 : i32
      %sign3A_461 = arith.extui %sign3A_460 : i1 to i32
      %sign3A_462 = arith.constant 0 : i32
      %sign3A_463 = arith.cmpi slt, %jit3A_450, %sign3A_462 : i32
      %sign3A_464 = arith.extui %sign3A_463 : i1 to i32
      %sign3A_465 = arith.subi %sign3A_461, %sign3A_464 : i32
      %ne3A_466 = arith.cmpi ne, %sign3A_458, %sign3A_465 : i32
      %rem3A_467 = arith.remsi %scan3A_449, %jit3A_450 : i32
      %ne3A_468 = arith.constant 0 : i32
      %ne3A_469 = arith.cmpi ne, %rem3A_467, %ne3A_468 : i32
      %and3A_470 = arith.andi %ne3A_466, %ne3A_469 : i1
      %sub3A_471 = arith.constant 1 : i32
      %sub3A_472 = arith.subi %div3A_451, %sub3A_471 : i32
      %select_n3A_473 = arith.select %and3A_470, %sub3A_472, %div3A_451 : i32
      %jit3A_474 = arith.constant 128 : i32
      %eq3A_475 = arith.constant 0 : i32
      %eq3A_476 = arith.cmpi eq, %jit3A_474, %eq3A_475 : i32
      %jit3A_477 = arith.constant 1 : i32
      %select_n3A_478 = arith.select %eq3A_476, %jit3A_477, %jit3A_474 : i32
      %rem3A_479 = arith.remsi %scan3A_449, %select_n3A_478 : i32
      %ne3A_480 = arith.constant 0 : i32
      %ne3A_481 = arith.cmpi ne, %rem3A_479, %ne3A_480 : i32
      %lt3A_482 = arith.constant 0 : i32
      %lt3A_483 = arith.cmpi slt, %rem3A_479, %lt3A_482 : i32
      %lt3A_484 = arith.constant 0 : i32
      %lt3A_485 = arith.cmpi slt, %select_n3A_478, %lt3A_484 : i32
      %ne3A_486 = arith.xori %lt3A_483, %lt3A_485 : i1
      %and3A_487 = arith.andi %ne3A_486, %ne3A_481 : i1
      %add3A_488 = arith.addi %rem3A_479, %select_n3A_478 : i32
      %select_n3A_489 = arith.select %and3A_487, %add3A_488, %rem3A_479 : i32
      %mul3A_490 = arith.constant 16 : i32
      %mul3A_491 = arith.muli %select_n3A_489, %mul3A_490 : i32
      %get3A_492 = arith.index_cast %select_n3A_473 : i32 to index
      %get3A_493 = arith.index_cast %mul3A_491 : i32 to index
      %get3A_494 = tpu.vector_load %arg7[%get3A_492, %get3A_493] {strides = array<i32>} : memref<8x2048xi32, #tpu.memory_space<vmem>>, vector<16xi32>,
      %max3A_495 = arith.constant -121 : i32
      %max3A_496 = vector.broadcast %max3A_495 : i32 to vector<16xi32>
      %max3A_497 = arith.maxsi %get3A_494, %max3A_496 : vector<16xi32>
      %min3A_498 = arith.constant 126 : i32
      %min3A_499 = vector.broadcast %min3A_498 : i32 to vector<16xi32>
      %min3A_500 = arith.minsi %max3A_497, %min3A_499 : vector<16xi32>
      %add3A_501 = arith.constant 121 : i32
      %add3A_502 = vector.broadcast %add3A_501 : i32 to vector<16xi32>
      %add3A_503 = arith.addi %min3A_500, %add3A_502 : vector<16xi32>
      %gather3A_504 = tpu.vector_load_idx %arg5[%add3A_503] : memref<256xi32, #tpu.memory_space<vmem>>[vector<16xi32>], vector<16xi32>,
      %swap3A_505 = arith.index_cast %select_n3A_473 : i32 to index
      %swap3A_506 = arith.index_cast %mul3A_491 : i32 to index
      %swap3A_507 = tpu.vector_load %arg11[%swap3A_505, %swap3A_506] {strides = array<i32>} : memref<8x2048xi32, #tpu.memory_space<vmem>>, vector<16xi32>,
      tpu.vector_store %arg11[%swap3A_505, %swap3A_506], %gather3A_504 {strides = array<i32>} : memref<8x2048xi32, #tpu.memory_space<vmem>>, vector<16xi32>,
      %scan3A_508 = arith.constant 5 : i32
      %scan3A_509 = arith.addi %scan3A_224, %scan3A_508 : i32
      %jit3A_510 = arith.constant 128 : i32
      %div3A_511 = arith.divsi %scan3A_509, %jit3A_510 : i32
      %sign3A_512 = arith.constant 0 : i32
      %sign3A_513 = arith.cmpi sgt, %scan3A_509, %sign3A_512 : i32
      %sign3A_514 = arith.extui %sign3A_513 : i1 to i32
      %sign3A_515 = arith.constant 0 : i32
      %sign3A_516 = arith.cmpi slt, %scan3A_509, %sign3A_515 : i32
      %sign3A_517 = arith.extui %sign3A_516 : i1 to i32
      %sign3A_518 = arith.subi %sign3A_514, %sign3A_517 : i32
      %sign3A_519 = arith.constant 0 : i32
      %sign3A_520 = arith.cmpi sgt, %jit3A_510, %sign3A_519 : i32
      %sign3A_521 = arith.extui %sign3A_520 : i1 to i32
      %sign3A_522 = arith.constant 0 : i32
      %sign3A_523 = arith.cmpi slt, %jit3A_510, %sign3A_522 : i32
      %sign3A_524 = arith.extui %sign3A_523 : i1 to i32
      %sign3A_525 = arith.subi %sign3A_521, %sign3A_524 : i32
      %ne3A_526 = arith.cmpi ne, %sign3A_518, %sign3A_525 : i32
      %rem3A_527 = arith.remsi %scan3A_509, %jit3A_510 : i32
      %ne3A_528 = arith.constant 0 : i32
      %ne3A_529 = arith.cmpi ne, %rem3A_527, %ne3A_528 : i32
      %and3A_530 = arith.andi %ne3A_526, %ne3A_529 : i1
      %sub3A_531 = arith.constant 1 : i32
      %sub3A_532 = arith.subi %div3A_511, %sub3A_531 : i32
      %select_n3A_533 = arith.select %and3A_530, %sub3A_532, %div3A_511 : i32
      %jit3A_534 = arith.constant 128 : i32
      %eq3A_535 = arith.constant 0 : i32
      %eq3A_536 = arith.cmpi eq, %jit3A_534, %eq3A_535 : i32
      %jit3A_537 = arith.constant 1 : i32
      %select_n3A_538 = arith.select %eq3A_536, %jit3A_537, %jit3A_534 : i32
      %rem3A_539 = arith.remsi %scan3A_509, %select_n3A_538 : i32
      %ne3A_540 = arith.constant 0 : i32
      %ne3A_541 = arith.cmpi ne, %rem3A_539, %ne3A_540 : i32
      %lt3A_542 = arith.constant 0 : i32
      %lt3A_543 = arith.cmpi slt, %rem3A_539, %lt3A_542 : i32
      %lt3A_544 = arith.constant 0 : i32
      %lt3A_545 = arith.cmpi slt, %select_n3A_538, %lt3A_544 : i32
      %ne3A_546 = arith.xori %lt3A_543, %lt3A_545 : i1
      %and3A_547 = arith.andi %ne3A_546, %ne3A_541 : i1
      %add3A_548 = arith.addi %rem3A_539, %select_n3A_538 : i32
      %select_n3A_549 = arith.select %and3A_547, %add3A_548, %rem3A_539 : i32
      %mul3A_550 = arith.constant 16 : i32
      %mul3A_551 = arith.muli %select_n3A_549, %mul3A_550 : i32
      %get3A_552 = arith.index_cast %select_n3A_533 : i32 to index
      %get3A_553 = arith.index_cast %mul3A_551 : i32 to index
      %get3A_554 = tpu.vector_load %arg7[%get3A_552, %get3A_553] {strides = array<i32>} : memref<8x2048xi32, #tpu.memory_space<vmem>>, vector<16xi32>,
      %max3A_555 = arith.constant -121 : i32
      %max3A_556 = vector.broadcast %max3A_555 : i32 to vector<16xi32>
      %max3A_557 = arith.maxsi %get3A_554, %max3A_556 : vector<16xi32>
      %min3A_558 = arith.constant 126 : i32
      %min3A_559 = vector.broadcast %min3A_558 : i32 to vector<16xi32>
      %min3A_560 = arith.minsi %max3A_557, %min3A_559 : vector<16xi32>
      %add3A_561 = arith.constant 121 : i32
      %add3A_562 = vector.broadcast %add3A_561 : i32 to vector<16xi32>
      %add3A_563 = arith.addi %min3A_560, %add3A_562 : vector<16xi32>
      %gather3A_564 = tpu.vector_load_idx %arg5[%add3A_563] : memref<256xi32, #tpu.memory_space<vmem>>[vector<16xi32>], vector<16xi32>,
      %swap3A_565 = arith.index_cast %select_n3A_533 : i32 to index
      %swap3A_566 = arith.index_cast %mul3A_551 : i32 to index
      %swap3A_567 = tpu.vector_load %arg11[%swap3A_565, %swap3A_566] {strides = array<i32>} : memref<8x2048xi32, #tpu.memory_space<vmem>>, vector<16xi32>,
      tpu.vector_store %arg11[%swap3A_565, %swap3A_566], %gather3A_564 {strides = array<i32>} : memref<8x2048xi32, #tpu.memory_space<vmem>>, vector<16xi32>,
      %scan3A_568 = arith.constant 6 : i32
      %scan3A_569 = arith.addi %scan3A_224, %scan3A_568 : i32
      %jit3A_570 = arith.constant 128 : i32
      %div3A_571 = arith.divsi %scan3A_569, %jit3A_570 : i32
      %sign3A_572 = arith.constant 0 : i32
      %sign3A_573 = arith.cmpi sgt, %scan3A_569, %sign3A_572 : i32
      %sign3A_574 = arith.extui %sign3A_573 : i1 to i32
      %sign3A_575 = arith.constant 0 : i32
      %sign3A_576 = arith.cmpi slt, %scan3A_569, %sign3A_575 : i32
      %sign3A_577 = arith.extui %sign3A_576 : i1 to i32
      %sign3A_578 = arith.subi %sign3A_574, %sign3A_577 : i32
      %sign3A_579 = arith.constant 0 : i32
      %sign3A_580 = arith.cmpi sgt, %jit3A_570, %sign3A_579 : i32
      %sign3A_581 = arith.extui %sign3A_580 : i1 to i32
      %sign3A_582 = arith.constant 0 : i32
      %sign3A_583 = arith.cmpi slt, %jit3A_570, %sign3A_582 : i32
      %sign3A_584 = arith.extui %sign3A_583 : i1 to i32
      %sign3A_585 = arith.subi %sign3A_581, %sign3A_584 : i32
      %ne3A_586 = arith.cmpi ne, %sign3A_578, %sign3A_585 : i32
      %rem3A_587 = arith.remsi %scan3A_569, %jit3A_570 : i32
      %ne3A_588 = arith.constant 0 : i32
      %ne3A_589 = arith.cmpi ne, %rem3A_587, %ne3A_588 : i32
      %and3A_590 = arith.andi %ne3A_586, %ne3A_589 : i1
      %sub3A_591 = arith.constant 1 : i32
      %sub3A_592 = arith.subi %div3A_571, %sub3A_591 : i32
      %select_n3A_593 = arith.select %and3A_590, %sub3A_592, %div3A_571 : i32
      %jit3A_594 = arith.constant 128 : i32
      %eq3A_595 = arith.constant 0 : i32
      %eq3A_596 = arith.cmpi eq, %jit3A_594, %eq3A_595 : i32
      %jit3A_597 = arith.constant 1 : i32
      %select_n3A_598 = arith.select %eq3A_596, %jit3A_597, %jit3A_594 : i32
      %rem3A_599 = arith.remsi %scan3A_569, %select_n3A_598 : i32
      %ne3A_600 = arith.constant 0 : i32
      %ne3A_601 = arith.cmpi ne, %rem3A_599, %ne3A_600 : i32
      %lt3A_602 = arith.constant 0 : i32
      %lt3A_603 = arith.cmpi slt, %rem3A_599, %lt3A_602 : i32
      %lt3A_604 = arith.constant 0 : i32
      %lt3A_605 = arith.cmpi slt, %select_n3A_598, %lt3A_604 : i32
      %ne3A_606 = arith.xori %lt3A_603, %lt3A_605 : i1
      %and3A_607 = arith.andi %ne3A_606, %ne3A_601 : i1
      %add3A_608 = arith.addi %rem3A_599, %select_n3A_598 : i32
      %select_n3A_609 = arith.select %and3A_607, %add3A_608, %rem3A_599 : i32
      %mul3A_610 = arith.constant 16 : i32
      %mul3A_611 = arith.muli %select_n3A_609, %mul3A_610 : i32
      %get3A_612 = arith.index_cast %select_n3A_593 : i32 to index
      %get3A_613 = arith.index_cast %mul3A_611 : i32 to index
      %get3A_614 = tpu.vector_load %arg7[%get3A_612, %get3A_613] {strides = array<i32>} : memref<8x2048xi32, #tpu.memory_space<vmem>>, vector<16xi32>,
      %max3A_615 = arith.constant -121 : i32
      %max3A_616 = vector.broadcast %max3A_615 : i32 to vector<16xi32>
      %max3A_617 = arith.maxsi %get3A_614, %max3A_616 : vector<16xi32>
      %min3A_618 = arith.constant 126 : i32
      %min3A_619 = vector.broadcast %min3A_618 : i32 to vector<16xi32>
      %min3A_620 = arith.minsi %max3A_617, %min3A_619 : vector<16xi32>
      %add3A_621 = arith.constant 121 : i32
      %add3A_622 = vector.broadcast %add3A_621 : i32 to vector<16xi32>
      %add3A_623 = arith.addi %min3A_620, %add3A_622 : vector<16xi32>
      %gather3A_624 = tpu.vector_load_idx %arg5[%add3A_623] : memref<256xi32, #tpu.memory_space<vmem>>[vector<16xi32>], vector<16xi32>,
      %swap3A_625 = arith.index_cast %select_n3A_593 : i32 to index
      %swap3A_626 = arith.index_cast %mul3A_611 : i32 to index
      %swap3A_627 = tpu.vector_load %arg11[%swap3A_625, %swap3A_626] {strides = array<i32>} : memref<8x2048xi32, #tpu.memory_space<vmem>>, vector<16xi32>,
      tpu.vector_store %arg11[%swap3A_625, %swap3A_626], %gather3A_624 {strides = array<i32>} : memref<8x2048xi32, #tpu.memory_space<vmem>>, vector<16xi32>,
      %scan3A_628 = arith.constant 7 : i32
      %scan3A_629 = arith.addi %scan3A_224, %scan3A_628 : i32
      %jit3A_630 = arith.constant 128 : i32
      %div3A_631 = arith.divsi %scan3A_629, %jit3A_630 : i32
      %sign3A_632 = arith.constant 0 : i32
      %sign3A_633 = arith.cmpi sgt, %scan3A_629, %sign3A_632 : i32
      %sign3A_634 = arith.extui %sign3A_633 : i1 to i32
      %sign3A_635 = arith.constant 0 : i32
      %sign3A_636 = arith.cmpi slt, %scan3A_629, %sign3A_635 : i32
      %sign3A_637 = arith.extui %sign3A_636 : i1 to i32
      %sign3A_638 = arith.subi %sign3A_634, %sign3A_637 : i32
      %sign3A_639 = arith.constant 0 : i32
      %sign3A_640 = arith.cmpi sgt, %jit3A_630, %sign3A_639 : i32
      %sign3A_641 = arith.extui %sign3A_640 : i1 to i32
      %sign3A_642 = arith.constant 0 : i32
      %sign3A_643 = arith.cmpi slt, %jit3A_630, %sign3A_642 : i32
      %sign3A_644 = arith.extui %sign3A_643 : i1 to i32
      %sign3A_645 = arith.subi %sign3A_641, %sign3A_644 : i32
      %ne3A_646 = arith.cmpi ne, %sign3A_638, %sign3A_645 : i32
      %rem3A_647 = arith.remsi %scan3A_629, %jit3A_630 : i32
      %ne3A_648 = arith.constant 0 : i32
      %ne3A_649 = arith.cmpi ne, %rem3A_647, %ne3A_648 : i32
      %and3A_650 = arith.andi %ne3A_646, %ne3A_649 : i1
      %sub3A_651 = arith.constant 1 : i32
      %sub3A_652 = arith.subi %div3A_631, %sub3A_651 : i32
      %select_n3A_653 = arith.select %and3A_650, %sub3A_652, %div3A_631 : i32
      %jit3A_654 = arith.constant 128 : i32
      %eq3A_655 = arith.constant 0 : i32
      %eq3A_656 = arith.cmpi eq, %jit3A_654, %eq3A_655 : i32
      %jit3A_657 = arith.constant 1 : i32
      %select_n3A_658 = arith.select %eq3A_656, %jit3A_657, %jit3A_654 : i32
      %rem3A_659 = arith.remsi %scan3A_629, %select_n3A_658 : i32
      %ne3A_660 = arith.constant 0 : i32
      %ne3A_661 = arith.cmpi ne, %rem3A_659, %ne3A_660 : i32
      %lt3A_662 = arith.constant 0 : i32
      %lt3A_663 = arith.cmpi slt, %rem3A_659, %lt3A_662 : i32
      %lt3A_664 = arith.constant 0 : i32
      %lt3A_665 = arith.cmpi slt, %select_n3A_658, %lt3A_664 : i32
      %ne3A_666 = arith.xori %lt3A_663, %lt3A_665 : i1
      %and3A_667 = arith.andi %ne3A_666, %ne3A_661 : i1
      %add3A_668 = arith.addi %rem3A_659, %select_n3A_658 : i32
      %select_n3A_669 = arith.select %and3A_667, %add3A_668, %rem3A_659 : i32
      %mul3A_670 = arith.constant 16 : i32
      %mul3A_671 = arith.muli %select_n3A_669, %mul3A_670 : i32
      %get3A_672 = arith.index_cast %select_n3A_653 : i32 to index
      %get3A_673 = arith.index_cast %mul3A_671 : i32 to index
      %get3A_674 = tpu.vector_load %arg7[%get3A_672, %get3A_673] {strides = array<i32>} : memref<8x2048xi32, #tpu.memory_space<vmem>>, vector<16xi32>,
      %max3A_675 = arith.constant -121 : i32
      %max3A_676 = vector.broadcast %max3A_675 : i32 to vector<16xi32>
      %max3A_677 = arith.maxsi %get3A_674, %max3A_676 : vector<16xi32>
      %min3A_678 = arith.constant 126 : i32
      %min3A_679 = vector.broadcast %min3A_678 : i32 to vector<16xi32>
      %min3A_680 = arith.minsi %max3A_677, %min3A_679 : vector<16xi32>
      %add3A_681 = arith.constant 121 : i32
      %add3A_682 = vector.broadcast %add3A_681 : i32 to vector<16xi32>
      %add3A_683 = arith.addi %min3A_680, %add3A_682 : vector<16xi32>
      %gather3A_684 = tpu.vector_load_idx %arg5[%add3A_683] : memref<256xi32, #tpu.memory_space<vmem>>[vector<16xi32>], vector<16xi32>,
      %swap3A_685 = arith.index_cast %select_n3A_653 : i32 to index
      %swap3A_686 = arith.index_cast %mul3A_671 : i32 to index
      %swap3A_687 = tpu.vector_load %arg11[%swap3A_685, %swap3A_686] {strides = array<i32>} : memref<8x2048xi32, #tpu.memory_space<vmem>>, vector<16xi32>,
      tpu.vector_store %arg11[%swap3A_685, %swap3A_686], %gather3A_684 {strides = array<i32>} : memref<8x2048xi32, #tpu.memory_space<vmem>>, vector<16xi32>,
    }
    %scan3A_187 = arith.constant 1024 : i32
    %add3A_188 = arith.constant 496 : i32
    %add3A_189 = arith.addi %mul3A_2, %add3A_188 : i32
    %dma_start3A_190 = arith.constant 0 : i32
    %dma_start3A_191 = tpu.memref_slice %arg4[%add3A_189, %dma_start3A_190] : memref<16384x2048xi32, #tpu.memory_space<hbm>> -> memref<8x2048xi32, #tpu.memory_space<hbm>>
    %dma_start3A_192 = arith.constant 0 : i32
    %dma_start3A_193 = tpu.memref_slice %arg4[%add3A_189, %dma_start3A_192] : memref<16384x2048xi32, #tpu.memory_space<hbm>> -> memref<8x2048xi32, #tpu.memory_space<hbm>>
    tpu.enqueue_dma source(%arg10 : memref<8x2048xi32, #tpu.memory_space<vmem>>) target(%dma_start3A_193 : memref<8x2048xi32, #tpu.memory_space<hbm>>) target_semaphore(%arg16 : memref<!tpu.dma_semaphore, #tpu.memory_space<semaphore_mem>>)
    %add3A_194 = arith.constant 480 : i32
    %add3A_195 = arith.addi %mul3A_2, %add3A_194 : i32
    %dma_wait3A_196 = arith.constant 0 : i32
    %dma_wait3A_197 = tpu.memref_slice %arg4[%add3A_195, %dma_wait3A_196] : memref<16384x2048xi32, #tpu.memory_space<hbm>> -> memref<8x2048xi32, #tpu.memory_space<hbm>>
    %dma_wait3A_198 = arith.constant 0 : i32
    %dma_wait3A_199 = tpu.memref_slice %arg4[%add3A_195, %dma_wait3A_198] : memref<16384x2048xi32, #tpu.memory_space<hbm>> -> memref<8x2048xi32, #tpu.memory_space<hbm>>
    tpu.wait_dma2 semaphore(%arg14 : memref<!tpu.dma_semaphore, #tpu.memory_space<semaphore_mem>>) src(%arg8 : memref<8x2048xi32, #tpu.memory_space<vmem>>) dst(%dma_wait3A_199 : memref<8x2048xi32, #tpu.memory_space<hbm>>)
    %add3A_200 = arith.constant 488 : i32
    %add3A_201 = arith.addi %mul3A_2, %add3A_200 : i32
    %dma_wait3A_202 = arith.constant 0 : i32
    %dma_wait3A_203 = tpu.memref_slice %arg4[%add3A_201, %dma_wait3A_202] : memref<16384x2048xi32, #tpu.memory_space<hbm>> -> memref<8x2048xi32, #tpu.memory_space<hbm>>
    %dma_wait3A_204 = arith.constant 0 : i32
    %dma_wait3A_205 = tpu.memref_slice %arg4[%add3A_201, %dma_wait3A_204] : memref<16384x2048xi32, #tpu.memory_space<hbm>> -> memref<8x2048xi32, #tpu.memory_space<hbm>>
    tpu.wait_dma2 semaphore(%arg15 : memref<!tpu.dma_semaphore, #tpu.memory_space<semaphore_mem>>) src(%arg9 : memref<8x2048xi32, #tpu.memory_space<vmem>>) dst(%dma_wait3A_205 : memref<8x2048xi32, #tpu.memory_space<hbm>>)
    %add3A_206 = arith.constant 496 : i32
    %add3A_207 = arith.addi %mul3A_2, %add3A_206 : i32
    %dma_wait3A_208 = arith.constant 0 : i32
    %dma_wait3A_209 = tpu.memref_slice %arg4[%add3A_207, %dma_wait3A_208] : memref<16384x2048xi32, #tpu.memory_space<hbm>> -> memref<8x2048xi32, #tpu.memory_space<hbm>>
    %dma_wait3A_210 = arith.constant 0 : i32
    %dma_wait3A_211 = tpu.memref_slice %arg4[%add3A_207, %dma_wait3A_210] : memref<16384x2048xi32, #tpu.memory_space<hbm>> -> memref<8x2048xi32, #tpu.memory_space<hbm>>
    tpu.wait_dma2 semaphore(%arg16 : memref<!tpu.dma_semaphore, #tpu.memory_space<semaphore_mem>>) src(%arg10 : memref<8x2048xi32, #tpu.memory_space<vmem>>) dst(%dma_wait3A_211 : memref<8x2048xi32, #tpu.memory_space<hbm>>)
    %add3A_212 = arith.constant 504 : i32
    %add3A_213 = arith.addi %mul3A_2, %add3A_212 : i32
    %dma_start3A_214 = arith.constant 0 : i32
    %dma_start3A_215 = tpu.memref_slice %arg4[%add3A_213, %dma_start3A_214] : memref<16384x2048xi32, #tpu.memory_space<hbm>> -> memref<8x2048xi32, #tpu.memory_space<hbm>>
    %dma_start3A_216 = arith.constant 0 : i32
    %dma_start3A_217 = tpu.memref_slice %arg4[%add3A_213, %dma_start3A_216] : memref<16384x2048xi32, #tpu.memory_space<hbm>> -> memref<8x2048xi32, #tpu.memory_space<hbm>>
    tpu.enqueue_dma source(%arg11 : memref<8x2048xi32, #tpu.memory_space<vmem>>) target(%dma_start3A_217 : memref<8x2048xi32, #tpu.memory_space<hbm>>) target_semaphore(%arg17 : memref<!tpu.dma_semaphore, #tpu.memory_space<semaphore_mem>>)
    %add3A_218 = arith.constant 504 : i32
    %add3A_219 = arith.addi %mul3A_2, %add3A_218 : i32
    %dma_wait3A_220 = arith.constant 0 : i32
    %dma_wait3A_221 = tpu.memref_slice %arg4[%add3A_219, %dma_wait3A_220] : memref<16384x2048xi32, #tpu.memory_space<hbm>> -> memref<8x2048xi32, #tpu.memory_space<hbm>>
    %dma_wait3A_222 = arith.constant 0 : i32
    %dma_wait3A_223 = tpu.memref_slice %arg4[%add3A_219, %dma_wait3A_222] : memref<16384x2048xi32, #tpu.memory_space<hbm>> -> memref<8x2048xi32, #tpu.memory_space<hbm>>
    tpu.wait_dma2 semaphore(%arg17 : memref<!tpu.dma_semaphore, #tpu.memory_space<semaphore_mem>>) src(%arg11 : memref<8x2048xi32, #tpu.memory_space<vmem>>) dst(%dma_wait3A_223 : memref<8x2048xi32, #tpu.memory_space<hbm>>)
    return
  }
}

</mosaic_0001>

<sc_bundles>
// kernel: kernel.3.cloned.1.call-start
scs
__scs_entry_jumppad:
0x0: {  	(pc) =	sbr.rel $0x88, $3  }
0x1: {  	(tag) =	ssettag $0x0;
	lr =	simm.s32 $0x1  }
0x2: {  	[smem:$0x3F9F] =	sst lr;
	_ =	strace $0xD0000000  }
0x3: {  	_ = 	snop  }
0x4: {  	_ = 	snop  }
0x5: {  	_ = 	snop  }
0x6: {  	_ = 	snop  }
0x7: {  	_ = 	snop  }
__scs_overlays_trampoline_lowered:
0x8: {  	[smem:$0x3FAE] =	sst s0  }
0x9: {  	[smem:$0x3FAF] =	sst s1  }
0xa: {  	[smem:$0x3FB0] =	sst s2  }
0xb: {  	[smem:$0x3FB1] =	sst s3  }
0xc: {  	[smem:$0x3FB2] =	sst s4  }
0xd: {  	[smem:$0x3FB3] =	sst s5  }
0xe: {  	[smem:$0x3FB4] =	sst s6  }
0xf: {  	[smem:$0x3FB5] =	sst s7  }
0x10: {  	[smem:$0x3FB6] =	sst s8  }
0x11: {  	[smem:$0x3FB7] =	sst s9;
	s0 =	simm.s32 @!p0 $0x0  }
0x12: {  	s1 =	sld [smem:$0x3F9D];
	s0 =	simm.s32 @p0 $0x1  }
0x13: {  	[smem:$0x3FB8] =	sst s0;
	s0 =	simm.s32 @!p1 $0x0  }
0x14: {  	s2 =	sld [smem:$0x3F9C];
	s0 =	simm.s32 @p1 $0x1  }
0x15: {  	[smem:$0x3FB9] =	sst s0;
	s0 =	simm.s32 @!p2 $0x0  }
0x16: {  	s3 =	sld [smem:$0x3FDB];
	s0 =	simm.s32 @p2 $0x1  }
0x17: {  	s4 =	simm.s32 $0x1BF5;
	[smem:$0x3FBB] =	sst s0  }
0x18: {  	s0 =	sld [smem:$0x3F9E];
	_ =	swait.ge [sflag:s4], $0x0  }
0x19: {  	s7 =	sld [smem:$0x3F9F]  }
0x1a: {  	s8 =	sadd.s32 $0xFFFFE003, lr  }
0x1b: {  	s9 =	sadd.s32 $0xFFFFFEF7, lr;
	s5 =	simm.s32 $0xFFFFFFFF;
	p2 =	slt.u32 s8, $0xFFFFF086  }
0x1c: {  	p1 =	slt.u32 s9, $0xF7A;
	s5 =	simm.s32 @!p2 $0x0  }
0x1d: {  	s5 =	simm.s32 @p1 $0x1;
	p0 =	seq.s32 s7, s2  }
0x1e: {  	s7 =	smul.u32 @!p0 $0xF7A, s2;
	p2 =	seq.s32 @!p0 s5, $0x0  }
0x1f: {  	s9 =	smul.u32 $0xF7A, s1;
	s8 =	simm.s32 @!p0 $0x1BF5;
	p2 =	por !p2, p0  }
0x20: {  	[sflag:s8] =	ssyncset.s32 @!p0 $0xFFFFF086;
	s6 =	sadd.s32 @!p0 s3, s7;
	s7 =	simm.s32 @!p0 $0x108  }
0x21: {  	s3 =	sadd.s32 s3, s9;
	s6 =	sadd.s32 @!p0 $0x88, s6;
	s7 =	simm.s32 @p2 $0x1082  }
0x22: {  	[simem:s7], [sflag:s8] =	dma.local @!p0 [hbm:s6], $0xF7A  }
0x23: {  	s9 =	sor.u32 $0xD0000000, s2;
	s6 =	simm.s32 $0x108;
	_ =	swait.ge @!p0 [sflag:s8], $0x0  }
0x24: {  	s3 =	sadd.s32 $0x88, s3;
	s6 =	simm.s32 @!p1 $0x1082;
	[sflag:s4] =	ssyncset.s32 $0xFFFFF086  }
0x25: {  	[simem:s6], [sflag:s4] =	dma.local [hbm:s3], $0xF7A  }
0x26: {  	[smem:$0x3F9F] =	sst s1;
	(tag) =	ssettag s2;
	_ =	strace s9  }
0x27: {  	s1 =	sld [smem:$0x3FAF]  }
0x28: {  	s2 =	sld [smem:$0x3FB0]  }
0x29: {  	s4 =	sld [smem:$0x3FB2]  }
0x2a: {  	p0 =	seq.s32 s5, $0x0;
	s5 =	sld [smem:$0x3FB3]  }
0x2b: {  	s6 =	sld [smem:$0x3FB4]  }
0x2c: {  	s7 =	sld [smem:$0x3FB5]  }
0x2d: {  	s3 =	simm.s32 $0x108;
	s8 =	sld [smem:$0x3FB6]  }
0x2e: {  	s3 =	simm.s32 @!p0 $0x1082;
	s9 =	sld [smem:$0x3FB7]  }
0x2f: {  	lr =	sadd.s32 s0, s3;
	s0 =	sld [smem:$0x3FAE]  }
0x30: {  	s3 =	sld [smem:$0x3FB1]  }
0x31: {  	[smem:$0x3FBA] =	sst s10  }
0x32: {  	s10 =	sld [smem:$0x3FB8];
	_ =	sdelay $0x3  }
0x33: {  	p0 =	seq.s32 s10, $0x1;
	s10 =	sld [smem:$0x3FBA];
	_ =	sdelay $0x3  }
0x34: {  	[smem:$0x3FBA] =	sst s10  }
0x35: {  	s10 =	sld [smem:$0x3FB9];
	_ =	sdelay $0x3  }
0x36: {  	p1 =	seq.s32 s10, $0x1;
	s10 =	sld [smem:$0x3FBA];
	_ =	sdelay $0x3  }
0x37: {  	[smem:$0x3FBA] =	sst s10  }
0x38: {  	s10 =	sld [smem:$0x3FBB]  }
0x39: {  	_ = 	snop;
	(pc) =	sbr.ind lr, $3  }
0x3a: {  	_ = 	snop  }
0x3b: {  	_ = 	snop  }
0x3c: {  	p2 =	seq.s32 s10, $0x1;
	s10 =	sld [smem:$0x3FBA]  }
0x3d: {  	_ =	shalt  }
0x3e: {  	_ =	shalt  }
0x3f: {  	_ =	shalt  }
0x40: {  	_ =	shalt  }
0x41: {  	_ =	shalt  }
0x42: {  	_ =	shalt  }
0x43: {  	_ =	shalt  }
0x44: {  	_ =	shalt  }
0x45: {  	_ =	shalt  }
0x46: {  	_ =	shalt  }
0x47: {  	_ =	shalt  }
0x48: {  	_ =	shalt  }
0x49: {  	_ =	shalt  }
0x4a: {  	_ =	shalt  }
0x4b: {  	_ =	shalt  }
0x4c: {  	_ =	shalt  }
0x4d: {  	_ =	shalt  }
0x4e: {  	_ =	shalt  }
0x4f: {  	_ =	shalt  }
0x50: {  	_ =	shalt  }
0x51: {  	_ =	shalt  }
0x52: {  	_ =	shalt  }
0x53: {  	_ =	shalt  }
0x54: {  	_ =	shalt  }
0x55: {  	_ =	shalt  }
0x56: {  	_ =	shalt  }
0x57: {  	_ =	shalt  }
0x58: {  	_ =	shalt  }
0x59: {  	_ =	shalt  }
0x5a: {  	_ =	shalt  }
0x5b: {  	_ =	shalt  }
0x5c: {  	_ =	shalt  }
0x5d: {  	_ =	shalt  }
0x5e: {  	_ =	shalt  }
0x5f: {  	_ =	shalt  }
0x60: {  	_ =	shalt  }
0x61: {  	_ =	shalt  }
0x62: {  	_ =	shalt  }
0x63: {  	_ =	shalt  }
0x64: {  	_ =	shalt  }
0x65: {  	_ =	shalt  }
0x66: {  	_ =	shalt  }
0x67: {  	_ =	shalt  }
0x68: {  	_ =	shalt  }
0x69: {  	_ =	shalt  }
0x6a: {  	_ =	shalt  }
0x6b: {  	_ =	shalt  }
0x6c: {  	_ =	shalt  }
0x6d: {  	_ =	shalt  }
0x6e: {  	_ =	shalt  }
0x6f: {  	_ =	shalt  }
0x70: {  	_ =	shalt  }
0x71: {  	_ =	shalt  }
0x72: {  	_ =	shalt  }
0x73: {  	_ =	shalt  }
0x74: {  	_ =	shalt  }
0x75: {  	_ =	shalt  }
0x76: {  	_ =	shalt  }
0x77: {  	_ =	shalt  }
0x78: {  	_ =	shalt  }
0x79: {  	_ =	shalt  }
0x7a: {  	_ =	shalt  }
0x7b: {  	_ =	shalt  }
0x7c: {  	_ =	shalt  }
0x7d: {  	_ =	shalt  }
0x7e: {  	_ =	shalt  }
0x7f: {  	_ =	shalt  }
0x80: {  	_ =	shalt  }
0x81: {  	_ =	shalt  }
0x82: {  	_ =	shalt  }
0x83: {  	_ =	shalt  }
0x84: {  	_ =	shalt  }
0x85: {  	_ =	shalt  }
0x86: {  	_ =	shalt  }
0x87: {  	_ =	shalt  }
.Lfunc_end0:
.L_simem_size_0:
called_computation_lowered:
.L_overlay_start_0:
0x88: {  	s2 =	sld [smem:$0x3FD9]  }
0x89: {  	s3 =	sld [smem:$0x3FFE];
	_ =	sdelay $0x1  }
0x8a: {  	s1 =	srdreg.scid  }
0x8b: {  	s0 =	sand.u32 $0x1, s1  }
0x8c: {  	s17 =	sshll.u32 s0, $0xA;
	s2 =	sadd.s32 s3, s2  }
0x8d: {  	s2 =	sadd.s32 s2, s17  }
0x8e: {  	[smem:$0x3FC6] =	sst s2  }
0x8f: {  	_ = 	snop  }
0x90: {  	s2 =	sld [smem:$0x3FC9]  }
0x91: {  	s18 =	sld [smem:$0x3FD0];
	(tm) =	ssettm $0x1  }
0x92: {  	s4 =	sld [smem:$0x3FFB];
	_ =	sdelay $0x3  }
0x93: {  	_ =	strace s4  }
0x94: {  	s4 =	sld [smem:$0x3FFC];
	_ =	sdelay $0x3  }
0x95: {  	_ =	strace s4  }
0x96: {  	s4 =	sld [smem:$0x3FFD];
	_ =	sdelay $0x3  }
0x97: {  	_ =	strace s4  }
0x98: {  	_ =	strace $0x8FFFFFFF  }
0x99: {  	s19 =	sld [smem:$0x3FDB];
	_ =	sdelay $0x1  }
0x9a: {  	s5 =	simm.s32 $_scs_section_size  }
0x9b: {  	s6 =	simm.s32 $_size__tile_overlayer_lowered;
	s7 =	simm.s32 $_tile_overlayer_lowered  }
0x9c: {  	s22 =	simm.s32 $0x1BFF;
	s21 =	sshll.u32 s7, $0x1;
	s4 =	sadd.s32 s5, s19  }
0x9d: {  	s8 =	simm.s32 $0x0;
	s20 =	sshll.u32 s6, $0x1;
	s6 =	sadd.s32 s21, s4  }
0x9e: {  	[timem:s8], [sflag:s22] =	dma.local [hbm:s6], s20  }
0x9f: {  	_ =	swait.ge [sflag:s22], s20  }
0xa0: {  	s5 =	ssub.s32 $0x0, s20;
	[sflag:s22] =	ssyncset.done $0x0  }
0xa1: {  	[sflag:s22] =	ssyncadd.s32 s5;
	_ =	sdelay $0x1  }
0xa2: {  	s23 =	simm.s32 $0x1B8B  }
0xa3: {  	_ =	swait.ge [sflag:s23], $0x1  }
0xa4: {  	[sflag:s23] =	ssyncset.done $0x0  }
0xa5: {  	s25 =	simm.s32 $0x1B8E;
	s24 =	sld [smem:$0x3FFE];
	[sflag:s23] =	ssyncadd.s32 $0xFFFFFFFF  }
0xa6: {  	s26 =	simm.s32 $execute0_lowered;
	[smem:$0x3FD2] =	sst s25  }
0xa7: {  	s6 =	sshll.u32 s26, $0x1;
	_ =	strace $0x80000046;
	[dreg:$0x1] =	wrdreg $0xFFFFFFFF  }
0xa8: {  	s28 =	simm.s32 $_size_execute0_lowered;
	s4 =	sadd.s32 s4, s6;
	[dreg:$0x0] =	wrdreg $0x0  }
0xa9: {  	s6 =	sshll.u32 s28, $0x1;
	[dreg:$0x2] =	wrdreg s4  }
0xaa: {  	[dreg:$0x3] =	wrdreg s6  }
0xab: {  	[dreg:$0x4] =	wrdreg $0xC0  }
0xac: {  	_ =	task [dreg:s8], $0x5FFFF  }
0xad: {  	[dreg:$0x1] =	wrdreg $0xFFFFFFFF  }
0xae: {  	[dreg:$0x0] =	wrdreg $0x60  }
0xaf: {  	[dreg:$0x2] =	wrdreg s2  }
0xb0: {  	[dreg:$0x3] =	wrdreg s24  }
0xb1: {  	[dreg:$0x4] =	wrdreg s18  }
0xb2: {  	[dreg:$0x5] =	wrdreg $0x9  }
0xb3: {  	_ =	task.clear_ibuf [dreg:s8], $0x6FFFF;
	_ =	strace $0x90000046  }
0xb4: {  	s29 =	simm.s32 $0x9;
	_ =	strace $0x80000048  }
0xb5: {  	_ =	swait.ge [sflag:s29], $0x1  }
0xb6: {  	[sflag:s29] =	ssyncadd.s32 $0xFFFFFFFF  }
0xb7: {  	_ =	strace $0x90000048  }
0xb8: {  	_ =	sfence  }
0xb9: {  	s30 =	sld [smem:$0x0];
	_ =	sdelay $0x2  }
0xba: {  	s31 =	sshll.u32 s1, $0xD;
	s1 =	sshrl.u32 s1, $0x2  }
0xbb: {  	s3 =	sand.u32 $0x4000, s31;
	s1 =	sadd.s32 s1, s30  }
0xbc: {  	s0 =	sor.u32 s3, s0;
	s1 =	sshll.u32 s1, $0x11  }
0xbd: {  	s0 =	sor.u32 s1, s0  }
0xbe: {  	s0 =	sadd.s32 $0x8F2B, s0  }
0xbf: {  	[sflag:s0] =	ssyncadd.remote.s32 $0x1  }
0xc0: {  	_ =	sfence.sel $0xFFFF  }
0xc1: {  	[dreg:$0x0] =	wrdreg $0xFFFFFFFF;
	(pc) =	sbr.abs _section_cstart, $3  }
0xc2: {  	[dreg:$0x1] =	wrdreg $0xFFFFFFFF  }
0xc3: {  	_ =	task.clear_ibuf [dreg:s8], $0x2FFFF;
	_ =	strace $0x9FFFFFFF  }
0xc4: {  	(tm) =	ssettm $0x7FFFFFFF  }
0xc5: {  	_ =	shalt  }
tec
execute0_lowered:
.L_overlay_start_1:
0x0: {  	(tag) =	ssettag $0x1  }
0x1: {  	s1 =	rddreg [dreg:$0x0]  }
0x2: {  	s0 =	rddreg [dreg:$0x1]  }
0x3: {  	s3 =	rddreg [dreg:$0x2];
	s2 =	srdreg.scid;
	s4 =	simm.s32 $0x0  }
0x4: {  	s5 =	stileid.u32;
	s29 =	simm.s32 $0x100;
	s30 =	simm.s32 $0x4100  }
0x5: {  	s31 =	simm.s32 $0x1;
	s11 =	simm.s32 $0x14100;
	s2 =	sand.u32 $0x1, s2  }
0x6: {  	[smem:$0x7FF] =	sst s4;
	s5 =	sshll.u32 s5, $0xA;
	s6 =	sshll.u32 s2, $0x9  }
0x7: {  	s0 =	sadd.s32 $0x400, s0;
	s2 =	ssub.s32 $0x2, s2;
	s5 =	sor.u32 s6, s5  }
0x8: {  	_ =	strace $0x80000047;
	s14 =	sshrl.u32 s2, $0x1;
	s6 =	sshll.u32 s5, $0x8  }
0x9: {  	[dreg:$0x4] =	wrdreg s0;
	s0 =	ssub.s32 s2, s14;
	s7 =	sadd.s32 s1, s6  }
0xa: {  	s15 =	sor.u32 $0x800, s6;
	s0 =	smax.u32 s0, $0x1;
	[dreg:$0x5] =	wrdreg s7  }
0xb: {  	s8 =	sor.u32 $0x1000, s6;
	s9 =	sadd.s32 s1, s15;
	[dreg:$0x13] =	wrdreg s0  }
0xc: {  	s12 =	simm.s32 $0x4;
	s16 =	sadd.s32 s1, s8;
	[dreg:$0x6] =	wrdreg s9  }
0xd: {  	s13 =	simm.s32 $0x5;
	s17 =	sadd.s32 $0x1800, s7;
	[dreg:$0x7] =	wrdreg s16  }
0xe: {  	s14 =	simm.s32 $0x6;
	s2 =	sadd.s32 s3, s15;
	[dreg:$0x8] =	wrdreg s17  }
0xf: {  	s10 =	sadd.s32 s3, s6;
	s18 =	sadd.s32 $0x2000, s7;
	[dreg:$0x9] =	wrdreg s2  }
0x10: {  	s22 =	sor.u32 $0x1F000, s6;
	s19 =	sadd.s32 s3, s8;
	[dreg:$0xa] =	wrdreg s18  }
0x11: {  	s6 =	sor.u32 $0x1F800, s6;
	s20 =	sadd.s32 $0x2800, s7;
	[dreg:$0xb] =	wrdreg s19  }
0x12: {  	s21 =	sadd.s32 $0x1D800, s10;
	s23 =	sadd.s32 s1, s22;
	[dreg:$0xc] =	wrdreg s20  }
0x13: {  	s24 =	sadd.s32 $0x1E000, s10;
	s25 =	sadd.s32 s1, s6;
	[dreg:$0xd] =	wrdreg s21  }
0x14: {  	s26 =	sadd.s32 s3, s6;
	s28 =	sadd.s32 $0x1E800, s10;
	[dreg:$0xe] =	wrdreg s23  }
0x15: {  	s0 =	simm.s32 $0x2;
	s6 =	simm.s32 $0xC100;
	[dreg:$0xf] =	wrdreg s24  }
0x16: {  	s8 =	simm.s32 $0x10100;
	s15 =	simm.s32 $0x0;
	[dreg:$0x10] =	wrdreg s25  }
0x17: {  	s16 =	sadd.s32 $0xFFFFFFF8, s5;
	s17 =	sor.u32 $0x20, s5;
	[dreg:$0x12] =	wrdreg s26  }
0x18: {  	s18 =	sor.u32 $0x28, s5;
	s2 =	sadd.s32 s3, s22;
	[dreg:$0x14] =	wrdreg s28  }
0x19: {  	s9 =	simm.s32 $0x3;
	[dreg:$0x11] =	wrdreg s2;
	s2 =	simm.s32 $0x8100  }
.LBB2_1:
0x1a: {  	s7 =	rddreg [dreg:$0x4];
	s24 =	simm.s32 $0x7  }
0x1b: {  	[tilespmem:s4], [sflag:$0x7] =	stream.linear.gather [hbm4b:s7+s4], $0x100, $0x38;
	[tilespmem:$0x18100] =	vst v63  }
0x1c: {  	_ =	swait.ge [sflag:s24], $0x100  }
0x1d: {  	[sflag:s24] =	ssyncset.done $0x0  }
0x1e: {  	s25 =	rddreg [dreg:$0x5];
	[sflag:s24] =	ssyncadd.s32 $0xFFFFFF00  }
0x1f: {  	[tilespmem:s29], [sflag:$0x1] =	stream.linear.gather [hbm4b:s25+s4], $0x4000, $0x38;
	[tilespmem:$0x18100] =	vst v63  }
0x20: {  	s26 =	rddreg [dreg:$0x6]  }
0x21: {  	[tilespmem:s30], [sflag:$0x2] =	stream.linear.gather [hbm4b:s26+s4], $0x4000, $0x38;
	[tilespmem:$0x18100] =	vst v63  }
0x22: {  	s19 =	simm.s32 $0x0;
	_ =	swait.ge [sflag:s31], $0x4000  }
0x23: {  	s20 =	sand.u32 $0x3C00, s4;
	s19 =	sand.u32 $0x380, s19;
	[sflag:s31] =	ssyncset.done $0x0  }
0x24: {  	s19 =	sor.u32 s19, s20;
	[sflag:s31] =	ssyncadd.s32 $0xFFFFC000  }
0x25: {  	v0 =	vld [tilespmem:s19+$0x170];
	_ =	sdelay $0x1  }
0x26: {  	v1 =	vld [tilespmem:s19+$0x100]  }
0x27: {  	v2 =	vld [tilespmem:s19+$0x110]  }
0x28: {  	v3 =	vld [tilespmem:s19+$0x120]  }
0x29: {  	s21 =	simm.s32 $0x8;
	s22 =	simm.s32 $0x400;
	v4 =	vld [tilespmem:s19+$0x130];
	vm0 =	vgt.s32 v0, $0xFFFFFF87  }
0x2a: {  	s28 =	sand.u32 $0x380, s21;
	s23 =	sand.u32 $0x3C00, s22;
	v5 =	vld [tilespmem:s19+$0x140];
	v0 =	vnsel vm0, $0xFFFFFF87, v0  }
0x2b: {  	s20 =	sor.u32 s28, s23;
	v6 =	vld [tilespmem:s19+$0x150];
	vm0 =	vlt.s32 v0, $0x7E  }
0x2c: {  	v16 =	vld [tilespmem:s20+$0x140];
	v0 =	vnsel vm0, $0x7E, v0  }
0x2d: {  	v7 =	vld [tilespmem:s19+$0x160];
	vm1 =	vgt.s32 v2, $0xFFFFFF87;
	vm0 =	vgt.s32 v1, $0xFFFFFF87;
	v0 =	vadd.s32 $0x79, v0  }
0x2e: {  	v2 =	vnsel vm1, $0xFFFFFF87, v2;
	v1 =	vnsel vm0, $0xFFFFFF87, v1;
	vm0 =	vgt.s32 v3, $0xFFFFFF87  }
0x2f: {  	vm2 =	vlt.s32 v2, $0x7E;
	v3 =	vnsel vm0, $0xFFFFFF87, v3;
	vm0 =	vgt.s32 v4, $0xFFFFFF87  }
0x30: {  	v17 =	vld [tilespmem:s20+$0x150];
	v2 =	vnsel vm2, $0x7E, v2;
	v4 =	vnsel vm0, $0xFFFFFF87, v4;
	vm0 =	vgt.s32 v5, $0xFFFFFF87  }
0x31: {  	vm2 =	vgt.s32 v16, $0xFFFFFF87;
	v5 =	vnsel vm0, $0xFFFFFF87, v5;
	vm0 =	vgt.s32 v6, $0xFFFFFF87  }
0x32: {  	v2 =	vadd.s32 $0x79, v2;
	v6 =	vnsel vm0, $0xFFFFFF87, v6;
	vm0 =	vgt.s32 v7, $0xFFFFFF87;
	v14 =	vld.idx.msk [tilespmem:v0+s4+$0x0], $0xffff  }
0x33: {  	vm1 =	vlt.s32 v1, $0x7E;
	vm3 =	vlt.s32 v3, $0x7E;
	v0 =	vnsel vm0, $0xFFFFFF87, v7;
	v7 =	vld [tilespmem:s20+$0x170]  }
0x34: {  	v8 =	vld [tilespmem:s20+$0x100];
	v1 =	vnsel vm1, $0x7E, v1;
	vm4 =	vlt.s32 v4, $0x7E;
	v3 =	vnsel vm3, $0x7E, v3  }
0x35: {  	v11 =	vadd.s32 $0x79, v1;
	vm3 =	vgt.s32 v17, $0xFFFFFF87;
	vm5 =	vlt.s32 v5, $0x7E  }
0x36: {  	v10 =	vld [tilespmem:s20+$0x110];
	v4 =	vnsel vm4, $0x7E, v4;
	v3 =	vadd.s32 $0x79, v3;
	vm0 =	vlt.s32 v6, $0x7E  }
0x37: {  	v12 =	vld [tilespmem:s20+$0x120];
	v5 =	vnsel vm5, $0x7E, v5;
	v4 =	vadd.s32 $0x79, v4;
	vm1 =	vlt.s32 v0, $0x7E  }
0x38: {  	v9 =	vld [tilespmem:s20+$0x160];
	v6 =	vnsel vm0, $0x7E, v6;
	v15 =	vadd.s32 $0x79, v5;
	vm0 =	vgt.s32 v7, $0xFFFFFF87  }
0x39: {  	v13 =	vld [tilespmem:s20+$0x130];
	v0 =	vnsel vm1, $0x7E, v0;
	vm1 =	vgt.s32 v8, $0xFFFFFF87;
	v7 =	vnsel vm0, $0xFFFFFF87, v7  }
0x3a: {  	v1 =	vadd.s32 $0x79, v6;
	v5 =	vnsel vm1, $0xFFFFFF87, v8;
	vm1 =	vlt.s32 v7, $0x7E  }
0x3b: {  	v0 =	vadd.s32 $0x79, v0;
	v8 =	vld.idx.msk [tilespmem:v11+s4+$0x0], $0xffff;
	vm0 =	vgt.s32 v10, $0xFFFFFF87;
	v7 =	vnsel vm1, $0x7E, v7  }
0x3c: {  	v6 =	vnsel vm0, $0xFFFFFF87, v10;
	vm0 =	vgt.s32 v12, $0xFFFFFF87;
	v11 =	vadd.s32 $0x79, v7;
	v7 =	vld.idx.msk [tilespmem:v2+s4+$0x0], $0xffff  }
0x3d: {  	[tilespmem:s19+$0x8170] =	vst v14;
	v14 =	vnsel vm3, $0xFFFFFF87, v17;
	vm3 =	vgt.s32 v9, $0xFFFFFF87;
	v10 =	vnsel vm0, $0xFFFFFF87, v12;
	v2 =	vld.idx.msk [tilespmem:v3+s4+$0x0], $0xffff  }
0x3e: {  	vm1 =	vgt.s32 v13, $0xFFFFFF87;
	vm0 =	vlt.s32 v5, $0x7E;
	v12 =	vnsel vm2, $0xFFFFFF87, v16;
	v3 =	vld.idx.msk [tilespmem:v4+s4+$0x0], $0xffff  }
0x3f: {  	v13 =	vnsel vm1, $0xFFFFFF87, v13;
	vm1 =	vlt.s32 v6, $0x7E;
	vm2 =	vlt.s32 v10, $0x7E;
	v4 =	vld.idx.msk [tilespmem:v15+s4+$0x0], $0xffff  }
.LBB2_2:
0x40: {  	s21 =	sadd.s32 $0x8, s21;
	vm4 =	vlt.s32 v13, $0x7E;
	vm5 =	vlt.s32 v12, $0x7E;
	v9 =	vnsel vm3, $0xFFFFFF87, v9;
	s22 =	sadd.s32 $0x400, s22;
	v15 =	vld.idx.msk [tilespmem:v1+s4+$0x0], $0xffff  }
0x41: {  	v1 =	vnsel vm0, $0x7E, v5;
	vm0 =	vlt.s32 v14, $0x7E;
	s23 =	sand.u32 $0x380, s21;
	s24 =	sand.u32 $0x3C00, s22;
	p0 =	slt.u32 s21, $0x3F8;
	vm3 =	vlt.s32 v9, $0x7E;
	v5 =	vld.idx.msk [tilespmem:v11+s4+$0x0], $0xffff;
	[tilespmem:s19+$0x8100] =	vst v8  }
0x42: {  	v6 =	vnsel vm1, $0x7E, v6;
	v8 =	vnsel vm2, $0x7E, v10;
	v10 =	vnsel vm4, $0x7E, v13;
	s23 =	sor.u32 s23, s24;
	[tilespmem:s19+$0x8110] =	vst v7;
	v7 =	vld.idx.msk [tilespmem:v0+s4+$0x0], $0xffff  }
0x43: {  	v0 =	vnsel vm5, $0x7E, v12;
	v12 =	vnsel vm0, $0x7E, v14;
	v9 =	vnsel vm3, $0x7E, v9;
	v11 =	vld [tilespmem:s23+$0x170];
	[tilespmem:s19+$0x8120] =	vst v2  }
0x44: {  	v13 =	vadd.s32 $0x79, v1;
	v14 =	vadd.s32 $0x79, v6;
	v16 =	vadd.s32 $0x79, v8;
	v2 =	vld [tilespmem:s23+$0x100];
	[tilespmem:s19+$0x8130] =	vst v3  }
0x45: {  	v17 =	vadd.s32 $0x79, v10;
	v18 =	vadd.s32 $0x79, v0;
	v1 =	vadd.s32 $0x79, v12;
	v3 =	vld [tilespmem:s23+$0x110];
	[tilespmem:s19+$0x8140] =	vst v4  }
0x46: {  	v0 =	vadd.s32 $0x79, v9;
	v4 =	vld [tilespmem:s23+$0x120];
	[tilespmem:s19+$0x8150] =	vst v15  }
0x47: {  	v12 =	vld [tilespmem:s23+$0x130];
	[tilespmem:s20+$0x8170] =	vst v5  }
0x48: {  	v15 =	vld [tilespmem:s23+$0x140];
	vm0 =	vgt.s32 v11, $0xFFFFFF87;
	[tilespmem:s19+$0x8160] =	vst v7;
	s19 =	smov.u32 s20;
	s20 =	smov.u32 s23  }
0x49: {  	vm1 =	vgt.s32 v2, $0xFFFFFF87;
	v19 =	vld [tilespmem:s20+$0x150];
	v7 =	vnsel vm0, $0xFFFFFF87, v11  }
0x4a: {  	v5 =	vnsel vm1, $0xFFFFFF87, v2;
	vm0 =	vgt.s32 v3, $0xFFFFFF87;
	v9 =	vld [tilespmem:s20+$0x160];
	vm1 =	vlt.s32 v7, $0x7E  }
.Ltmp0:
0x4b: {  	v6 =	vnsel vm0, $0xFFFFFF87, v3;
	vm0 =	vgt.s32 v4, $0xFFFFFF87;
	v2 =	vnsel vm1, $0x7E, v7;
	v8 =	vld.idx.msk [tilespmem:v13+s4+$0x0], $0xffff;
	(pc) =	sbr.rel @p0 .LBB2_2-.Ltmp0, $4  }
0x4c: {  	v10 =	vnsel vm0, $0xFFFFFF87, v4;
	vm1 =	vgt.s32 v12, $0xFFFFFF87;
	v11 =	vadd.s32 $0x79, v2;
	v7 =	vld.idx.msk [tilespmem:v14+s4+$0x0], $0xffff  }
0x4d: {  	vm0 =	vlt.s32 v5, $0x7E;
	v13 =	vnsel vm1, $0xFFFFFF87, v12;
	vm2 =	vgt.s32 v15, $0xFFFFFF87;
	v2 =	vld.idx.msk [tilespmem:v16+s4+$0x0], $0xffff  }
0x4e: {  	vm1 =	vlt.s32 v6, $0x7E;
	v12 =	vnsel vm2, $0xFFFFFF87, v15;
	vm3 =	vgt.s32 v19, $0xFFFFFF87;
	v3 =	vld.idx.msk [tilespmem:v17+s4+$0x0], $0xffff  }
0x4f: {  	vm2 =	vlt.s32 v10, $0x7E;
	v14 =	vnsel vm3, $0xFFFFFF87, v19;
	vm3 =	vgt.s32 v9, $0xFFFFFF87;
	v4 =	vld.idx.msk [tilespmem:v18+s4+$0x0], $0xffff  }
0x50: {  	_ = 	snop  }
0x51: {  	v5 =	vnsel vm0, $0x7E, v5  }
0x52: {  	vm0 =	vlt.s32 v13, $0x7E;
	v6 =	vnsel vm1, $0x7E, v6;
	v5 =	vadd.s32 $0x79, v5  }
0x53: {  	vm1 =	vlt.s32 v12, $0x7E;
	v10 =	vnsel vm2, $0x7E, v10;
	v6 =	vadd.s32 $0x79, v6  }
0x54: {  	v9 =	vnsel vm3, $0xFFFFFF87, v9;
	v1 =	vld.idx.msk [tilespmem:v1+s4+$0x0], $0xffff;
	[tilespmem:s19+$0x8100] =	vst v8;
	v8 =	vnsel vm0, $0x7E, v13;
	v10 =	vadd.s32 $0x79, v10  }
0x55: {  	v11 =	vld.idx.msk [tilespmem:v11+s4+$0x0], $0xffff;
	vm0 =	vlt.s32 v14, $0x7E;
	[tilespmem:s19+$0x8110] =	vst v7;
	v7 =	vnsel vm1, $0x7E, v12;
	v8 =	vadd.s32 $0x79, v8  }
0x56: {  	v0 =	vld.idx.msk [tilespmem:v0+s4+$0x0], $0xffff;
	vm1 =	vlt.s32 v9, $0x7E;
	v12 =	vnsel vm0, $0x7E, v14;
	[tilespmem:s19+$0x8120] =	vst v2;
	v2 =	vadd.s32 $0x79, v7  }
0x57: {  	v7 =	vnsel vm1, $0x7E, v9;
	[tilespmem:s19+$0x8130] =	vst v3;
	v3 =	vadd.s32 $0x79, v12;
	v5 =	vld.idx.msk [tilespmem:v5+s4+$0x0], $0xffff  }
0x58: {  	[tilespmem:s19+$0x8140] =	vst v4;
	v4 =	vadd.s32 $0x79, v7;
	v6 =	vld.idx.msk [tilespmem:v6+s4+$0x0], $0xffff  }
0x59: {  	[tilespmem:s19+$0x8150] =	vst v1;
	v1 =	vld.idx.msk [tilespmem:v10+s4+$0x0], $0xffff  }
0x5a: {  	[tilespmem:s20+$0x8170] =	vst v11;
	v7 =	vld.idx.msk [tilespmem:v8+s4+$0x0], $0xffff  }
0x5b: {  	[tilespmem:s19+$0x8160] =	vst v0;
	v0 =	vld.idx.msk [tilespmem:v2+s4+$0x0], $0xffff  }
0x5c: {  	v2 =	vld.idx.msk [tilespmem:v3+s4+$0x0], $0xffff;
	[tilespmem:s20+$0x8100] =	vst v5  }
0x5d: {  	v3 =	vld.idx.msk [tilespmem:v4+s4+$0x0], $0xffff;
	[tilespmem:s20+$0x8110] =	vst v6  }
0x5e: {  	[tilespmem:s20+$0x8120] =	vst v1  }
0x5f: {  	[tilespmem:s20+$0x8130] =	vst v7  }
0x60: {  	[tilespmem:s20+$0x8140] =	vst v0  }
0x61: {  	[tilespmem:s20+$0x8150] =	vst v2  }
0x62: {  	[tilespmem:s20+$0x8160] =	vst v3  }
0x63: {  	s25 =	simm.s32 $0x0;
	s7 =	rddreg [dreg:$0x7]  }
0x64: {  	[tilespmem:s29], [sflag:$0x1] =	stream.linear.gather [hbm4b:s7+s25], $0x4000, $0x38;
	[tilespmem:$0x18100] =	vst v63  }
0x65: {  	s26 =	simm.s32 $0x0;
	_ =	swait.ge [sflag:s0], $0x4000  }
0x66: {  	s19 =	sand.u32 $0x3C00, s25;
	s20 =	sand.u32 $0x380, s26;
	[sflag:s0] =	ssyncset.done $0x0  }
0x67: {  	s19 =	sor.u32 s20, s19;
	[sflag:s0] =	ssyncadd.s32 $0xFFFFC000  }
0x68: {  	v0 =	vld [tilespmem:s19+$0x4170];
	_ =	sdelay $0x1  }
0x69: {  	v1 =	vld [tilespmem:s19+$0x4100]  }
0x6a: {  	v2 =	vld [tilespmem:s19+$0x4110]  }
0x6b: {  	v3 =	vld [tilespmem:s19+$0x4120]  }
0x6c: {  	s21 =	simm.s32 $0x8;
	s22 =	simm.s32 $0x400;
	v4 =	vld [tilespmem:s19+$0x4130];
	vm0 =	vgt.s32 v0, $0xFFFFFF87  }
0x6d: {  	s28 =	sand.u32 $0x380, s21;
	s23 =	sand.u32 $0x3C00, s22;
	v5 =	vld [tilespmem:s19+$0x4140];
	v0 =	vnsel vm0, $0xFFFFFF87, v0  }
0x6e: {  	s20 =	sor.u32 s28, s23;
	v6 =	vld [tilespmem:s19+$0x4150];
	vm0 =	vlt.s32 v0, $0x7E  }
0x6f: {  	v16 =	vld [tilespmem:s20+$0x4140];
	v0 =	vnsel vm0, $0x7E, v0  }
0x70: {  	v7 =	vld [tilespmem:s19+$0x4160];
	vm1 =	vgt.s32 v2, $0xFFFFFF87;
	vm0 =	vgt.s32 v1, $0xFFFFFF87;
	v0 =	vadd.s32 $0x79, v0  }
0x71: {  	v2 =	vnsel vm1, $0xFFFFFF87, v2;
	v1 =	vnsel vm0, $0xFFFFFF87, v1;
	vm0 =	vgt.s32 v3, $0xFFFFFF87  }
0x72: {  	vm2 =	vlt.s32 v2, $0x7E;
	v3 =	vnsel vm0, $0xFFFFFF87, v3;
	vm0 =	vgt.s32 v4, $0xFFFFFF87  }
0x73: {  	v17 =	vld [tilespmem:s20+$0x4150];
	v2 =	vnsel vm2, $0x7E, v2;
	v4 =	vnsel vm0, $0xFFFFFF87, v4;
	vm0 =	vgt.s32 v5, $0xFFFFFF87  }
0x74: {  	vm2 =	vgt.s32 v16, $0xFFFFFF87;
	v5 =	vnsel vm0, $0xFFFFFF87, v5;
	vm0 =	vgt.s32 v6, $0xFFFFFF87  }
0x75: {  	v2 =	vadd.s32 $0x79, v2;
	v6 =	vnsel vm0, $0xFFFFFF87, v6;
	vm0 =	vgt.s32 v7, $0xFFFFFF87;
	v14 =	vld.idx.msk [tilespmem:v0+s4+$0x0], $0xffff  }
0x76: {  	vm1 =	vlt.s32 v1, $0x7E;
	vm3 =	vlt.s32 v3, $0x7E;
	v0 =	vnsel vm0, $0xFFFFFF87, v7;
	v7 =	vld [tilespmem:s20+$0x4170]  }
0x77: {  	v8 =	vld [tilespmem:s20+$0x4100];
	v1 =	vnsel vm1, $0x7E, v1;
	vm4 =	vlt.s32 v4, $0x7E;
	v3 =	vnsel vm3, $0x7E, v3  }
0x78: {  	v11 =	vadd.s32 $0x79, v1;
	vm3 =	vgt.s32 v17, $0xFFFFFF87;
	vm5 =	vlt.s32 v5, $0x7E  }
0x79: {  	v10 =	vld [tilespmem:s20+$0x4110];
	v4 =	vnsel vm4, $0x7E, v4;
	v3 =	vadd.s32 $0x79, v3;
	vm0 =	vlt.s32 v6, $0x7E  }
0x7a: {  	v12 =	vld [tilespmem:s20+$0x4120];
	v5 =	vnsel vm5, $0x7E, v5;
	v4 =	vadd.s32 $0x79, v4;
	vm1 =	vlt.s32 v0, $0x7E  }
0x7b: {  	v9 =	vld [tilespmem:s20+$0x4160];
	v6 =	vnsel vm0, $0x7E, v6;
	v15 =	vadd.s32 $0x79, v5;
	vm0 =	vgt.s32 v7, $0xFFFFFF87  }
0x7c: {  	v13 =	vld [tilespmem:s20+$0x4130];
	v0 =	vnsel vm1, $0x7E, v0;
	vm1 =	vgt.s32 v8, $0xFFFFFF87;
	v7 =	vnsel vm0, $0xFFFFFF87, v7  }
0x7d: {  	v1 =	vadd.s32 $0x79, v6;
	v5 =	vnsel vm1, $0xFFFFFF87, v8;
	vm1 =	vlt.s32 v7, $0x7E  }
0x7e: {  	v0 =	vadd.s32 $0x79, v0;
	v8 =	vld.idx.msk [tilespmem:v11+s4+$0x0], $0xffff;
	vm0 =	vgt.s32 v10, $0xFFFFFF87;
	v7 =	vnsel vm1, $0x7E, v7  }
0x7f: {  	v6 =	vnsel vm0, $0xFFFFFF87, v10;
	vm0 =	vgt.s32 v12, $0xFFFFFF87;
	v11 =	vadd.s32 $0x79, v7;
	v7 =	vld.idx.msk [tilespmem:v2+s4+$0x0], $0xffff  }
0x80: {  	[tilespmem:s19+$0xC170] =	vst v14;
	v14 =	vnsel vm3, $0xFFFFFF87, v17;
	vm3 =	vgt.s32 v9, $0xFFFFFF87;
	v10 =	vnsel vm0, $0xFFFFFF87, v12;
	v2 =	vld.idx.msk [tilespmem:v3+s4+$0x0], $0xffff  }
0x81: {  	vm1 =	vgt.s32 v13, $0xFFFFFF87;
	vm0 =	vlt.s32 v5, $0x7E;
	v12 =	vnsel vm2, $0xFFFFFF87, v16;
	v3 =	vld.idx.msk [tilespmem:v4+s4+$0x0], $0xffff  }
0x82: {  	v13 =	vnsel vm1, $0xFFFFFF87, v13;
	vm1 =	vlt.s32 v6, $0x7E;
	vm2 =	vlt.s32 v10, $0x7E;
	v4 =	vld.idx.msk [tilespmem:v15+s4+$0x0], $0xffff  }
.LBB2_4:
0x83: {  	s21 =	sadd.s32 $0x8, s21;
	vm4 =	vlt.s32 v13, $0x7E;
	vm5 =	vlt.s32 v12, $0x7E;
	v9 =	vnsel vm3, $0xFFFFFF87, v9;
	s22 =	sadd.s32 $0x400, s22;
	v15 =	vld.idx.msk [tilespmem:v1+s4+$0x0], $0xffff  }
0x84: {  	v1 =	vnsel vm0, $0x7E, v5;
	vm0 =	vlt.s32 v14, $0x7E;
	s23 =	sand.u32 $0x380, s21;
	s24 =	sand.u32 $0x3C00, s22;
	p0 =	slt.u32 s21, $0x3F8;
	vm3 =	vlt.s32 v9, $0x7E;
	v5 =	vld.idx.msk [tilespmem:v11+s4+$0x0], $0xffff;
	[tilespmem:s19+$0xC100] =	vst v8  }
0x85: {  	v6 =	vnsel vm1, $0x7E, v6;
	v8 =	vnsel vm2, $0x7E, v10;
	v10 =	vnsel vm4, $0x7E, v13;
	s23 =	sor.u32 s23, s24;
	[tilespmem:s19+$0xC110] =	vst v7;
	v7 =	vld.idx.msk [tilespmem:v0+s4+$0x0], $0xffff  }
0x86: {  	v0 =	vnsel vm5, $0x7E, v12;
	v12 =	vnsel vm0, $0x7E, v14;
	v9 =	vnsel vm3, $0x7E, v9;
	v11 =	vld [tilespmem:s23+$0x4170];
	[tilespmem:s19+$0xC120] =	vst v2  }
0x87: {  	v13 =	vadd.s32 $0x79, v1;
	v14 =	vadd.s32 $0x79, v6;
	v16 =	vadd.s32 $0x79, v8;
	v2 =	vld [tilespmem:s23+$0x4100];
	[tilespmem:s19+$0xC130] =	vst v3  }
0x88: {  	v17 =	vadd.s32 $0x79, v10;
	v18 =	vadd.s32 $0x79, v0;
	v1 =	vadd.s32 $0x79, v12;
	v3 =	vld [tilespmem:s23+$0x4110];
	[tilespmem:s19+$0xC140] =	vst v4  }
0x89: {  	v0 =	vadd.s32 $0x79, v9;
	v4 =	vld [tilespmem:s23+$0x4120];
	[tilespmem:s19+$0xC150] =	vst v15  }
0x8a: {  	v12 =	vld [tilespmem:s23+$0x4130];
	[tilespmem:s20+$0xC170] =	vst v5  }
0x8b: {  	v15 =	vld [tilespmem:s23+$0x4140];
	vm0 =	vgt.s32 v11, $0xFFFFFF87;
	[tilespmem:s19+$0xC160] =	vst v7;
	s19 =	smov.u32 s20;
	s20 =	smov.u32 s23  }
0x8c: {  	vm1 =	vgt.s32 v2, $0xFFFFFF87;
	v19 =	vld [tilespmem:s20+$0x4150];
	v7 =	vnsel vm0, $0xFFFFFF87, v11  }
0x8d: {  	v5 =	vnsel vm1, $0xFFFFFF87, v2;
	vm0 =	vgt.s32 v3, $0xFFFFFF87;
	v9 =	vld [tilespmem:s20+$0x4160];
	vm1 =	vlt.s32 v7, $0x7E  }
.Ltmp1:
0x8e: {  	v6 =	vnsel vm0, $0xFFFFFF87, v3;
	vm0 =	vgt.s32 v4, $0xFFFFFF87;
	v2 =	vnsel vm1, $0x7E, v7;
	v8 =	vld.idx.msk [tilespmem:v13+s4+$0x0], $0xffff;
	(pc) =	sbr.rel @p0 .LBB2_4-.Ltmp1, $4  }
0x8f: {  	v10 =	vnsel vm0, $0xFFFFFF87, v4;
	vm1 =	vgt.s32 v12, $0xFFFFFF87;
	v11 =	vadd.s32 $0x79, v2;
	v7 =	vld.idx.msk [tilespmem:v14+s4+$0x0], $0xffff  }
0x90: {  	vm0 =	vlt.s32 v5, $0x7E;
	v13 =	vnsel vm1, $0xFFFFFF87, v12;
	vm2 =	vgt.s32 v15, $0xFFFFFF87;
	v2 =	vld.idx.msk [tilespmem:v16+s4+$0x0], $0xffff  }
0x91: {  	vm1 =	vlt.s32 v6, $0x7E;
	v12 =	vnsel vm2, $0xFFFFFF87, v15;
	vm3 =	vgt.s32 v19, $0xFFFFFF87;
	v3 =	vld.idx.msk [tilespmem:v17+s4+$0x0], $0xffff  }
0x92: {  	vm2 =	vlt.s32 v10, $0x7E;
	v14 =	vnsel vm3, $0xFFFFFF87, v19;
	vm3 =	vgt.s32 v9, $0xFFFFFF87;
	v4 =	vld.idx.msk [tilespmem:v18+s4+$0x0], $0xffff  }
0x93: {  	_ = 	snop  }
0x94: {  	v5 =	vnsel vm0, $0x7E, v5  }
0x95: {  	vm0 =	vlt.s32 v13, $0x7E;
	v6 =	vnsel vm1, $0x7E, v6;
	v5 =	vadd.s32 $0x79, v5  }
0x96: {  	vm1 =	vlt.s32 v12, $0x7E;
	v10 =	vnsel vm2, $0x7E, v10;
	v6 =	vadd.s32 $0x79, v6  }
0x97: {  	v9 =	vnsel vm3, $0xFFFFFF87, v9;
	v1 =	vld.idx.msk [tilespmem:v1+s4+$0x0], $0xffff;
	[tilespmem:s19+$0xC100] =	vst v8;
	v8 =	vnsel vm0, $0x7E, v13;
	v10 =	vadd.s32 $0x79, v10  }
0x98: {  	v11 =	vld.idx.msk [tilespmem:v11+s4+$0x0], $0xffff;
	vm0 =	vlt.s32 v14, $0x7E;
	[tilespmem:s19+$0xC110] =	vst v7;
	v7 =	vnsel vm1, $0x7E, v12;
	v8 =	vadd.s32 $0x79, v8  }
0x99: {  	v0 =	vld.idx.msk [tilespmem:v0+s4+$0x0], $0xffff;
	vm1 =	vlt.s32 v9, $0x7E;
	v12 =	vnsel vm0, $0x7E, v14;
	[tilespmem:s19+$0xC120] =	vst v2;
	v2 =	vadd.s32 $0x79, v7  }
0x9a: {  	v7 =	vnsel vm1, $0x7E, v9;
	[tilespmem:s19+$0xC130] =	vst v3;
	v3 =	vadd.s32 $0x79, v12;
	v5 =	vld.idx.msk [tilespmem:v5+s4+$0x0], $0xffff  }
0x9b: {  	[tilespmem:s19+$0xC140] =	vst v4;
	v4 =	vadd.s32 $0x79, v7;
	v6 =	vld.idx.msk [tilespmem:v6+s4+$0x0], $0xffff  }
0x9c: {  	[tilespmem:s19+$0xC150] =	vst v1;
	v1 =	vld.idx.msk [tilespmem:v10+s4+$0x0], $0xffff  }
0x9d: {  	[tilespmem:s20+$0xC170] =	vst v11;
	v7 =	vld.idx.msk [tilespmem:v8+s4+$0x0], $0xffff  }
0x9e: {  	[tilespmem:s19+$0xC160] =	vst v0;
	v0 =	vld.idx.msk [tilespmem:v2+s4+$0x0], $0xffff  }
0x9f: {  	v2 =	vld.idx.msk [tilespmem:v3+s4+$0x0], $0xffff;
	[tilespmem:s20+$0xC100] =	vst v5  }
0xa0: {  	v3 =	vld.idx.msk [tilespmem:v4+s4+$0x0], $0xffff;
	[tilespmem:s20+$0xC110] =	vst v6  }
0xa1: {  	[tilespmem:s20+$0xC120] =	vst v1  }
0xa2: {  	[tilespmem:s20+$0xC130] =	vst v7  }
0xa3: {  	[tilespmem:s20+$0xC140] =	vst v0  }
0xa4: {  	[tilespmem:s20+$0xC150] =	vst v2  }
0xa5: {  	s25 =	simm.s32 $0x0;
	[tilespmem:s20+$0xC160] =	vst v3  }
0xa6: {  	[hbm4b:s10+s25] =	stream.linear.scatter [tilespmem:s2], [sflag:$0x3], $0x4000, $0x38;
	[tilespmem:$0x18100] =	vst v63  }
0xa7: {  	s7 =	rddreg [dreg:$0x8]  }
0xa8: {  	[tilespmem:s30], [sflag:$0x2] =	stream.linear.gather [hbm4b:s7+s25], $0x4000, $0x38;
	[tilespmem:$0x18100] =	vst v63  }
0xa9: {  	s26 =	simm.s32 $0x0;
	_ =	swait.ge [sflag:s31], $0x4000  }
0xaa: {  	s19 =	sand.u32 $0x3C00, s25;
	s20 =	sand.u32 $0x380, s26;
	[sflag:s31] =	ssyncset.done $0x0  }
0xab: {  	s19 =	sor.u32 s20, s19;
	[sflag:s31] =	ssyncadd.s32 $0xFFFFC000  }
0xac: {  	v0 =	vld [tilespmem:s19+$0x170];
	_ =	sdelay $0x1  }
0xad: {  	v1 =	vld [tilespmem:s19+$0x100]  }
0xae: {  	v2 =	vld [tilespmem:s19+$0x110]  }
0xaf: {  	v3 =	vld [tilespmem:s19+$0x120]  }
0xb0: {  	s21 =	simm.s32 $0x8;
	s22 =	simm.s32 $0x400;
	v4 =	vld [tilespmem:s19+$0x130];
	vm0 =	vgt.s32 v0, $0xFFFFFF87  }
0xb1: {  	s28 =	sand.u32 $0x380, s21;
	s23 =	sand.u32 $0x3C00, s22;
	v5 =	vld [tilespmem:s19+$0x140];
	v0 =	vnsel vm0, $0xFFFFFF87, v0  }
0xb2: {  	s20 =	sor.u32 s28, s23;
	v6 =	vld [tilespmem:s19+$0x150];
	vm0 =	vlt.s32 v0, $0x7E  }
0xb3: {  	v16 =	vld [tilespmem:s20+$0x140];
	v0 =	vnsel vm0, $0x7E, v0  }
0xb4: {  	v7 =	vld [tilespmem:s19+$0x160];
	vm1 =	vgt.s32 v2, $0xFFFFFF87;
	vm0 =	vgt.s32 v1, $0xFFFFFF87;
	v0 =	vadd.s32 $0x79, v0  }
0xb5: {  	v2 =	vnsel vm1, $0xFFFFFF87, v2;
	v1 =	vnsel vm0, $0xFFFFFF87, v1;
	vm0 =	vgt.s32 v3, $0xFFFFFF87  }
0xb6: {  	vm2 =	vlt.s32 v2, $0x7E;
	v3 =	vnsel vm0, $0xFFFFFF87, v3;
	vm0 =	vgt.s32 v4, $0xFFFFFF87  }
0xb7: {  	v17 =	vld [tilespmem:s20+$0x150];
	v2 =	vnsel vm2, $0x7E, v2;
	v4 =	vnsel vm0, $0xFFFFFF87, v4;
	vm0 =	vgt.s32 v5, $0xFFFFFF87  }
0xb8: {  	vm2 =	vgt.s32 v16, $0xFFFFFF87;
	v5 =	vnsel vm0, $0xFFFFFF87, v5;
	vm0 =	vgt.s32 v6, $0xFFFFFF87  }
0xb9: {  	v2 =	vadd.s32 $0x79, v2;
	v6 =	vnsel vm0, $0xFFFFFF87, v6;
	vm0 =	vgt.s32 v7, $0xFFFFFF87;
	v14 =	vld.idx.msk [tilespmem:v0+s4+$0x0], $0xffff  }
0xba: {  	vm1 =	vlt.s32 v1, $0x7E;
	vm3 =	vlt.s32 v3, $0x7E;
	v0 =	vnsel vm0, $0xFFFFFF87, v7;
	v7 =	vld [tilespmem:s20+$0x170]  }
0xbb: {  	v8 =	vld [tilespmem:s20+$0x100];
	v1 =	vnsel vm1, $0x7E, v1;
	vm4 =	vlt.s32 v4, $0x7E;
	v3 =	vnsel vm3, $0x7E, v3  }
0xbc: {  	v11 =	vadd.s32 $0x79, v1;
	vm3 =	vgt.s32 v17, $0xFFFFFF87;
	vm5 =	vlt.s32 v5, $0x7E  }
0xbd: {  	v10 =	vld [tilespmem:s20+$0x110];
	v4 =	vnsel vm4, $0x7E, v4;
	v3 =	vadd.s32 $0x79, v3;
	vm0 =	vlt.s32 v6, $0x7E  }
0xbe: {  	v12 =	vld [tilespmem:s20+$0x120];
	v5 =	vnsel vm5, $0x7E, v5;
	v4 =	vadd.s32 $0x79, v4;
	vm1 =	vlt.s32 v0, $0x7E  }
0xbf: {  	v9 =	vld [tilespmem:s20+$0x160];
	v6 =	vnsel vm0, $0x7E, v6;
	v15 =	vadd.s32 $0x79, v5;
	vm0 =	vgt.s32 v7, $0xFFFFFF87  }
0xc0: {  	v13 =	vld [tilespmem:s20+$0x130];
	v0 =	vnsel vm1, $0x7E, v0;
	vm1 =	vgt.s32 v8, $0xFFFFFF87;
	v7 =	vnsel vm0, $0xFFFFFF87, v7  }
0xc1: {  	v1 =	vadd.s32 $0x79, v6;
	v5 =	vnsel vm1, $0xFFFFFF87, v8;
	vm1 =	vlt.s32 v7, $0x7E  }
0xc2: {  	v0 =	vadd.s32 $0x79, v0;
	v8 =	vld.idx.msk [tilespmem:v11+s4+$0x0], $0xffff;
	vm0 =	vgt.s32 v10, $0xFFFFFF87;
	v7 =	vnsel vm1, $0x7E, v7  }
0xc3: {  	v6 =	vnsel vm0, $0xFFFFFF87, v10;
	vm0 =	vgt.s32 v12, $0xFFFFFF87;
	v11 =	vadd.s32 $0x79, v7;
	v7 =	vld.idx.msk [tilespmem:v2+s4+$0x0], $0xffff  }
0xc4: {  	[tilespmem:s19+$0x10170] =	vst v14;
	v14 =	vnsel vm3, $0xFFFFFF87, v17;
	vm3 =	vgt.s32 v9, $0xFFFFFF87;
	v10 =	vnsel vm0, $0xFFFFFF87, v12;
	v2 =	vld.idx.msk [tilespmem:v3+s4+$0x0], $0xffff  }
0xc5: {  	vm1 =	vgt.s32 v13, $0xFFFFFF87;
	vm0 =	vlt.s32 v5, $0x7E;
	v12 =	vnsel vm2, $0xFFFFFF87, v16;
	v3 =	vld.idx.msk [tilespmem:v4+s4+$0x0], $0xffff  }
0xc6: {  	v13 =	vnsel vm1, $0xFFFFFF87, v13;
	vm1 =	vlt.s32 v6, $0x7E;
	vm2 =	vlt.s32 v10, $0x7E;
	v4 =	vld.idx.msk [tilespmem:v15+s4+$0x0], $0xffff  }
.LBB2_6:
0xc7: {  	s21 =	sadd.s32 $0x8, s21;
	vm4 =	vlt.s32 v13, $0x7E;
	vm5 =	vlt.s32 v12, $0x7E;
	v9 =	vnsel vm3, $0xFFFFFF87, v9;
	s22 =	sadd.s32 $0x400, s22;
	v15 =	vld.idx.msk [tilespmem:v1+s4+$0x0], $0xffff  }
0xc8: {  	v1 =	vnsel vm0, $0x7E, v5;
	vm0 =	vlt.s32 v14, $0x7E;
	s23 =	sand.u32 $0x380, s21;
	s24 =	sand.u32 $0x3C00, s22;
	p0 =	slt.u32 s21, $0x3F8;
	vm3 =	vlt.s32 v9, $0x7E;
	v5 =	vld.idx.msk [tilespmem:v11+s4+$0x0], $0xffff;
	[tilespmem:s19+$0x10100] =	vst v8  }
0xc9: {  	v6 =	vnsel vm1, $0x7E, v6;
	v8 =	vnsel vm2, $0x7E, v10;
	v10 =	vnsel vm4, $0x7E, v13;
	s23 =	sor.u32 s23, s24;
	[tilespmem:s19+$0x10110] =	vst v7;
	v7 =	vld.idx.msk [tilespmem:v0+s4+$0x0], $0xffff  }
0xca: {  	v0 =	vnsel vm5, $0x7E, v12;
	v12 =	vnsel vm0, $0x7E, v14;
	v9 =	vnsel vm3, $0x7E, v9;
	v11 =	vld [tilespmem:s23+$0x170];
	[tilespmem:s19+$0x10120] =	vst v2  }
0xcb: {  	v13 =	vadd.s32 $0x79, v1;
	v14 =	vadd.s32 $0x79, v6;
	v16 =	vadd.s32 $0x79, v8;
	v2 =	vld [tilespmem:s23+$0x100];
	[tilespmem:s19+$0x10130] =	vst v3  }
0xcc: {  	v17 =	vadd.s32 $0x79, v10;
	v18 =	vadd.s32 $0x79, v0;
	v1 =	vadd.s32 $0x79, v12;
	v3 =	vld [tilespmem:s23+$0x110];
	[tilespmem:s19+$0x10140] =	vst v4  }
0xcd: {  	v0 =	vadd.s32 $0x79, v9;
	v4 =	vld [tilespmem:s23+$0x120];
	[tilespmem:s19+$0x10150] =	vst v15  }
0xce: {  	v12 =	vld [tilespmem:s23+$0x130];
	[tilespmem:s20+$0x10170] =	vst v5  }
0xcf: {  	v15 =	vld [tilespmem:s23+$0x140];
	vm0 =	vgt.s32 v11, $0xFFFFFF87;
	[tilespmem:s19+$0x10160] =	vst v7;
	s19 =	smov.u32 s20;
	s20 =	smov.u32 s23  }
0xd0: {  	vm1 =	vgt.s32 v2, $0xFFFFFF87;
	v19 =	vld [tilespmem:s20+$0x150];
	v7 =	vnsel vm0, $0xFFFFFF87, v11  }
0xd1: {  	v5 =	vnsel vm1, $0xFFFFFF87, v2;
	vm0 =	vgt.s32 v3, $0xFFFFFF87;
	v9 =	vld [tilespmem:s20+$0x160];
	vm1 =	vlt.s32 v7, $0x7E  }
.Ltmp2:
0xd2: {  	v6 =	vnsel vm0, $0xFFFFFF87, v3;
	vm0 =	vgt.s32 v4, $0xFFFFFF87;
	v2 =	vnsel vm1, $0x7E, v7;
	v8 =	vld.idx.msk [tilespmem:v13+s4+$0x0], $0xffff;
	(pc) =	sbr.rel @p0 .LBB2_6-.Ltmp2, $4  }
0xd3: {  	v10 =	vnsel vm0, $0xFFFFFF87, v4;
	vm1 =	vgt.s32 v12, $0xFFFFFF87;
	v11 =	vadd.s32 $0x79, v2;
	v7 =	vld.idx.msk [tilespmem:v14+s4+$0x0], $0xffff  }
0xd4: {  	vm0 =	vlt.s32 v5, $0x7E;
	v13 =	vnsel vm1, $0xFFFFFF87, v12;
	vm2 =	vgt.s32 v15, $0xFFFFFF87;
	v2 =	vld.idx.msk [tilespmem:v16+s4+$0x0], $0xffff  }
0xd5: {  	vm1 =	vlt.s32 v6, $0x7E;
	v12 =	vnsel vm2, $0xFFFFFF87, v15;
	vm3 =	vgt.s32 v19, $0xFFFFFF87;
	v3 =	vld.idx.msk [tilespmem:v17+s4+$0x0], $0xffff  }
0xd6: {  	vm2 =	vlt.s32 v10, $0x7E;
	v14 =	vnsel vm3, $0xFFFFFF87, v19;
	vm3 =	vgt.s32 v9, $0xFFFFFF87;
	v4 =	vld.idx.msk [tilespmem:v18+s4+$0x0], $0xffff  }
0xd7: {  	_ = 	snop  }
0xd8: {  	v5 =	vnsel vm0, $0x7E, v5  }
0xd9: {  	vm0 =	vlt.s32 v13, $0x7E;
	v6 =	vnsel vm1, $0x7E, v6;
	v5 =	vadd.s32 $0x79, v5  }
0xda: {  	vm1 =	vlt.s32 v12, $0x7E;
	v10 =	vnsel vm2, $0x7E, v10;
	v6 =	vadd.s32 $0x79, v6  }
0xdb: {  	v9 =	vnsel vm3, $0xFFFFFF87, v9;
	v1 =	vld.idx.msk [tilespmem:v1+s4+$0x0], $0xffff;
	[tilespmem:s19+$0x10100] =	vst v8;
	v8 =	vnsel vm0, $0x7E, v13;
	v10 =	vadd.s32 $0x79, v10  }
0xdc: {  	v11 =	vld.idx.msk [tilespmem:v11+s4+$0x0], $0xffff;
	vm0 =	vlt.s32 v14, $0x7E;
	[tilespmem:s19+$0x10110] =	vst v7;
	v7 =	vnsel vm1, $0x7E, v12;
	v8 =	vadd.s32 $0x79, v8  }
0xdd: {  	v0 =	vld.idx.msk [tilespmem:v0+s4+$0x0], $0xffff;
	vm1 =	vlt.s32 v9, $0x7E;
	v12 =	vnsel vm0, $0x7E, v14;
	[tilespmem:s19+$0x10120] =	vst v2;
	v2 =	vadd.s32 $0x79, v7  }
0xde: {  	v7 =	vnsel vm1, $0x7E, v9;
	[tilespmem:s19+$0x10130] =	vst v3;
	v3 =	vadd.s32 $0x79, v12;
	v5 =	vld.idx.msk [tilespmem:v5+s4+$0x0], $0xffff  }
0xdf: {  	[tilespmem:s19+$0x10140] =	vst v4;
	v4 =	vadd.s32 $0x79, v7;
	v6 =	vld.idx.msk [tilespmem:v6+s4+$0x0], $0xffff  }
0xe0: {  	[tilespmem:s19+$0x10150] =	vst v1;
	v1 =	vld.idx.msk [tilespmem:v10+s4+$0x0], $0xffff  }
0xe1: {  	[tilespmem:s20+$0x10170] =	vst v11;
	v7 =	vld.idx.msk [tilespmem:v8+s4+$0x0], $0xffff  }
0xe2: {  	[tilespmem:s19+$0x10160] =	vst v0;
	v0 =	vld.idx.msk [tilespmem:v2+s4+$0x0], $0xffff  }
0xe3: {  	v2 =	vld.idx.msk [tilespmem:v3+s4+$0x0], $0xffff;
	[tilespmem:s20+$0x10100] =	vst v5  }
0xe4: {  	v3 =	vld.idx.msk [tilespmem:v4+s4+$0x0], $0xffff;
	[tilespmem:s20+$0x10110] =	vst v6  }
0xe5: {  	[tilespmem:s20+$0x10120] =	vst v1  }
0xe6: {  	[tilespmem:s20+$0x10130] =	vst v7  }
0xe7: {  	[tilespmem:s20+$0x10140] =	vst v0  }
0xe8: {  	[tilespmem:s20+$0x10150] =	vst v2  }
0xe9: {  	[tilespmem:s20+$0x10160] =	vst v3  }
0xea: {  	s24 =	simm.s32 $0x0;
	s7 =	rddreg [dreg:$0x9]  }
0xeb: {  	[hbm4b:s7+s24] =	stream.linear.scatter [tilespmem:s6], [sflag:$0x4], $0x4000, $0x38;
	[tilespmem:$0x18100] =	vst v63  }
0xec: {  	s25 =	rddreg [dreg:$0xa]  }
0xed: {  	[tilespmem:s29], [sflag:$0x1] =	stream.linear.gather [hbm4b:s25+s24], $0x4000, $0x38;
	[tilespmem:$0x18100] =	vst v63  }
0xee: {  	s26 =	simm.s32 $0x0;
	_ =	swait.ge [sflag:s0], $0x4000  }
0xef: {  	s19 =	sand.u32 $0x3C00, s24;
	s20 =	sand.u32 $0x380, s26;
	[sflag:s0] =	ssyncset.done $0x0  }
0xf0: {  	s19 =	sor.u32 s20, s19;
	[sflag:s0] =	ssyncadd.s32 $0xFFFFC000  }
0xf1: {  	v0 =	vld [tilespmem:s19+$0x4170];
	_ =	sdelay $0x1  }
0xf2: {  	v1 =	vld [tilespmem:s19+$0x4100]  }
0xf3: {  	v2 =	vld [tilespmem:s19+$0x4110]  }
0xf4: {  	v3 =	vld [tilespmem:s19+$0x4120]  }
0xf5: {  	s21 =	simm.s32 $0x8;
	s22 =	simm.s32 $0x400;
	v4 =	vld [tilespmem:s19+$0x4130];
	vm0 =	vgt.s32 v0, $0xFFFFFF87  }
0xf6: {  	s28 =	sand.u32 $0x380, s21;
	s23 =	sand.u32 $0x3C00, s22;
	v5 =	vld [tilespmem:s19+$0x4140];
	v0 =	vnsel vm0, $0xFFFFFF87, v0  }
0xf7: {  	s20 =	sor.u32 s28, s23;
	v6 =	vld [tilespmem:s19+$0x4150];
	vm0 =	vlt.s32 v0, $0x7E  }
0xf8: {  	v16 =	vld [tilespmem:s20+$0x4140];
	v0 =	vnsel vm0, $0x7E, v0  }
0xf9: {  	v7 =	vld [tilespmem:s19+$0x4160];
	vm1 =	vgt.s32 v2, $0xFFFFFF87;
	vm0 =	vgt.s32 v1, $0xFFFFFF87;
	v0 =	vadd.s32 $0x79, v0  }
0xfa: {  	v2 =	vnsel vm1, $0xFFFFFF87, v2;
	v1 =	vnsel vm0, $0xFFFFFF87, v1;
	vm0 =	vgt.s32 v3, $0xFFFFFF87  }
0xfb: {  	vm2 =	vlt.s32 v2, $0x7E;
	v3 =	vnsel vm0, $0xFFFFFF87, v3;
	vm0 =	vgt.s32 v4, $0xFFFFFF87  }
0xfc: {  	v17 =	vld [tilespmem:s20+$0x4150];
	v2 =	vnsel vm2, $0x7E, v2;
	v4 =	vnsel vm0, $0xFFFFFF87, v4;
	vm0 =	vgt.s32 v5, $0xFFFFFF87  }
0xfd: {  	vm2 =	vgt.s32 v16, $0xFFFFFF87;
	v5 =	vnsel vm0, $0xFFFFFF87, v5;
	vm0 =	vgt.s32 v6, $0xFFFFFF87  }
0xfe: {  	v2 =	vadd.s32 $0x79, v2;
	v6 =	vnsel vm0, $0xFFFFFF87, v6;
	vm0 =	vgt.s32 v7, $0xFFFFFF87;
	v14 =	vld.idx.msk [tilespmem:v0+s4+$0x0], $0xffff  }
0xff: {  	vm1 =	vlt.s32 v1, $0x7E;
	vm3 =	vlt.s32 v3, $0x7E;
	v0 =	vnsel vm0, $0xFFFFFF87, v7;
	v7 =	vld [tilespmem:s20+$0x4170]  }
0x100: {  	v8 =	vld [tilespmem:s20+$0x4100];
	v1 =	vnsel vm1, $0x7E, v1;
	vm4 =	vlt.s32 v4, $0x7E;
	v3 =	vnsel vm3, $0x7E, v3  }
0x101: {  	v11 =	vadd.s32 $0x79, v1;
	vm3 =	vgt.s32 v17, $0xFFFFFF87;
	vm5 =	vlt.s32 v5, $0x7E  }
0x102: {  	v10 =	vld [tilespmem:s20+$0x4110];
	v4 =	vnsel vm4, $0x7E, v4;
	v3 =	vadd.s32 $0x79, v3;
	vm0 =	vlt.s32 v6, $0x7E  }
0x103: {  	v12 =	vld [tilespmem:s20+$0x4120];
	v5 =	vnsel vm5, $0x7E, v5;
	v4 =	vadd.s32 $0x79, v4;
	vm1 =	vlt.s32 v0, $0x7E  }
0x104: {  	v9 =	vld [tilespmem:s20+$0x4160];
	v6 =	vnsel vm0, $0x7E, v6;
	v15 =	vadd.s32 $0x79, v5;
	vm0 =	vgt.s32 v7, $0xFFFFFF87  }
0x105: {  	v13 =	vld [tilespmem:s20+$0x4130];
	v0 =	vnsel vm1, $0x7E, v0;
	vm1 =	vgt.s32 v8, $0xFFFFFF87;
	v7 =	vnsel vm0, $0xFFFFFF87, v7  }
0x106: {  	v1 =	vadd.s32 $0x79, v6;
	v5 =	vnsel vm1, $0xFFFFFF87, v8;
	vm1 =	vlt.s32 v7, $0x7E  }
0x107: {  	v0 =	vadd.s32 $0x79, v0;
	v8 =	vld.idx.msk [tilespmem:v11+s4+$0x0], $0xffff;
	vm0 =	vgt.s32 v10, $0xFFFFFF87;
	v7 =	vnsel vm1, $0x7E, v7  }
0x108: {  	v6 =	vnsel vm0, $0xFFFFFF87, v10;
	vm0 =	vgt.s32 v12, $0xFFFFFF87;
	v11 =	vadd.s32 $0x79, v7;
	v7 =	vld.idx.msk [tilespmem:v2+s4+$0x0], $0xffff  }
0x109: {  	[tilespmem:s19+$0x14170] =	vst v14;
	v14 =	vnsel vm3, $0xFFFFFF87, v17;
	vm3 =	vgt.s32 v9, $0xFFFFFF87;
	v10 =	vnsel vm0, $0xFFFFFF87, v12;
	v2 =	vld.idx.msk [tilespmem:v3+s4+$0x0], $0xffff  }
0x10a: {  	vm1 =	vgt.s32 v13, $0xFFFFFF87;
	vm0 =	vlt.s32 v5, $0x7E;
	v12 =	vnsel vm2, $0xFFFFFF87, v16;
	v3 =	vld.idx.msk [tilespmem:v4+s4+$0x0], $0xffff  }
0x10b: {  	v13 =	vnsel vm1, $0xFFFFFF87, v13;
	vm1 =	vlt.s32 v6, $0x7E;
	vm2 =	vlt.s32 v10, $0x7E;
	v4 =	vld.idx.msk [tilespmem:v15+s4+$0x0], $0xffff  }
.LBB2_8:
0x10c: {  	s21 =	sadd.s32 $0x8, s21;
	vm4 =	vlt.s32 v13, $0x7E;
	vm5 =	vlt.s32 v12, $0x7E;
	v9 =	vnsel vm3, $0xFFFFFF87, v9;
	s22 =	sadd.s32 $0x400, s22;
	v15 =	vld.idx.msk [tilespmem:v1+s4+$0x0], $0xffff  }
0x10d: {  	v1 =	vnsel vm0, $0x7E, v5;
	vm0 =	vlt.s32 v14, $0x7E;
	s23 =	sand.u32 $0x380, s21;
	s24 =	sand.u32 $0x3C00, s22;
	p0 =	slt.u32 s21, $0x3F8;
	vm3 =	vlt.s32 v9, $0x7E;
	v5 =	vld.idx.msk [tilespmem:v11+s4+$0x0], $0xffff;
	[tilespmem:s19+$0x14100] =	vst v8  }
0x10e: {  	v6 =	vnsel vm1, $0x7E, v6;
	v8 =	vnsel vm2, $0x7E, v10;
	v10 =	vnsel vm4, $0x7E, v13;
	s23 =	sor.u32 s23, s24;
	[tilespmem:s19+$0x14110] =	vst v7;
	v7 =	vld.idx.msk [tilespmem:v0+s4+$0x0], $0xffff  }
0x10f: {  	v0 =	vnsel vm5, $0x7E, v12;
	v12 =	vnsel vm0, $0x7E, v14;
	v9 =	vnsel vm3, $0x7E, v9;
	v11 =	vld [tilespmem:s23+$0x4170];
	[tilespmem:s19+$0x14120] =	vst v2  }
0x110: {  	v13 =	vadd.s32 $0x79, v1;
	v14 =	vadd.s32 $0x79, v6;
	v16 =	vadd.s32 $0x79, v8;
	v2 =	vld [tilespmem:s23+$0x4100];
	[tilespmem:s19+$0x14130] =	vst v3  }
0x111: {  	v17 =	vadd.s32 $0x79, v10;
	v18 =	vadd.s32 $0x79, v0;
	v1 =	vadd.s32 $0x79, v12;
	v3 =	vld [tilespmem:s23+$0x4110];
	[tilespmem:s19+$0x14140] =	vst v4  }
0x112: {  	v0 =	vadd.s32 $0x79, v9;
	v4 =	vld [tilespmem:s23+$0x4120];
	[tilespmem:s19+$0x14150] =	vst v15  }
0x113: {  	v12 =	vld [tilespmem:s23+$0x4130];
	[tilespmem:s20+$0x14170] =	vst v5  }
0x114: {  	v15 =	vld [tilespmem:s23+$0x4140];
	vm0 =	vgt.s32 v11, $0xFFFFFF87;
	[tilespmem:s19+$0x14160] =	vst v7;
	s19 =	smov.u32 s20;
	s20 =	smov.u32 s23  }
0x115: {  	vm1 =	vgt.s32 v2, $0xFFFFFF87;
	v19 =	vld [tilespmem:s20+$0x4150];
	v7 =	vnsel vm0, $0xFFFFFF87, v11  }
0x116: {  	v5 =	vnsel vm1, $0xFFFFFF87, v2;
	vm0 =	vgt.s32 v3, $0xFFFFFF87;
	v9 =	vld [tilespmem:s20+$0x4160];
	vm1 =	vlt.s32 v7, $0x7E  }
.Ltmp3:
0x117: {  	v6 =	vnsel vm0, $0xFFFFFF87, v3;
	vm0 =	vgt.s32 v4, $0xFFFFFF87;
	v2 =	vnsel vm1, $0x7E, v7;
	v8 =	vld.idx.msk [tilespmem:v13+s4+$0x0], $0xffff;
	(pc) =	sbr.rel @p0 .LBB2_8-.Ltmp3, $4  }
0x118: {  	v10 =	vnsel vm0, $0xFFFFFF87, v4;
	vm1 =	vgt.s32 v12, $0xFFFFFF87;
	v11 =	vadd.s32 $0x79, v2;
	v7 =	vld.idx.msk [tilespmem:v14+s4+$0x0], $0xffff  }
0x119: {  	vm0 =	vlt.s32 v5, $0x7E;
	v13 =	vnsel vm1, $0xFFFFFF87, v12;
	vm2 =	vgt.s32 v15, $0xFFFFFF87;
	v2 =	vld.idx.msk [tilespmem:v16+s4+$0x0], $0xffff  }
0x11a: {  	vm1 =	vlt.s32 v6, $0x7E;
	v12 =	vnsel vm2, $0xFFFFFF87, v15;
	vm3 =	vgt.s32 v19, $0xFFFFFF87;
	v3 =	vld.idx.msk [tilespmem:v17+s4+$0x0], $0xffff  }
0x11b: {  	vm2 =	vlt.s32 v10, $0x7E;
	v14 =	vnsel vm3, $0xFFFFFF87, v19;
	vm3 =	vgt.s32 v9, $0xFFFFFF87;
	v4 =	vld.idx.msk [tilespmem:v18+s4+$0x0], $0xffff  }
0x11c: {  	_ = 	snop  }
0x11d: {  	v5 =	vnsel vm0, $0x7E, v5  }
0x11e: {  	vm12 =	vlt.s32 v13, $0x7E;
	v6 =	vnsel vm1, $0x7E, v6;
	v5 =	vadd.s32 $0x79, v5  }
0x11f: {  	vm13 =	vlt.s32 v12, $0x7E;
	v10 =	vnsel vm2, $0x7E, v10;
	v6 =	vadd.s32 $0x79, v6  }
0x120: {  	v9 =	vnsel vm3, $0xFFFFFF87, v9;
	v1 =	vld.idx.msk [tilespmem:v1+s4+$0x0], $0xffff;
	[tilespmem:s19+$0x14100] =	vst v8;
	v52 =	vnsel vm12, $0x7E, v13;
	v10 =	vadd.s32 $0x79, v10  }
0x121: {  	vm14 =	vlt.s32 v14, $0x7E;
	v11 =	vld.idx.msk [tilespmem:v11+s4+$0x0], $0xffff;
	[tilespmem:s19+$0x14110] =	vst v7;
	v53 =	vnsel vm13, $0x7E, v12;
	v8 =	vadd.s32 $0x79, v52  }
0x122: {  	v0 =	vld.idx.msk [tilespmem:v0+s4+$0x0], $0xffff;
	vm15 =	vlt.s32 v9, $0x7E;
	v54 =	vnsel vm14, $0x7E, v14;
	[tilespmem:s19+$0x14120] =	vst v2;
	v55 =	vadd.s32 $0x79, v53  }
0x123: {  	v56 =	vnsel vm15, $0x7E, v9;
	v57 =	vadd.s32 $0x79, v54;
	[tilespmem:s19+$0x14130] =	vst v3;
	v5 =	vld.idx.msk [tilespmem:v5+s4+$0x0], $0xffff  }
0x124: {  	v58 =	vadd.s32 $0x79, v56;
	[tilespmem:s19+$0x14140] =	vst v4;
	v6 =	vld.idx.msk [tilespmem:v6+s4+$0x0], $0xffff  }
0x125: {  	[tilespmem:s19+$0x14150] =	vst v1;
	v59 =	vld.idx.msk [tilespmem:v10+s4+$0x0], $0xffff  }
0x126: {  	[tilespmem:s20+$0x14170] =	vst v11;
	v60 =	vld.idx.msk [tilespmem:v8+s4+$0x0], $0xffff  }
0x127: {  	[tilespmem:s19+$0x14160] =	vst v0;
	v61 =	vld.idx.msk [tilespmem:v55+s4+$0x0], $0xffff  }
0x128: {  	v62 =	vld.idx.msk [tilespmem:v57+s4+$0x0], $0xffff;
	[tilespmem:s20+$0x14100] =	vst v5  }
0x129: {  	v63 =	vld.idx.msk [tilespmem:v58+s4+$0x0], $0xffff;
	[tilespmem:s20+$0x14110] =	vst v6  }
0x12a: {  	[tilespmem:s20+$0x14120] =	vst v59  }
0x12b: {  	[tilespmem:s20+$0x14130] =	vst v60  }
0x12c: {  	[tilespmem:s20+$0x14140] =	vst v61  }
0x12d: {  	[tilespmem:s20+$0x14150] =	vst v62  }
0x12e: {  	[tilespmem:s20+$0x14160] =	vst v63  }
0x12f: {  	s7 =	rddreg [dreg:$0xb]  }
0x130: {  	[hbm4b:s7+s4] =	stream.linear.scatter [tilespmem:s8], [sflag:$0x5], $0x4000, $0x38;
	[tilespmem:$0x18100] =	vst v63  }
0x131: {  	s19 =	simm.s32 $0x1;
	s28 =	rddreg [dreg:$0xc]  }
0x132: {  	[tilespmem:s30], [sflag:$0x2] =	stream.linear.gather [hbm4b:s28+s4], $0x4000, $0x38;
	[tilespmem:$0x18100] =	vst v63  }
.LBB2_10:
0x133: {  	_ =	swait.ge [sflag:s31], $0x4000  }
0x134: {  	[sflag:s31] =	ssyncset.done $0x0  }
0x135: {  	[sflag:s31] =	ssyncadd.s32 $0xFFFFC000  }
0x136: {  	s20 =	simm.s32 $0x0;
	s21 =	simm.s32 $0x0;
	_ =	swait.ge [sflag:s9], $0x4000  }
0x137: {  	s21 =	sand.u32 $0x380, s21;
	s20 =	sand.u32 $0x3C00, s20;
	[sflag:s9] =	ssyncset.done $0x0  }
0x138: {  	s20 =	sor.u32 s21, s20;
	[sflag:s9] =	ssyncadd.s32 $0xFFFFC000  }
0x139: {  	v0 =	vld [tilespmem:s20+$0x170];
	_ =	sdelay $0x1  }
0x13a: {  	v1 =	vld [tilespmem:s20+$0x100]  }
0x13b: {  	v2 =	vld [tilespmem:s20+$0x110]  }
0x13c: {  	v3 =	vld [tilespmem:s20+$0x120]  }
0x13d: {  	s22 =	simm.s32 $0x8;
	s23 =	simm.s32 $0x400;
	v4 =	vld [tilespmem:s20+$0x130];
	vm0 =	vgt.s32 v0, $0xFFFFFF87  }
0x13e: {  	s28 =	sand.u32 $0x380, s22;
	s24 =	sand.u32 $0x3C00, s23;
	v5 =	vld [tilespmem:s20+$0x140];
	v0 =	vnsel vm0, $0xFFFFFF87, v0  }
0x13f: {  	s21 =	sor.u32 s28, s24;
	v6 =	vld [tilespmem:s20+$0x150];
	vm0 =	vlt.s32 v0, $0x7E  }
0x140: {  	v16 =	vld [tilespmem:s21+$0x140];
	v0 =	vnsel vm0, $0x7E, v0  }
0x141: {  	v7 =	vld [tilespmem:s20+$0x160];
	vm1 =	vgt.s32 v2, $0xFFFFFF87;
	vm0 =	vgt.s32 v1, $0xFFFFFF87;
	v0 =	vadd.s32 $0x79, v0  }
0x142: {  	v2 =	vnsel vm1, $0xFFFFFF87, v2;
	v1 =	vnsel vm0, $0xFFFFFF87, v1;
	vm0 =	vgt.s32 v3, $0xFFFFFF87  }
0x143: {  	vm2 =	vlt.s32 v2, $0x7E;
	v3 =	vnsel vm0, $0xFFFFFF87, v3;
	vm0 =	vgt.s32 v4, $0xFFFFFF87  }
0x144: {  	v17 =	vld [tilespmem:s21+$0x150];
	v2 =	vnsel vm2, $0x7E, v2;
	v4 =	vnsel vm0, $0xFFFFFF87, v4;
	vm0 =	vgt.s32 v5, $0xFFFFFF87  }
0x145: {  	vm2 =	vgt.s32 v16, $0xFFFFFF87;
	v5 =	vnsel vm0, $0xFFFFFF87, v5;
	vm0 =	vgt.s32 v6, $0xFFFFFF87  }
0x146: {  	v2 =	vadd.s32 $0x79, v2;
	v6 =	vnsel vm0, $0xFFFFFF87, v6;
	vm0 =	vgt.s32 v7, $0xFFFFFF87;
	v14 =	vld.idx.msk [tilespmem:v0+s4+$0x0], $0xffff  }
0x147: {  	vm1 =	vlt.s32 v1, $0x7E;
	vm3 =	vlt.s32 v3, $0x7E;
	v0 =	vnsel vm0, $0xFFFFFF87, v7;
	v7 =	vld [tilespmem:s21+$0x170]  }
0x148: {  	v8 =	vld [tilespmem:s21+$0x100];
	v1 =	vnsel vm1, $0x7E, v1;
	vm4 =	vlt.s32 v4, $0x7E;
	v3 =	vnsel vm3, $0x7E, v3  }
0x149: {  	v11 =	vadd.s32 $0x79, v1;
	vm3 =	vgt.s32 v17, $0xFFFFFF87;
	vm5 =	vlt.s32 v5, $0x7E  }
0x14a: {  	v10 =	vld [tilespmem:s21+$0x110];
	v4 =	vnsel vm4, $0x7E, v4;
	v3 =	vadd.s32 $0x79, v3;
	vm0 =	vlt.s32 v6, $0x7E  }
0x14b: {  	v12 =	vld [tilespmem:s21+$0x120];
	v5 =	vnsel vm5, $0x7E, v5;
	v4 =	vadd.s32 $0x79, v4;
	vm1 =	vlt.s32 v0, $0x7E  }
0x14c: {  	v9 =	vld [tilespmem:s21+$0x160];
	v6 =	vnsel vm0, $0x7E, v6;
	v15 =	vadd.s32 $0x79, v5;
	vm0 =	vgt.s32 v7, $0xFFFFFF87  }
0x14d: {  	v13 =	vld [tilespmem:s21+$0x130];
	v0 =	vnsel vm1, $0x7E, v0;
	vm1 =	vgt.s32 v8, $0xFFFFFF87;
	v7 =	vnsel vm0, $0xFFFFFF87, v7  }
0x14e: {  	v1 =	vadd.s32 $0x79, v6;
	v5 =	vnsel vm1, $0xFFFFFF87, v8;
	vm1 =	vlt.s32 v7, $0x7E  }
0x14f: {  	v0 =	vadd.s32 $0x79, v0;
	v8 =	vld.idx.msk [tilespmem:v11+s4+$0x0], $0xffff;
	vm0 =	vgt.s32 v10, $0xFFFFFF87;
	v7 =	vnsel vm1, $0x7E, v7  }
0x150: {  	v6 =	vnsel vm0, $0xFFFFFF87, v10;
	vm0 =	vgt.s32 v12, $0xFFFFFF87;
	v11 =	vadd.s32 $0x79, v7;
	v7 =	vld.idx.msk [tilespmem:v2+s4+$0x0], $0xffff  }
0x151: {  	[tilespmem:s20+$0x8170] =	vst v14;
	v14 =	vnsel vm3, $0xFFFFFF87, v17;
	vm3 =	vgt.s32 v9, $0xFFFFFF87;
	v10 =	vnsel vm0, $0xFFFFFF87, v12;
	v2 =	vld.idx.msk [tilespmem:v3+s4+$0x0], $0xffff  }
0x152: {  	vm1 =	vgt.s32 v13, $0xFFFFFF87;
	vm0 =	vlt.s32 v5, $0x7E;
	v12 =	vnsel vm2, $0xFFFFFF87, v16;
	v3 =	vld.idx.msk [tilespmem:v4+s4+$0x0], $0xffff  }
0x153: {  	v13 =	vnsel vm1, $0xFFFFFF87, v13;
	vm1 =	vlt.s32 v6, $0x7E;
	vm2 =	vlt.s32 v10, $0x7E;
	v4 =	vld.idx.msk [tilespmem:v15+s4+$0x0], $0xffff  }
.LBB2_11:
0x154: {  	s22 =	sadd.s32 $0x8, s22;
	vm4 =	vlt.s32 v13, $0x7E;
	vm5 =	vlt.s32 v12, $0x7E;
	v9 =	vnsel vm3, $0xFFFFFF87, v9;
	s23 =	sadd.s32 $0x400, s23;
	v15 =	vld.idx.msk [tilespmem:v1+s4+$0x0], $0xffff  }
0x155: {  	v1 =	vnsel vm0, $0x7E, v5;
	vm0 =	vlt.s32 v14, $0x7E;
	s24 =	sand.u32 $0x380, s22;
	s25 =	sand.u32 $0x3C00, s23;
	p0 =	slt.u32 s22, $0x3F8;
	vm3 =	vlt.s32 v9, $0x7E;
	v5 =	vld.idx.msk [tilespmem:v11+s4+$0x0], $0xffff;
	[tilespmem:s20+$0x8100] =	vst v8  }
0x156: {  	v6 =	vnsel vm1, $0x7E, v6;
	v8 =	vnsel vm2, $0x7E, v10;
	v10 =	vnsel vm4, $0x7E, v13;
	s24 =	sor.u32 s24, s25;
	[tilespmem:s20+$0x8110] =	vst v7;
	v7 =	vld.idx.msk [tilespmem:v0+s4+$0x0], $0xffff  }
0x157: {  	v0 =	vnsel vm5, $0x7E, v12;
	v12 =	vnsel vm0, $0x7E, v14;
	v9 =	vnsel vm3, $0x7E, v9;
	v11 =	vld [tilespmem:s24+$0x170];
	[tilespmem:s20+$0x8120] =	vst v2  }
0x158: {  	v13 =	vadd.s32 $0x79, v1;
	v14 =	vadd.s32 $0x79, v6;
	v16 =	vadd.s32 $0x79, v8;
	v2 =	vld [tilespmem:s24+$0x100];
	[tilespmem:s20+$0x8130] =	vst v3  }
0x159: {  	v17 =	vadd.s32 $0x79, v10;
	v18 =	vadd.s32 $0x79, v0;
	v1 =	vadd.s32 $0x79, v12;
	v3 =	vld [tilespmem:s24+$0x110];
	[tilespmem:s20+$0x8140] =	vst v4  }
0x15a: {  	v0 =	vadd.s32 $0x79, v9;
	v4 =	vld [tilespmem:s24+$0x120];
	[tilespmem:s20+$0x8150] =	vst v15  }
0x15b: {  	v12 =	vld [tilespmem:s24+$0x130];
	[tilespmem:s21+$0x8170] =	vst v5  }
0x15c: {  	v15 =	vld [tilespmem:s24+$0x140];
	vm0 =	vgt.s32 v11, $0xFFFFFF87;
	[tilespmem:s20+$0x8160] =	vst v7;
	s20 =	smov.u32 s21;
	s21 =	smov.u32 s24  }
0x15d: {  	vm1 =	vgt.s32 v2, $0xFFFFFF87;
	v19 =	vld [tilespmem:s21+$0x150];
	v7 =	vnsel vm0, $0xFFFFFF87, v11  }
0x15e: {  	v5 =	vnsel vm1, $0xFFFFFF87, v2;
	vm0 =	vgt.s32 v3, $0xFFFFFF87;
	v9 =	vld [tilespmem:s21+$0x160];
	vm1 =	vlt.s32 v7, $0x7E  }
.Ltmp4:
0x15f: {  	v6 =	vnsel vm0, $0xFFFFFF87, v3;
	vm0 =	vgt.s32 v4, $0xFFFFFF87;
	v2 =	vnsel vm1, $0x7E, v7;
	v8 =	vld.idx.msk [tilespmem:v13+s4+$0x0], $0xffff;
	(pc) =	sbr.rel @p0 .LBB2_11-.Ltmp4, $4  }
0x160: {  	v10 =	vnsel vm0, $0xFFFFFF87, v4;
	vm1 =	vgt.s32 v12, $0xFFFFFF87;
	v11 =	vadd.s32 $0x79, v2;
	v7 =	vld.idx.msk [tilespmem:v14+s4+$0x0], $0xffff  }
0x161: {  	vm0 =	vlt.s32 v5, $0x7E;
	v13 =	vnsel vm1, $0xFFFFFF87, v12;
	vm2 =	vgt.s32 v15, $0xFFFFFF87;
	v2 =	vld.idx.msk [tilespmem:v16+s4+$0x0], $0xffff  }
0x162: {  	vm1 =	vlt.s32 v6, $0x7E;
	v12 =	vnsel vm2, $0xFFFFFF87, v15;
	vm3 =	vgt.s32 v19, $0xFFFFFF87;
	v3 =	vld.idx.msk [tilespmem:v17+s4+$0x0], $0xffff  }
0x163: {  	vm2 =	vlt.s32 v10, $0x7E;
	v14 =	vnsel vm3, $0xFFFFFF87, v19;
	vm3 =	vgt.s32 v9, $0xFFFFFF87;
	v4 =	vld.idx.msk [tilespmem:v18+s4+$0x0], $0xffff  }
0x164: {  	_ = 	snop  }
0x165: {  	v5 =	vnsel vm0, $0x7E, v5  }
0x166: {  	vm0 =	vlt.s32 v13, $0x7E;
	v6 =	vnsel vm1, $0x7E, v6;
	v5 =	vadd.s32 $0x79, v5  }
0x167: {  	vm1 =	vlt.s32 v12, $0x7E;
	v10 =	vnsel vm2, $0x7E, v10;
	v6 =	vadd.s32 $0x79, v6  }
0x168: {  	v9 =	vnsel vm3, $0xFFFFFF87, v9;
	v1 =	vld.idx.msk [tilespmem:v1+s4+$0x0], $0xffff;
	[tilespmem:s20+$0x8100] =	vst v8;
	v8 =	vnsel vm0, $0x7E, v13;
	v10 =	vadd.s32 $0x79, v10  }
0x169: {  	v11 =	vld.idx.msk [tilespmem:v11+s4+$0x0], $0xffff;
	vm0 =	vlt.s32 v14, $0x7E;
	[tilespmem:s20+$0x8110] =	vst v7;
	v7 =	vnsel vm1, $0x7E, v12;
	v8 =	vadd.s32 $0x79, v8  }
0x16a: {  	v0 =	vld.idx.msk [tilespmem:v0+s4+$0x0], $0xffff;
	vm1 =	vlt.s32 v9, $0x7E;
	v12 =	vnsel vm0, $0x7E, v14;
	[tilespmem:s20+$0x8120] =	vst v2;
	v2 =	vadd.s32 $0x79, v7  }
0x16b: {  	v7 =	vnsel vm1, $0x7E, v9;
	[tilespmem:s20+$0x8130] =	vst v3;
	v3 =	vadd.s32 $0x79, v12;
	v5 =	vld.idx.msk [tilespmem:v5+s4+$0x0], $0xffff  }
0x16c: {  	[tilespmem:s20+$0x8140] =	vst v4;
	v4 =	vadd.s32 $0x79, v7;
	v6 =	vld.idx.msk [tilespmem:v6+s4+$0x0], $0xffff  }
0x16d: {  	[tilespmem:s20+$0x8150] =	vst v1;
	v1 =	vld.idx.msk [tilespmem:v10+s4+$0x0], $0xffff  }
0x16e: {  	[tilespmem:s21+$0x8170] =	vst v11;
	v7 =	vld.idx.msk [tilespmem:v8+s4+$0x0], $0xffff  }
0x16f: {  	[tilespmem:s20+$0x8160] =	vst v0;
	v0 =	vld.idx.msk [tilespmem:v2+s4+$0x0], $0xffff  }
0x170: {  	v2 =	vld.idx.msk [tilespmem:v3+s4+$0x0], $0xffff;
	[tilespmem:s21+$0x8100] =	vst v5  }
0x171: {  	v3 =	vld.idx.msk [tilespmem:v4+s4+$0x0], $0xffff;
	[tilespmem:s21+$0x8110] =	vst v6  }
0x172: {  	[tilespmem:s21+$0x8120] =	vst v1  }
0x173: {  	s20 =	sshll.u32 s19, $0x5;
	[tilespmem:s21+$0x8130] =	vst v7  }
0x174: {  	s22 =	sadd.s32 s20, s16;
	[tilespmem:s21+$0x8140] =	vst v0  }
0x175: {  	s25 =	sor.u32 s20, s5;
	s22 =	sshll.u32 s22, $0x8;
	[tilespmem:s21+$0x8150] =	vst v2  }
0x176: {  	s24 =	simm.s32 $0x0;
	s23 =	sadd.s32 s3, s22;
	[tilespmem:s21+$0x8160] =	vst v3;
	s21 =	sshll.u32 s25, $0x8  }
0x177: {  	[hbm4b:s23+s24] =	stream.linear.scatter [tilespmem:s11], [sflag:$0x6], $0x4000, $0x38;
	[tilespmem:$0x18100] =	vst v63  }
0x178: {  	s21 =	sor.u32 $0x1000, s21  }
0x179: {  	s23 =	sadd.s32 s1, s21  }
0x17a: {  	[tilespmem:s29], [sflag:$0x1] =	stream.linear.gather [hbm4b:s23+s24], $0x4000, $0x38;
	[tilespmem:$0x18100] =	vst v63  }
0x17b: {  	_ =	swait.ge [sflag:s0], $0x4000  }
0x17c: {  	[sflag:s0] =	ssyncset.done $0x0  }
0x17d: {  	[sflag:s0] =	ssyncadd.s32 $0xFFFFC000  }
0x17e: {  	s26 =	simm.s32 $0x0;
	_ =	swait.ge [sflag:s12], $0x4000  }
0x17f: {  	s22 =	sand.u32 $0x3C00, s24;
	s23 =	sand.u32 $0x380, s26;
	[sflag:s12] =	ssyncset.done $0x0  }
0x180: {  	s22 =	sor.u32 s23, s22;
	[sflag:s12] =	ssyncadd.s32 $0xFFFFC000  }
0x181: {  	v0 =	vld [tilespmem:s22+$0x4170];
	_ =	sdelay $0x1  }
0x182: {  	v1 =	vld [tilespmem:s22+$0x4100]  }
0x183: {  	v2 =	vld [tilespmem:s22+$0x4110]  }
0x184: {  	v3 =	vld [tilespmem:s22+$0x4120]  }
0x185: {  	s25 =	simm.s32 $0x400;
	s24 =	simm.s32 $0x8;
	v4 =	vld [tilespmem:s22+$0x4130];
	vm0 =	vgt.s32 v0, $0xFFFFFF87  }
0x186: {  	s26 =	sand.u32 $0x3C00, s25;
	s28 =	sand.u32 $0x380, s24;
	v5 =	vld [tilespmem:s22+$0x4140];
	v0 =	vnsel vm0, $0xFFFFFF87, v0  }
0x187: {  	s23 =	sor.u32 s28, s26;
	v6 =	vld [tilespmem:s22+$0x4150];
	vm0 =	vlt.s32 v0, $0x7E  }
0x188: {  	v16 =	vld [tilespmem:s23+$0x4140];
	v0 =	vnsel vm0, $0x7E, v0  }
0x189: {  	v7 =	vld [tilespmem:s22+$0x4160];
	vm1 =	vgt.s32 v2, $0xFFFFFF87;
	vm0 =	vgt.s32 v1, $0xFFFFFF87;
	v0 =	vadd.s32 $0x79, v0  }
0x18a: {  	v2 =	vnsel vm1, $0xFFFFFF87, v2;
	v1 =	vnsel vm0, $0xFFFFFF87, v1;
	vm0 =	vgt.s32 v3, $0xFFFFFF87  }
0x18b: {  	vm2 =	vlt.s32 v2, $0x7E;
	v3 =	vnsel vm0, $0xFFFFFF87, v3;
	vm0 =	vgt.s32 v4, $0xFFFFFF87  }
0x18c: {  	v17 =	vld [tilespmem:s23+$0x4150];
	v2 =	vnsel vm2, $0x7E, v2;
	v4 =	vnsel vm0, $0xFFFFFF87, v4;
	vm0 =	vgt.s32 v5, $0xFFFFFF87  }
0x18d: {  	vm2 =	vgt.s32 v16, $0xFFFFFF87;
	v5 =	vnsel vm0, $0xFFFFFF87, v5;
	vm0 =	vgt.s32 v6, $0xFFFFFF87  }
0x18e: {  	v2 =	vadd.s32 $0x79, v2;
	v6 =	vnsel vm0, $0xFFFFFF87, v6;
	vm0 =	vgt.s32 v7, $0xFFFFFF87;
	v14 =	vld.idx.msk [tilespmem:v0+s4+$0x0], $0xffff  }
0x18f: {  	vm1 =	vlt.s32 v1, $0x7E;
	vm3 =	vlt.s32 v3, $0x7E;
	v0 =	vnsel vm0, $0xFFFFFF87, v7;
	v7 =	vld [tilespmem:s23+$0x4170]  }
0x190: {  	v8 =	vld [tilespmem:s23+$0x4100];
	v1 =	vnsel vm1, $0x7E, v1;
	vm4 =	vlt.s32 v4, $0x7E;
	v3 =	vnsel vm3, $0x7E, v3  }
0x191: {  	v11 =	vadd.s32 $0x79, v1;
	vm3 =	vgt.s32 v17, $0xFFFFFF87;
	vm5 =	vlt.s32 v5, $0x7E  }
0x192: {  	v10 =	vld [tilespmem:s23+$0x4110];
	v4 =	vnsel vm4, $0x7E, v4;
	v3 =	vadd.s32 $0x79, v3;
	vm0 =	vlt.s32 v6, $0x7E  }
0x193: {  	v12 =	vld [tilespmem:s23+$0x4120];
	v5 =	vnsel vm5, $0x7E, v5;
	v4 =	vadd.s32 $0x79, v4;
	vm1 =	vlt.s32 v0, $0x7E  }
0x194: {  	v9 =	vld [tilespmem:s23+$0x4160];
	v6 =	vnsel vm0, $0x7E, v6;
	v15 =	vadd.s32 $0x79, v5;
	vm0 =	vgt.s32 v7, $0xFFFFFF87  }
0x195: {  	v13 =	vld [tilespmem:s23+$0x4130];
	v0 =	vnsel vm1, $0x7E, v0;
	vm1 =	vgt.s32 v8, $0xFFFFFF87;
	v7 =	vnsel vm0, $0xFFFFFF87, v7  }
0x196: {  	v1 =	vadd.s32 $0x79, v6;
	v5 =	vnsel vm1, $0xFFFFFF87, v8;
	vm1 =	vlt.s32 v7, $0x7E  }
0x197: {  	v0 =	vadd.s32 $0x79, v0;
	v8 =	vld.idx.msk [tilespmem:v11+s4+$0x0], $0xffff;
	vm0 =	vgt.s32 v10, $0xFFFFFF87;
	v7 =	vnsel vm1, $0x7E, v7  }
0x198: {  	v6 =	vnsel vm0, $0xFFFFFF87, v10;
	vm0 =	vgt.s32 v12, $0xFFFFFF87;
	v11 =	vadd.s32 $0x79, v7;
	v7 =	vld.idx.msk [tilespmem:v2+s4+$0x0], $0xffff  }
0x199: {  	[tilespmem:s22+$0xC170] =	vst v14;
	v14 =	vnsel vm3, $0xFFFFFF87, v17;
	vm3 =	vgt.s32 v9, $0xFFFFFF87;
	v10 =	vnsel vm0, $0xFFFFFF87, v12;
	v2 =	vld.idx.msk [tilespmem:v3+s4+$0x0], $0xffff  }
0x19a: {  	vm1 =	vgt.s32 v13, $0xFFFFFF87;
	vm0 =	vlt.s32 v5, $0x7E;
	v12 =	vnsel vm2, $0xFFFFFF87, v16;
	v3 =	vld.idx.msk [tilespmem:v4+s4+$0x0], $0xffff  }
0x19b: {  	v13 =	vnsel vm1, $0xFFFFFF87, v13;
	vm1 =	vlt.s32 v6, $0x7E;
	vm2 =	vlt.s32 v10, $0x7E;
	v4 =	vld.idx.msk [tilespmem:v15+s4+$0x0], $0xffff  }
.LBB2_13:
0x19c: {  	s24 =	sadd.s32 $0x8, s24;
	vm4 =	vlt.s32 v13, $0x7E;
	vm5 =	vlt.s32 v12, $0x7E;
	v9 =	vnsel vm3, $0xFFFFFF87, v9;
	s25 =	sadd.s32 $0x400, s25;
	v15 =	vld.idx.msk [tilespmem:v1+s4+$0x0], $0xffff  }
0x19d: {  	v1 =	vnsel vm0, $0x7E, v5;
	vm0 =	vlt.s32 v14, $0x7E;
	s26 =	sand.u32 $0x380, s24;
	s7 =	sand.u32 $0x3C00, s25;
	p0 =	slt.u32 s24, $0x3F8;
	vm3 =	vlt.s32 v9, $0x7E;
	v5 =	vld.idx.msk [tilespmem:v11+s4+$0x0], $0xffff;
	[tilespmem:s22+$0xC100] =	vst v8  }
0x19e: {  	v6 =	vnsel vm1, $0x7E, v6;
	v8 =	vnsel vm2, $0x7E, v10;
	v10 =	vnsel vm4, $0x7E, v13;
	s7 =	sor.u32 s26, s7;
	[tilespmem:s22+$0xC110] =	vst v7;
	v7 =	vld.idx.msk [tilespmem:v0+s4+$0x0], $0xffff  }
0x19f: {  	v0 =	vnsel vm5, $0x7E, v12;
	v12 =	vnsel vm0, $0x7E, v14;
	v9 =	vnsel vm3, $0x7E, v9;
	v11 =	vld [tilespmem:s7+$0x4170];
	[tilespmem:s22+$0xC120] =	vst v2  }
0x1a0: {  	v13 =	vadd.s32 $0x79, v1;
	v14 =	vadd.s32 $0x79, v6;
	v16 =	vadd.s32 $0x79, v8;
	v2 =	vld [tilespmem:s7+$0x4100];
	[tilespmem:s22+$0xC130] =	vst v3  }
0x1a1: {  	v17 =	vadd.s32 $0x79, v10;
	v18 =	vadd.s32 $0x79, v0;
	v1 =	vadd.s32 $0x79, v12;
	v3 =	vld [tilespmem:s7+$0x4110];
	[tilespmem:s22+$0xC140] =	vst v4  }
0x1a2: {  	v0 =	vadd.s32 $0x79, v9;
	v4 =	vld [tilespmem:s7+$0x4120];
	[tilespmem:s22+$0xC150] =	vst v15  }
0x1a3: {  	v12 =	vld [tilespmem:s7+$0x4130];
	[tilespmem:s23+$0xC170] =	vst v5  }
0x1a4: {  	v15 =	vld [tilespmem:s7+$0x4140];
	vm0 =	vgt.s32 v11, $0xFFFFFF87;
	[tilespmem:s22+$0xC160] =	vst v7;
	s22 =	smov.u32 s23;
	s23 =	smov.u32 s7  }
0x1a5: {  	vm1 =	vgt.s32 v2, $0xFFFFFF87;
	v19 =	vld [tilespmem:s23+$0x4150];
	v7 =	vnsel vm0, $0xFFFFFF87, v11  }
0x1a6: {  	v5 =	vnsel vm1, $0xFFFFFF87, v2;
	vm0 =	vgt.s32 v3, $0xFFFFFF87;
	v9 =	vld [tilespmem:s23+$0x4160];
	vm1 =	vlt.s32 v7, $0x7E  }
.Ltmp5:
0x1a7: {  	v6 =	vnsel vm0, $0xFFFFFF87, v3;
	vm0 =	vgt.s32 v4, $0xFFFFFF87;
	v2 =	vnsel vm1, $0x7E, v7;
	v8 =	vld.idx.msk [tilespmem:v13+s4+$0x0], $0xffff;
	(pc) =	sbr.rel @p0 .LBB2_13-.Ltmp5, $4  }
0x1a8: {  	v10 =	vnsel vm0, $0xFFFFFF87, v4;
	vm1 =	vgt.s32 v12, $0xFFFFFF87;
	v11 =	vadd.s32 $0x79, v2;
	v7 =	vld.idx.msk [tilespmem:v14+s4+$0x0], $0xffff  }
0x1a9: {  	vm0 =	vlt.s32 v5, $0x7E;
	v13 =	vnsel vm1, $0xFFFFFF87, v12;
	vm2 =	vgt.s32 v15, $0xFFFFFF87;
	v2 =	vld.idx.msk [tilespmem:v16+s4+$0x0], $0xffff  }
0x1aa: {  	vm1 =	vlt.s32 v6, $0x7E;
	v12 =	vnsel vm2, $0xFFFFFF87, v15;
	vm3 =	vgt.s32 v19, $0xFFFFFF87;
	v3 =	vld.idx.msk [tilespmem:v17+s4+$0x0], $0xffff  }
0x1ab: {  	vm2 =	vlt.s32 v10, $0x7E;
	v14 =	vnsel vm3, $0xFFFFFF87, v19;
	vm3 =	vgt.s32 v9, $0xFFFFFF87;
	v4 =	vld.idx.msk [tilespmem:v18+s4+$0x0], $0xffff  }
0x1ac: {  	_ = 	snop  }
0x1ad: {  	v5 =	vnsel vm0, $0x7E, v5  }
0x1ae: {  	vm0 =	vlt.s32 v13, $0x7E;
	v6 =	vnsel vm1, $0x7E, v6;
	v5 =	vadd.s32 $0x79, v5  }
0x1af: {  	vm1 =	vlt.s32 v12, $0x7E;
	v10 =	vnsel vm2, $0x7E, v10;
	v6 =	vadd.s32 $0x79, v6  }
0x1b0: {  	v9 =	vnsel vm3, $0xFFFFFF87, v9;
	v1 =	vld.idx.msk [tilespmem:v1+s4+$0x0], $0xffff;
	[tilespmem:s22+$0xC100] =	vst v8;
	v8 =	vnsel vm0, $0x7E, v13;
	v10 =	vadd.s32 $0x79, v10  }
0x1b1: {  	v11 =	vld.idx.msk [tilespmem:v11+s4+$0x0], $0xffff;
	vm0 =	vlt.s32 v14, $0x7E;
	[tilespmem:s22+$0xC110] =	vst v7;
	v7 =	vnsel vm1, $0x7E, v12;
	v8 =	vadd.s32 $0x79, v8  }
0x1b2: {  	v0 =	vld.idx.msk [tilespmem:v0+s4+$0x0], $0xffff;
	vm1 =	vlt.s32 v9, $0x7E;
	v12 =	vnsel vm0, $0x7E, v14;
	[tilespmem:s22+$0xC120] =	vst v2;
	v2 =	vadd.s32 $0x79, v7  }
0x1b3: {  	v7 =	vnsel vm1, $0x7E, v9;
	[tilespmem:s22+$0xC130] =	vst v3;
	v3 =	vadd.s32 $0x79, v12;
	v5 =	vld.idx.msk [tilespmem:v5+s4+$0x0], $0xffff  }
0x1b4: {  	[tilespmem:s22+$0xC140] =	vst v4;
	v4 =	vadd.s32 $0x79, v7;
	v6 =	vld.idx.msk [tilespmem:v6+s4+$0x0], $0xffff  }
0x1b5: {  	[tilespmem:s22+$0xC150] =	vst v1;
	v1 =	vld.idx.msk [tilespmem:v10+s4+$0x0], $0xffff  }
0x1b6: {  	[tilespmem:s23+$0xC170] =	vst v11;
	v7 =	vld.idx.msk [tilespmem:v8+s4+$0x0], $0xffff  }
0x1b7: {  	[tilespmem:s22+$0xC160] =	vst v0;
	v0 =	vld.idx.msk [tilespmem:v2+s4+$0x0], $0xffff  }
0x1b8: {  	v2 =	vld.idx.msk [tilespmem:v3+s4+$0x0], $0xffff;
	[tilespmem:s23+$0xC100] =	vst v5  }
0x1b9: {  	v3 =	vld.idx.msk [tilespmem:v4+s4+$0x0], $0xffff;
	[tilespmem:s23+$0xC110] =	vst v6  }
0x1ba: {  	[tilespmem:s23+$0xC120] =	vst v1  }
0x1bb: {  	[tilespmem:s23+$0xC130] =	vst v7  }
0x1bc: {  	[tilespmem:s23+$0xC140] =	vst v0  }
0x1bd: {  	s7 =	sshll.u32 s19, $0xD;
	s25 =	sadd.s32 s20, s5;
	[tilespmem:s23+$0xC150] =	vst v2  }
0x1be: {  	s24 =	simm.s32 $0x0;
	s7 =	sadd.s32 s7, s10;
	s22 =	sshll.u32 s25, $0x8;
	[tilespmem:s23+$0xC160] =	vst v3  }
0x1bf: {  	[hbm4b:s7+s24] =	stream.linear.scatter [tilespmem:s2], [sflag:$0x3], $0x4000, $0x38;
	[tilespmem:$0x18100] =	vst v63  }
0x1c0: {  	s7 =	sadd.s32 s1, s22  }
0x1c1: {  	s7 =	sadd.s32 $0x1800, s7  }
0x1c2: {  	[tilespmem:s30], [sflag:$0x2] =	stream.linear.gather [hbm4b:s7+s24], $0x4000, $0x38;
	[tilespmem:$0x18100] =	vst v63  }
0x1c3: {  	_ =	swait.ge [sflag:s31], $0x4000  }
0x1c4: {  	[sflag:s31] =	ssyncset.done $0x0  }
0x1c5: {  	[sflag:s31] =	ssyncadd.s32 $0xFFFFC000  }
0x1c6: {  	s26 =	simm.s32 $0x0;
	_ =	swait.ge [sflag:s13], $0x4000  }
0x1c7: {  	s23 =	sand.u32 $0x3C00, s24;
	s7 =	sand.u32 $0x380, s26;
	[sflag:s13] =	ssyncset.done $0x0  }
0x1c8: {  	s23 =	sor.u32 s7, s23;
	[sflag:s13] =	ssyncadd.s32 $0xFFFFC000  }
0x1c9: {  	v0 =	vld [tilespmem:s23+$0x170];
	_ =	sdelay $0x1  }
0x1ca: {  	v1 =	vld [tilespmem:s23+$0x100]  }
0x1cb: {  	v2 =	vld [tilespmem:s23+$0x110]  }
0x1cc: {  	v3 =	vld [tilespmem:s23+$0x120]  }
0x1cd: {  	s25 =	simm.s32 $0x8;
	s26 =	simm.s32 $0x400;
	v4 =	vld [tilespmem:s23+$0x130];
	vm0 =	vgt.s32 v0, $0xFFFFFF87  }
0x1ce: {  	s28 =	sand.u32 $0x380, s25;
	s24 =	sand.u32 $0x3C00, s26;
	v5 =	vld [tilespmem:s23+$0x140];
	v0 =	vnsel vm0, $0xFFFFFF87, v0  }
0x1cf: {  	s24 =	sor.u32 s28, s24;
	v6 =	vld [tilespmem:s23+$0x150];
	vm0 =	vlt.s32 v0, $0x7E  }
0x1d0: {  	v16 =	vld [tilespmem:s24+$0x140];
	v0 =	vnsel vm0, $0x7E, v0  }
0x1d1: {  	v7 =	vld [tilespmem:s23+$0x160];
	vm1 =	vgt.s32 v2, $0xFFFFFF87;
	vm0 =	vgt.s32 v1, $0xFFFFFF87;
	v0 =	vadd.s32 $0x79, v0  }
0x1d2: {  	v2 =	vnsel vm1, $0xFFFFFF87, v2;
	v1 =	vnsel vm0, $0xFFFFFF87, v1;
	vm0 =	vgt.s32 v3, $0xFFFFFF87  }
0x1d3: {  	vm2 =	vlt.s32 v2, $0x7E;
	v3 =	vnsel vm0, $0xFFFFFF87, v3;
	vm0 =	vgt.s32 v4, $0xFFFFFF87  }
0x1d4: {  	v17 =	vld [tilespmem:s24+$0x150];
	v2 =	vnsel vm2, $0x7E, v2;
	v4 =	vnsel vm0, $0xFFFFFF87, v4;
	vm0 =	vgt.s32 v5, $0xFFFFFF87  }
0x1d5: {  	vm2 =	vgt.s32 v16, $0xFFFFFF87;
	v5 =	vnsel vm0, $0xFFFFFF87, v5;
	vm0 =	vgt.s32 v6, $0xFFFFFF87  }
0x1d6: {  	v2 =	vadd.s32 $0x79, v2;
	v6 =	vnsel vm0, $0xFFFFFF87, v6;
	vm0 =	vgt.s32 v7, $0xFFFFFF87;
	v14 =	vld.idx.msk [tilespmem:v0+s4+$0x0], $0xffff  }
0x1d7: {  	vm1 =	vlt.s32 v1, $0x7E;
	vm3 =	vlt.s32 v3, $0x7E;
	v0 =	vnsel vm0, $0xFFFFFF87, v7;
	v7 =	vld [tilespmem:s24+$0x170]  }
0x1d8: {  	v8 =	vld [tilespmem:s24+$0x100];
	v1 =	vnsel vm1, $0x7E, v1;
	vm4 =	vlt.s32 v4, $0x7E;
	v3 =	vnsel vm3, $0x7E, v3  }
0x1d9: {  	v11 =	vadd.s32 $0x79, v1;
	vm3 =	vgt.s32 v17, $0xFFFFFF87;
	vm5 =	vlt.s32 v5, $0x7E  }
0x1da: {  	v10 =	vld [tilespmem:s24+$0x110];
	v4 =	vnsel vm4, $0x7E, v4;
	v3 =	vadd.s32 $0x79, v3;
	vm0 =	vlt.s32 v6, $0x7E  }
0x1db: {  	v12 =	vld [tilespmem:s24+$0x120];
	v5 =	vnsel vm5, $0x7E, v5;
	v4 =	vadd.s32 $0x79, v4;
	vm1 =	vlt.s32 v0, $0x7E  }
0x1dc: {  	v9 =	vld [tilespmem:s24+$0x160];
	v6 =	vnsel vm0, $0x7E, v6;
	v15 =	vadd.s32 $0x79, v5;
	vm0 =	vgt.s32 v7, $0xFFFFFF87  }
0x1dd: {  	v13 =	vld [tilespmem:s24+$0x130];
	v0 =	vnsel vm1, $0x7E, v0;
	vm1 =	vgt.s32 v8, $0xFFFFFF87;
	v7 =	vnsel vm0, $0xFFFFFF87, v7  }
0x1de: {  	v1 =	vadd.s32 $0x79, v6;
	v5 =	vnsel vm1, $0xFFFFFF87, v8;
	vm1 =	vlt.s32 v7, $0x7E  }
0x1df: {  	v0 =	vadd.s32 $0x79, v0;
	v8 =	vld.idx.msk [tilespmem:v11+s4+$0x0], $0xffff;
	vm0 =	vgt.s32 v10, $0xFFFFFF87;
	v7 =	vnsel vm1, $0x7E, v7  }
0x1e0: {  	v6 =	vnsel vm0, $0xFFFFFF87, v10;
	vm0 =	vgt.s32 v12, $0xFFFFFF87;
	v11 =	vadd.s32 $0x79, v7;
	v7 =	vld.idx.msk [tilespmem:v2+s4+$0x0], $0xffff  }
0x1e1: {  	[tilespmem:s23+$0x10170] =	vst v14;
	v14 =	vnsel vm3, $0xFFFFFF87, v17;
	vm3 =	vgt.s32 v9, $0xFFFFFF87;
	v10 =	vnsel vm0, $0xFFFFFF87, v12;
	v2 =	vld.idx.msk [tilespmem:v3+s4+$0x0], $0xffff  }
0x1e2: {  	vm1 =	vgt.s32 v13, $0xFFFFFF87;
	vm0 =	vlt.s32 v5, $0x7E;
	v12 =	vnsel vm2, $0xFFFFFF87, v16;
	v3 =	vld.idx.msk [tilespmem:v4+s4+$0x0], $0xffff  }
0x1e3: {  	v13 =	vnsel vm1, $0xFFFFFF87, v13;
	vm1 =	vlt.s32 v6, $0x7E;
	vm2 =	vlt.s32 v10, $0x7E;
	v4 =	vld.idx.msk [tilespmem:v15+s4+$0x0], $0xffff  }
.LBB2_15:
0x1e4: {  	s25 =	sadd.s32 $0x8, s25;
	vm4 =	vlt.s32 v13, $0x7E;
	vm5 =	vlt.s32 v12, $0x7E;
	v9 =	vnsel vm3, $0xFFFFFF87, v9;
	s26 =	sadd.s32 $0x400, s26;
	v15 =	vld.idx.msk [tilespmem:v1+s4+$0x0], $0xffff  }
0x1e5: {  	v1 =	vnsel vm0, $0x7E, v5;
	vm0 =	vlt.s32 v14, $0x7E;
	s7 =	sand.u32 $0x380, s25;
	s28 =	sand.u32 $0x3C00, s26;
	p0 =	slt.u32 s25, $0x3F8;
	vm3 =	vlt.s32 v9, $0x7E;
	v5 =	vld.idx.msk [tilespmem:v11+s4+$0x0], $0xffff;
	[tilespmem:s23+$0x10100] =	vst v8  }
0x1e6: {  	v6 =	vnsel vm1, $0x7E, v6;
	v8 =	vnsel vm2, $0x7E, v10;
	v10 =	vnsel vm4, $0x7E, v13;
	s7 =	sor.u32 s7, s28;
	[tilespmem:s23+$0x10110] =	vst v7;
	v7 =	vld.idx.msk [tilespmem:v0+s4+$0x0], $0xffff  }
0x1e7: {  	v0 =	vnsel vm5, $0x7E, v12;
	v12 =	vnsel vm0, $0x7E, v14;
	v9 =	vnsel vm3, $0x7E, v9;
	v11 =	vld [tilespmem:s7+$0x170];
	[tilespmem:s23+$0x10120] =	vst v2  }
0x1e8: {  	v13 =	vadd.s32 $0x79, v1;
	v14 =	vadd.s32 $0x79, v6;
	v16 =	vadd.s32 $0x79, v8;
	v2 =	vld [tilespmem:s7+$0x100];
	[tilespmem:s23+$0x10130] =	vst v3  }
0x1e9: {  	v17 =	vadd.s32 $0x79, v10;
	v18 =	vadd.s32 $0x79, v0;
	v1 =	vadd.s32 $0x79, v12;
	v3 =	vld [tilespmem:s7+$0x110];
	[tilespmem:s23+$0x10140] =	vst v4  }
0x1ea: {  	v0 =	vadd.s32 $0x79, v9;
	v4 =	vld [tilespmem:s7+$0x120];
	[tilespmem:s23+$0x10150] =	vst v15  }
0x1eb: {  	v12 =	vld [tilespmem:s7+$0x130];
	[tilespmem:s24+$0x10170] =	vst v5  }
0x1ec: {  	v15 =	vld [tilespmem:s7+$0x140];
	vm0 =	vgt.s32 v11, $0xFFFFFF87;
	[tilespmem:s23+$0x10160] =	vst v7;
	s23 =	smov.u32 s24;
	s24 =	smov.u32 s7  }
0x1ed: {  	vm1 =	vgt.s32 v2, $0xFFFFFF87;
	v19 =	vld [tilespmem:s24+$0x150];
	v7 =	vnsel vm0, $0xFFFFFF87, v11  }
0x1ee: {  	v5 =	vnsel vm1, $0xFFFFFF87, v2;
	vm0 =	vgt.s32 v3, $0xFFFFFF87;
	v9 =	vld [tilespmem:s24+$0x160];
	vm1 =	vlt.s32 v7, $0x7E  }
.Ltmp6:
0x1ef: {  	v6 =	vnsel vm0, $0xFFFFFF87, v3;
	vm0 =	vgt.s32 v4, $0xFFFFFF87;
	v2 =	vnsel vm1, $0x7E, v7;
	v8 =	vld.idx.msk [tilespmem:v13+s4+$0x0], $0xffff;
	(pc) =	sbr.rel @p0 .LBB2_15-.Ltmp6, $4  }
0x1f0: {  	v10 =	vnsel vm0, $0xFFFFFF87, v4;
	vm1 =	vgt.s32 v12, $0xFFFFFF87;
	v11 =	vadd.s32 $0x79, v2;
	v7 =	vld.idx.msk [tilespmem:v14+s4+$0x0], $0xffff  }
0x1f1: {  	vm0 =	vlt.s32 v5, $0x7E;
	v13 =	vnsel vm1, $0xFFFFFF87, v12;
	vm2 =	vgt.s32 v15, $0xFFFFFF87;
	v2 =	vld.idx.msk [tilespmem:v16+s4+$0x0], $0xffff  }
0x1f2: {  	vm1 =	vlt.s32 v6, $0x7E;
	v12 =	vnsel vm2, $0xFFFFFF87, v15;
	vm3 =	vgt.s32 v19, $0xFFFFFF87;
	v3 =	vld.idx.msk [tilespmem:v17+s4+$0x0], $0xffff  }
0x1f3: {  	vm2 =	vlt.s32 v10, $0x7E;
	v14 =	vnsel vm3, $0xFFFFFF87, v19;
	vm3 =	vgt.s32 v9, $0xFFFFFF87;
	v4 =	vld.idx.msk [tilespmem:v18+s4+$0x0], $0xffff  }
0x1f4: {  	_ = 	snop  }
0x1f5: {  	v5 =	vnsel vm0, $0x7E, v5  }
0x1f6: {  	vm0 =	vlt.s32 v13, $0x7E;
	v6 =	vnsel vm1, $0x7E, v6;
	v5 =	vadd.s32 $0x79, v5  }
0x1f7: {  	vm1 =	vlt.s32 v12, $0x7E;
	v10 =	vnsel vm2, $0x7E, v10;
	v6 =	vadd.s32 $0x79, v6  }
0x1f8: {  	v9 =	vnsel vm3, $0xFFFFFF87, v9;
	v1 =	vld.idx.msk [tilespmem:v1+s4+$0x0], $0xffff;
	[tilespmem:s23+$0x10100] =	vst v8;
	v8 =	vnsel vm0, $0x7E, v13;
	v10 =	vadd.s32 $0x79, v10  }
0x1f9: {  	v11 =	vld.idx.msk [tilespmem:v11+s4+$0x0], $0xffff;
	vm0 =	vlt.s32 v14, $0x7E;
	[tilespmem:s23+$0x10110] =	vst v7;
	v7 =	vnsel vm1, $0x7E, v12;
	v8 =	vadd.s32 $0x79, v8  }
0x1fa: {  	v0 =	vld.idx.msk [tilespmem:v0+s4+$0x0], $0xffff;
	vm1 =	vlt.s32 v9, $0x7E;
	v12 =	vnsel vm0, $0x7E, v14;
	[tilespmem:s23+$0x10120] =	vst v2;
	v2 =	vadd.s32 $0x79, v7  }
0x1fb: {  	v7 =	vnsel vm1, $0x7E, v9;
	[tilespmem:s23+$0x10130] =	vst v3;
	v3 =	vadd.s32 $0x79, v12;
	v5 =	vld.idx.msk [tilespmem:v5+s4+$0x0], $0xffff  }
0x1fc: {  	[tilespmem:s23+$0x10140] =	vst v4;
	v4 =	vadd.s32 $0x79, v7;
	v6 =	vld.idx.msk [tilespmem:v6+s4+$0x0], $0xffff  }
0x1fd: {  	[tilespmem:s23+$0x10150] =	vst v1;
	v1 =	vld.idx.msk [tilespmem:v10+s4+$0x0], $0xffff  }
0x1fe: {  	[tilespmem:s24+$0x10170] =	vst v11;
	v7 =	vld.idx.msk [tilespmem:v8+s4+$0x0], $0xffff  }
0x1ff: {  	[tilespmem:s23+$0x10160] =	vst v0;
	v0 =	vld.idx.msk [tilespmem:v2+s4+$0x0], $0xffff  }
0x200: {  	v2 =	vld.idx.msk [tilespmem:v3+s4+$0x0], $0xffff;
	[tilespmem:s24+$0x10100] =	vst v5  }
0x201: {  	v3 =	vld.idx.msk [tilespmem:v4+s4+$0x0], $0xffff;
	[tilespmem:s24+$0x10110] =	vst v6  }
0x202: {  	[tilespmem:s24+$0x10120] =	vst v1  }
0x203: {  	[tilespmem:s24+$0x10130] =	vst v7  }
0x204: {  	[tilespmem:s24+$0x10140] =	vst v0  }
0x205: {  	s7 =	sadd.s32 s3, s22;
	[tilespmem:s24+$0x10150] =	vst v2  }
0x206: {  	s7 =	sadd.s32 $0x800, s7;
	s23 =	simm.s32 $0x0;
	[tilespmem:s24+$0x10160] =	vst v3;
	s24 =	sadd.s32 s20, s17  }
0x207: {  	[hbm4b:s7+s23] =	stream.linear.scatter [tilespmem:s6], [sflag:$0x4], $0x4000, $0x38;
	[tilespmem:$0x18100] =	vst v63  }
0x208: {  	s7 =	sshll.u32 s24, $0x8  }
0x209: {  	s7 =	sadd.s32 s1, s7  }
0x20a: {  	[tilespmem:s29], [sflag:$0x1] =	stream.linear.gather [hbm4b:s7+s23], $0x4000, $0x38;
	[tilespmem:$0x18100] =	vst v63  }
0x20b: {  	_ =	swait.ge [sflag:s0], $0x4000  }
0x20c: {  	[sflag:s0] =	ssyncset.done $0x0  }
0x20d: {  	[sflag:s0] =	ssyncadd.s32 $0xFFFFC000  }
0x20e: {  	s25 =	simm.s32 $0x0;
	_ =	swait.ge [sflag:s14], $0x4000  }
0x20f: {  	s22 =	sand.u32 $0x3C00, s23;
	s7 =	sand.u32 $0x380, s25;
	[sflag:s14] =	ssyncset.done $0x0  }
0x210: {  	s22 =	sor.u32 s7, s22;
	[sflag:s14] =	ssyncadd.s32 $0xFFFFC000  }
0x211: {  	v0 =	vld [tilespmem:s22+$0x4170];
	_ =	sdelay $0x1  }
0x212: {  	v1 =	vld [tilespmem:s22+$0x4100]  }
0x213: {  	v2 =	vld [tilespmem:s22+$0x4110]  }
0x214: {  	v3 =	vld [tilespmem:s22+$0x4120]  }
0x215: {  	s24 =	simm.s32 $0x8;
	s25 =	simm.s32 $0x400;
	v4 =	vld [tilespmem:s22+$0x4130];
	vm0 =	vgt.s32 v0, $0xFFFFFF87  }
0x216: {  	s26 =	sand.u32 $0x380, s24;
	s28 =	sand.u32 $0x3C00, s25;
	v5 =	vld [tilespmem:s22+$0x4140];
	v0 =	vnsel vm0, $0xFFFFFF87, v0  }
0x217: {  	s23 =	sor.u32 s26, s28;
	v6 =	vld [tilespmem:s22+$0x4150];
	vm0 =	vlt.s32 v0, $0x7E  }
0x218: {  	v16 =	vld [tilespmem:s23+$0x4140];
	v0 =	vnsel vm0, $0x7E, v0  }
0x219: {  	v7 =	vld [tilespmem:s22+$0x4160];
	vm1 =	vgt.s32 v2, $0xFFFFFF87;
	vm0 =	vgt.s32 v1, $0xFFFFFF87;
	v0 =	vadd.s32 $0x79, v0  }
0x21a: {  	v2 =	vnsel vm1, $0xFFFFFF87, v2;
	v1 =	vnsel vm0, $0xFFFFFF87, v1;
	vm0 =	vgt.s32 v3, $0xFFFFFF87  }
0x21b: {  	vm2 =	vlt.s32 v2, $0x7E;
	v3 =	vnsel vm0, $0xFFFFFF87, v3;
	vm0 =	vgt.s32 v4, $0xFFFFFF87  }
0x21c: {  	v17 =	vld [tilespmem:s23+$0x4150];
	v2 =	vnsel vm2, $0x7E, v2;
	v4 =	vnsel vm0, $0xFFFFFF87, v4;
	vm0 =	vgt.s32 v5, $0xFFFFFF87  }
0x21d: {  	vm2 =	vgt.s32 v16, $0xFFFFFF87;
	v5 =	vnsel vm0, $0xFFFFFF87, v5;
	vm0 =	vgt.s32 v6, $0xFFFFFF87  }
0x21e: {  	v2 =	vadd.s32 $0x79, v2;
	v6 =	vnsel vm0, $0xFFFFFF87, v6;
	vm0 =	vgt.s32 v7, $0xFFFFFF87;
	v14 =	vld.idx.msk [tilespmem:v0+s4+$0x0], $0xffff  }
0x21f: {  	vm1 =	vlt.s32 v1, $0x7E;
	vm3 =	vlt.s32 v3, $0x7E;
	v0 =	vnsel vm0, $0xFFFFFF87, v7;
	v7 =	vld [tilespmem:s23+$0x4170]  }
0x220: {  	v8 =	vld [tilespmem:s23+$0x4100];
	v1 =	vnsel vm1, $0x7E, v1;
	vm4 =	vlt.s32 v4, $0x7E;
	v3 =	vnsel vm3, $0x7E, v3  }
0x221: {  	v11 =	vadd.s32 $0x79, v1;
	vm3 =	vgt.s32 v17, $0xFFFFFF87;
	vm5 =	vlt.s32 v5, $0x7E  }
0x222: {  	v10 =	vld [tilespmem:s23+$0x4110];
	v4 =	vnsel vm4, $0x7E, v4;
	v3 =	vadd.s32 $0x79, v3;
	vm0 =	vlt.s32 v6, $0x7E  }
0x223: {  	v12 =	vld [tilespmem:s23+$0x4120];
	v5 =	vnsel vm5, $0x7E, v5;
	v4 =	vadd.s32 $0x79, v4;
	vm1 =	vlt.s32 v0, $0x7E  }
0x224: {  	v9 =	vld [tilespmem:s23+$0x4160];
	v6 =	vnsel vm0, $0x7E, v6;
	v15 =	vadd.s32 $0x79, v5;
	vm0 =	vgt.s32 v7, $0xFFFFFF87  }
0x225: {  	v13 =	vld [tilespmem:s23+$0x4130];
	v0 =	vnsel vm1, $0x7E, v0;
	vm1 =	vgt.s32 v8, $0xFFFFFF87;
	v7 =	vnsel vm0, $0xFFFFFF87, v7  }
0x226: {  	v1 =	vadd.s32 $0x79, v6;
	v5 =	vnsel vm1, $0xFFFFFF87, v8;
	vm1 =	vlt.s32 v7, $0x7E  }
0x227: {  	v0 =	vadd.s32 $0x79, v0;
	v8 =	vld.idx.msk [tilespmem:v11+s4+$0x0], $0xffff;
	vm0 =	vgt.s32 v10, $0xFFFFFF87;
	v7 =	vnsel vm1, $0x7E, v7  }
0x228: {  	v6 =	vnsel vm0, $0xFFFFFF87, v10;
	vm0 =	vgt.s32 v12, $0xFFFFFF87;
	v11 =	vadd.s32 $0x79, v7;
	v7 =	vld.idx.msk [tilespmem:v2+s4+$0x0], $0xffff  }
0x229: {  	[tilespmem:s22+$0x14170] =	vst v14;
	v14 =	vnsel vm3, $0xFFFFFF87, v17;
	vm3 =	vgt.s32 v9, $0xFFFFFF87;
	v10 =	vnsel vm0, $0xFFFFFF87, v12;
	v2 =	vld.idx.msk [tilespmem:v3+s4+$0x0], $0xffff  }
0x22a: {  	vm1 =	vgt.s32 v13, $0xFFFFFF87;
	vm0 =	vlt.s32 v5, $0x7E;
	v12 =	vnsel vm2, $0xFFFFFF87, v16;
	v3 =	vld.idx.msk [tilespmem:v4+s4+$0x0], $0xffff  }
0x22b: {  	v13 =	vnsel vm1, $0xFFFFFF87, v13;
	vm1 =	vlt.s32 v6, $0x7E;
	vm2 =	vlt.s32 v10, $0x7E;
	v4 =	vld.idx.msk [tilespmem:v15+s4+$0x0], $0xffff  }
.LBB2_17:
0x22c: {  	s24 =	sadd.s32 $0x8, s24;
	vm4 =	vlt.s32 v13, $0x7E;
	vm5 =	vlt.s32 v12, $0x7E;
	v9 =	vnsel vm3, $0xFFFFFF87, v9;
	s25 =	sadd.s32 $0x400, s25;
	v15 =	vld.idx.msk [tilespmem:v1+s4+$0x0], $0xffff  }
0x22d: {  	v1 =	vnsel vm0, $0x7E, v5;
	vm0 =	vlt.s32 v14, $0x7E;
	s7 =	sand.u32 $0x380, s24;
	s26 =	sand.u32 $0x3C00, s25;
	p0 =	slt.u32 s24, $0x3F8;
	vm3 =	vlt.s32 v9, $0x7E;
	v5 =	vld.idx.msk [tilespmem:v11+s4+$0x0], $0xffff;
	[tilespmem:s22+$0x14100] =	vst v8  }
0x22e: {  	v6 =	vnsel vm1, $0x7E, v6;
	v8 =	vnsel vm2, $0x7E, v10;
	v10 =	vnsel vm4, $0x7E, v13;
	s7 =	sor.u32 s7, s26;
	[tilespmem:s22+$0x14110] =	vst v7;
	v7 =	vld.idx.msk [tilespmem:v0+s4+$0x0], $0xffff  }
0x22f: {  	v0 =	vnsel vm5, $0x7E, v12;
	v12 =	vnsel vm0, $0x7E, v14;
	v9 =	vnsel vm3, $0x7E, v9;
	v11 =	vld [tilespmem:s7+$0x4170];
	[tilespmem:s22+$0x14120] =	vst v2  }
0x230: {  	v13 =	vadd.s32 $0x79, v1;
	v14 =	vadd.s32 $0x79, v6;
	v16 =	vadd.s32 $0x79, v8;
	v2 =	vld [tilespmem:s7+$0x4100];
	[tilespmem:s22+$0x14130] =	vst v3  }
0x231: {  	v17 =	vadd.s32 $0x79, v10;
	v18 =	vadd.s32 $0x79, v0;
	v1 =	vadd.s32 $0x79, v12;
	v3 =	vld [tilespmem:s7+$0x4110];
	[tilespmem:s22+$0x14140] =	vst v4  }
0x232: {  	v0 =	vadd.s32 $0x79, v9;
	v4 =	vld [tilespmem:s7+$0x4120];
	[tilespmem:s22+$0x14150] =	vst v15  }
0x233: {  	v12 =	vld [tilespmem:s7+$0x4130];
	[tilespmem:s23+$0x14170] =	vst v5  }
0x234: {  	v15 =	vld [tilespmem:s7+$0x4140];
	vm0 =	vgt.s32 v11, $0xFFFFFF87;
	[tilespmem:s22+$0x14160] =	vst v7;
	s22 =	smov.u32 s23;
	s23 =	smov.u32 s7  }
0x235: {  	vm1 =	vgt.s32 v2, $0xFFFFFF87;
	v19 =	vld [tilespmem:s23+$0x4150];
	v7 =	vnsel vm0, $0xFFFFFF87, v11  }
0x236: {  	v5 =	vnsel vm1, $0xFFFFFF87, v2;
	vm0 =	vgt.s32 v3, $0xFFFFFF87;
	v9 =	vld [tilespmem:s23+$0x4160];
	vm1 =	vlt.s32 v7, $0x7E  }
.Ltmp7:
0x237: {  	v6 =	vnsel vm0, $0xFFFFFF87, v3;
	vm0 =	vgt.s32 v4, $0xFFFFFF87;
	v2 =	vnsel vm1, $0x7E, v7;
	v8 =	vld.idx.msk [tilespmem:v13+s4+$0x0], $0xffff;
	(pc) =	sbr.rel @p0 .LBB2_17-.Ltmp7, $4  }
0x238: {  	v10 =	vnsel vm0, $0xFFFFFF87, v4;
	vm1 =	vgt.s32 v12, $0xFFFFFF87;
	v11 =	vadd.s32 $0x79, v2;
	v7 =	vld.idx.msk [tilespmem:v14+s4+$0x0], $0xffff  }
0x239: {  	vm0 =	vlt.s32 v5, $0x7E;
	v13 =	vnsel vm1, $0xFFFFFF87, v12;
	vm2 =	vgt.s32 v15, $0xFFFFFF87;
	v2 =	vld.idx.msk [tilespmem:v16+s4+$0x0], $0xffff  }
0x23a: {  	vm1 =	vlt.s32 v6, $0x7E;
	v12 =	vnsel vm2, $0xFFFFFF87, v15;
	vm3 =	vgt.s32 v19, $0xFFFFFF87;
	v3 =	vld.idx.msk [tilespmem:v17+s4+$0x0], $0xffff  }
0x23b: {  	vm2 =	vlt.s32 v10, $0x7E;
	v14 =	vnsel vm3, $0xFFFFFF87, v19;
	vm3 =	vgt.s32 v9, $0xFFFFFF87;
	v4 =	vld.idx.msk [tilespmem:v18+s4+$0x0], $0xffff  }
0x23c: {  	_ = 	snop  }
0x23d: {  	v5 =	vnsel vm0, $0x7E, v5  }
0x23e: {  	vm12 =	vlt.s32 v13, $0x7E;
	v6 =	vnsel vm1, $0x7E, v6;
	v5 =	vadd.s32 $0x79, v5  }
0x23f: {  	vm13 =	vlt.s32 v12, $0x7E;
	v10 =	vnsel vm2, $0x7E, v10;
	v6 =	vadd.s32 $0x79, v6  }
0x240: {  	v9 =	vnsel vm3, $0xFFFFFF87, v9;
	v1 =	vld.idx.msk [tilespmem:v1+s4+$0x0], $0xffff;
	[tilespmem:s22+$0x14100] =	vst v8;
	v52 =	vnsel vm12, $0x7E, v13;
	v10 =	vadd.s32 $0x79, v10  }
0x241: {  	vm14 =	vlt.s32 v14, $0x7E;
	v11 =	vld.idx.msk [tilespmem:v11+s4+$0x0], $0xffff;
	[tilespmem:s22+$0x14110] =	vst v7;
	v53 =	vnsel vm13, $0x7E, v12;
	v8 =	vadd.s32 $0x79, v52  }
0x242: {  	v0 =	vld.idx.msk [tilespmem:v0+s4+$0x0], $0xffff;
	vm15 =	vlt.s32 v9, $0x7E;
	v54 =	vnsel vm14, $0x7E, v14;
	[tilespmem:s22+$0x14120] =	vst v2;
	v55 =	vadd.s32 $0x79, v53  }
0x243: {  	v56 =	vnsel vm15, $0x7E, v9;
	v57 =	vadd.s32 $0x79, v54;
	[tilespmem:s22+$0x14130] =	vst v3;
	v5 =	vld.idx.msk [tilespmem:v5+s4+$0x0], $0xffff  }
0x244: {  	v58 =	vadd.s32 $0x79, v56;
	[tilespmem:s22+$0x14140] =	vst v4;
	v6 =	vld.idx.msk [tilespmem:v6+s4+$0x0], $0xffff  }
0x245: {  	[tilespmem:s22+$0x14150] =	vst v1;
	v59 =	vld.idx.msk [tilespmem:v10+s4+$0x0], $0xffff  }
0x246: {  	[tilespmem:s23+$0x14170] =	vst v11;
	v60 =	vld.idx.msk [tilespmem:v8+s4+$0x0], $0xffff  }
0x247: {  	[tilespmem:s22+$0x14160] =	vst v0;
	v61 =	vld.idx.msk [tilespmem:v55+s4+$0x0], $0xffff  }
0x248: {  	v62 =	vld.idx.msk [tilespmem:v57+s4+$0x0], $0xffff;
	[tilespmem:s23+$0x14100] =	vst v5  }
0x249: {  	v63 =	vld.idx.msk [tilespmem:v58+s4+$0x0], $0xffff;
	[tilespmem:s23+$0x14110] =	vst v6  }
0x24a: {  	[tilespmem:s23+$0x14120] =	vst v59  }
0x24b: {  	[tilespmem:s23+$0x14130] =	vst v60  }
0x24c: {  	s19 =	sadd.s32 $0x1, s19;
	[tilespmem:s23+$0x14140] =	vst v61  }
0x24d: {  	p0 =	sne.s32 s19, $0xF;
	[tilespmem:s23+$0x14150] =	vst v62  }
.Ltmp8:
0x24e: {  	s7 =	sadd.s32 s3, s21;
	s28 =	sadd.s32 s20, s18;
	[tilespmem:s23+$0x14160] =	vst v63;
	(pc) =	sbr.rel @p0 .LBB2_10-.Ltmp8, $4  }
0x24f: {  	[hbm4b:s7+s4] =	stream.linear.scatter [tilespmem:s8], [sflag:$0x5], $0x4000, $0x38;
	[tilespmem:$0x18100] =	vst v63  }
0x250: {  	s7 =	sshll.u32 s28, $0x8  }
0x251: {  	s7 =	sadd.s32 s1, s7  }
0x252: {  	[tilespmem:s30], [sflag:$0x2] =	stream.linear.gather [hbm4b:s7+s4], $0x4000, $0x38;
	[tilespmem:$0x18100] =	vst v63  }
0x253: {  	_ =	swait.ge [sflag:s31], $0x4000  }
0x254: {  	[sflag:s31] =	ssyncset.done $0x0  }
0x255: {  	[sflag:s31] =	ssyncadd.s32 $0xFFFFC000  }
0x256: {  	s7 =	simm.s32 $0x0;
	s19 =	simm.s32 $0x0;
	_ =	swait.ge [sflag:s9], $0x4000  }
0x257: {  	s19 =	sand.u32 $0x380, s19;
	s7 =	sand.u32 $0x3C00, s7;
	[sflag:s9] =	ssyncset.done $0x0  }
0x258: {  	s19 =	sor.u32 s19, s7;
	[sflag:s9] =	ssyncadd.s32 $0xFFFFC000  }
0x259: {  	v0 =	vld [tilespmem:s19+$0x170];
	_ =	sdelay $0x1  }
0x25a: {  	v1 =	vld [tilespmem:s19+$0x100]  }
0x25b: {  	v2 =	vld [tilespmem:s19+$0x110]  }
0x25c: {  	v3 =	vld [tilespmem:s19+$0x120]  }
0x25d: {  	s21 =	simm.s32 $0x8;
	s22 =	simm.s32 $0x400;
	v4 =	vld [tilespmem:s19+$0x130];
	vm0 =	vgt.s32 v0, $0xFFFFFF87  }
0x25e: {  	s28 =	sand.u32 $0x380, s21;
	s20 =	sand.u32 $0x3C00, s22;
	v5 =	vld [tilespmem:s19+$0x140];
	v0 =	vnsel vm0, $0xFFFFFF87, v0  }
0x25f: {  	s20 =	sor.u32 s28, s20;
	v6 =	vld [tilespmem:s19+$0x150];
	vm0 =	vlt.s32 v0, $0x7E  }
0x260: {  	v16 =	vld [tilespmem:s20+$0x140];
	v0 =	vnsel vm0, $0x7E, v0  }
0x261: {  	v7 =	vld [tilespmem:s19+$0x160];
	vm1 =	vgt.s32 v2, $0xFFFFFF87;
	vm0 =	vgt.s32 v1, $0xFFFFFF87;
	v0 =	vadd.s32 $0x79, v0  }
0x262: {  	v2 =	vnsel vm1, $0xFFFFFF87, v2;
	v1 =	vnsel vm0, $0xFFFFFF87, v1;
	vm0 =	vgt.s32 v3, $0xFFFFFF87  }
0x263: {  	vm2 =	vlt.s32 v2, $0x7E;
	v3 =	vnsel vm0, $0xFFFFFF87, v3;
	vm0 =	vgt.s32 v4, $0xFFFFFF87  }
0x264: {  	v17 =	vld [tilespmem:s20+$0x150];
	v2 =	vnsel vm2, $0x7E, v2;
	v4 =	vnsel vm0, $0xFFFFFF87, v4;
	vm0 =	vgt.s32 v5, $0xFFFFFF87  }
0x265: {  	vm2 =	vgt.s32 v16, $0xFFFFFF87;
	v5 =	vnsel vm0, $0xFFFFFF87, v5;
	vm0 =	vgt.s32 v6, $0xFFFFFF87  }
0x266: {  	v2 =	vadd.s32 $0x79, v2;
	v6 =	vnsel vm0, $0xFFFFFF87, v6;
	vm0 =	vgt.s32 v7, $0xFFFFFF87;
	v14 =	vld.idx.msk [tilespmem:v0+s4+$0x0], $0xffff  }
0x267: {  	vm1 =	vlt.s32 v1, $0x7E;
	vm3 =	vlt.s32 v3, $0x7E;
	v0 =	vnsel vm0, $0xFFFFFF87, v7;
	v7 =	vld [tilespmem:s20+$0x170]  }
0x268: {  	v8 =	vld [tilespmem:s20+$0x100];
	v1 =	vnsel vm1, $0x7E, v1;
	vm4 =	vlt.s32 v4, $0x7E;
	v3 =	vnsel vm3, $0x7E, v3  }
0x269: {  	v11 =	vadd.s32 $0x79, v1;
	vm3 =	vgt.s32 v17, $0xFFFFFF87;
	vm5 =	vlt.s32 v5, $0x7E  }
0x26a: {  	v10 =	vld [tilespmem:s20+$0x110];
	v4 =	vnsel vm4, $0x7E, v4;
	v3 =	vadd.s32 $0x79, v3;
	vm0 =	vlt.s32 v6, $0x7E  }
0x26b: {  	v12 =	vld [tilespmem:s20+$0x120];
	v5 =	vnsel vm5, $0x7E, v5;
	v4 =	vadd.s32 $0x79, v4;
	vm1 =	vlt.s32 v0, $0x7E  }
0x26c: {  	v9 =	vld [tilespmem:s20+$0x160];
	v6 =	vnsel vm0, $0x7E, v6;
	v15 =	vadd.s32 $0x79, v5;
	vm0 =	vgt.s32 v7, $0xFFFFFF87  }
0x26d: {  	v13 =	vld [tilespmem:s20+$0x130];
	v0 =	vnsel vm1, $0x7E, v0;
	vm1 =	vgt.s32 v8, $0xFFFFFF87;
	v7 =	vnsel vm0, $0xFFFFFF87, v7  }
0x26e: {  	v1 =	vadd.s32 $0x79, v6;
	v5 =	vnsel vm1, $0xFFFFFF87, v8;
	vm1 =	vlt.s32 v7, $0x7E  }
0x26f: {  	v0 =	vadd.s32 $0x79, v0;
	v8 =	vld.idx.msk [tilespmem:v11+s4+$0x0], $0xffff;
	vm0 =	vgt.s32 v10, $0xFFFFFF87;
	v7 =	vnsel vm1, $0x7E, v7  }
0x270: {  	v6 =	vnsel vm0, $0xFFFFFF87, v10;
	vm0 =	vgt.s32 v12, $0xFFFFFF87;
	v11 =	vadd.s32 $0x79, v7;
	v7 =	vld.idx.msk [tilespmem:v2+s4+$0x0], $0xffff  }
0x271: {  	[tilespmem:s19+$0x8170] =	vst v14;
	v14 =	vnsel vm3, $0xFFFFFF87, v17;
	vm3 =	vgt.s32 v9, $0xFFFFFF87;
	v10 =	vnsel vm0, $0xFFFFFF87, v12;
	v2 =	vld.idx.msk [tilespmem:v3+s4+$0x0], $0xffff  }
0x272: {  	vm1 =	vgt.s32 v13, $0xFFFFFF87;
	vm0 =	vlt.s32 v5, $0x7E;
	v12 =	vnsel vm2, $0xFFFFFF87, v16;
	v3 =	vld.idx.msk [tilespmem:v4+s4+$0x0], $0xffff  }
0x273: {  	v13 =	vnsel vm1, $0xFFFFFF87, v13;
	vm1 =	vlt.s32 v6, $0x7E;
	vm2 =	vlt.s32 v10, $0x7E;
	v4 =	vld.idx.msk [tilespmem:v15+s4+$0x0], $0xffff  }
.LBB2_20:
0x274: {  	s21 =	sadd.s32 $0x8, s21;
	vm4 =	vlt.s32 v13, $0x7E;
	vm5 =	vlt.s32 v12, $0x7E;
	v9 =	vnsel vm3, $0xFFFFFF87, v9;
	s22 =	sadd.s32 $0x400, s22;
	v15 =	vld.idx.msk [tilespmem:v1+s4+$0x0], $0xffff  }
0x275: {  	v1 =	vnsel vm0, $0x7E, v5;
	vm0 =	vlt.s32 v14, $0x7E;
	s7 =	sand.u32 $0x380, s21;
	s23 =	sand.u32 $0x3C00, s22;
	p0 =	slt.u32 s21, $0x3F8;
	vm3 =	vlt.s32 v9, $0x7E;
	v5 =	vld.idx.msk [tilespmem:v11+s4+$0x0], $0xffff;
	[tilespmem:s19+$0x8100] =	vst v8  }
0x276: {  	v6 =	vnsel vm1, $0x7E, v6;
	v8 =	vnsel vm2, $0x7E, v10;
	v10 =	vnsel vm4, $0x7E, v13;
	s7 =	sor.u32 s7, s23;
	[tilespmem:s19+$0x8110] =	vst v7;
	v7 =	vld.idx.msk [tilespmem:v0+s4+$0x0], $0xffff  }
0x277: {  	v0 =	vnsel vm5, $0x7E, v12;
	v12 =	vnsel vm0, $0x7E, v14;
	v9 =	vnsel vm3, $0x7E, v9;
	v11 =	vld [tilespmem:s7+$0x170];
	[tilespmem:s19+$0x8120] =	vst v2  }
0x278: {  	v13 =	vadd.s32 $0x79, v1;
	v14 =	vadd.s32 $0x79, v6;
	v16 =	vadd.s32 $0x79, v8;
	v2 =	vld [tilespmem:s7+$0x100];
	[tilespmem:s19+$0x8130] =	vst v3  }
0x279: {  	v17 =	vadd.s32 $0x79, v10;
	v18 =	vadd.s32 $0x79, v0;
	v1 =	vadd.s32 $0x79, v12;
	v3 =	vld [tilespmem:s7+$0x110];
	[tilespmem:s19+$0x8140] =	vst v4  }
0x27a: {  	v0 =	vadd.s32 $0x79, v9;
	v4 =	vld [tilespmem:s7+$0x120];
	[tilespmem:s19+$0x8150] =	vst v15  }
0x27b: {  	v12 =	vld [tilespmem:s7+$0x130];
	[tilespmem:s20+$0x8170] =	vst v5  }
0x27c: {  	v15 =	vld [tilespmem:s7+$0x140];
	vm0 =	vgt.s32 v11, $0xFFFFFF87;
	[tilespmem:s19+$0x8160] =	vst v7;
	s19 =	smov.u32 s20;
	s20 =	smov.u32 s7  }
0x27d: {  	vm1 =	vgt.s32 v2, $0xFFFFFF87;
	v19 =	vld [tilespmem:s20+$0x150];
	v7 =	vnsel vm0, $0xFFFFFF87, v11  }
0x27e: {  	v5 =	vnsel vm1, $0xFFFFFF87, v2;
	vm0 =	vgt.s32 v3, $0xFFFFFF87;
	v9 =	vld [tilespmem:s20+$0x160];
	vm1 =	vlt.s32 v7, $0x7E  }
.Ltmp9:
0x27f: {  	v6 =	vnsel vm0, $0xFFFFFF87, v3;
	vm0 =	vgt.s32 v4, $0xFFFFFF87;
	v2 =	vnsel vm1, $0x7E, v7;
	v8 =	vld.idx.msk [tilespmem:v13+s4+$0x0], $0xffff;
	(pc) =	sbr.rel @p0 .LBB2_20-.Ltmp9, $4  }
0x280: {  	v10 =	vnsel vm0, $0xFFFFFF87, v4;
	vm1 =	vgt.s32 v12, $0xFFFFFF87;
	v11 =	vadd.s32 $0x79, v2;
	v7 =	vld.idx.msk [tilespmem:v14+s4+$0x0], $0xffff  }
0x281: {  	vm0 =	vlt.s32 v5, $0x7E;
	v13 =	vnsel vm1, $0xFFFFFF87, v12;
	vm2 =	vgt.s32 v15, $0xFFFFFF87;
	v2 =	vld.idx.msk [tilespmem:v16+s4+$0x0], $0xffff  }
0x282: {  	vm1 =	vlt.s32 v6, $0x7E;
	v12 =	vnsel vm2, $0xFFFFFF87, v15;
	vm3 =	vgt.s32 v19, $0xFFFFFF87;
	v3 =	vld.idx.msk [tilespmem:v17+s4+$0x0], $0xffff  }
0x283: {  	vm2 =	vlt.s32 v10, $0x7E;
	v14 =	vnsel vm3, $0xFFFFFF87, v19;
	vm3 =	vgt.s32 v9, $0xFFFFFF87;
	v4 =	vld.idx.msk [tilespmem:v18+s4+$0x0], $0xffff  }
0x284: {  	_ = 	snop  }
0x285: {  	v5 =	vnsel vm0, $0x7E, v5  }
0x286: {  	vm0 =	vlt.s32 v13, $0x7E;
	v6 =	vnsel vm1, $0x7E, v6;
	v5 =	vadd.s32 $0x79, v5  }
0x287: {  	vm1 =	vlt.s32 v12, $0x7E;
	v10 =	vnsel vm2, $0x7E, v10;
	v6 =	vadd.s32 $0x79, v6  }
0x288: {  	v9 =	vnsel vm3, $0xFFFFFF87, v9;
	v1 =	vld.idx.msk [tilespmem:v1+s4+$0x0], $0xffff;
	[tilespmem:s19+$0x8100] =	vst v8;
	v8 =	vnsel vm0, $0x7E, v13;
	v10 =	vadd.s32 $0x79, v10  }
0x289: {  	v11 =	vld.idx.msk [tilespmem:v11+s4+$0x0], $0xffff;
	vm0 =	vlt.s32 v14, $0x7E;
	[tilespmem:s19+$0x8110] =	vst v7;
	v7 =	vnsel vm1, $0x7E, v12;
	v8 =	vadd.s32 $0x79, v8  }
0x28a: {  	v0 =	vld.idx.msk [tilespmem:v0+s4+$0x0], $0xffff;
	vm1 =	vlt.s32 v9, $0x7E;
	v12 =	vnsel vm0, $0x7E, v14;
	[tilespmem:s19+$0x8120] =	vst v2;
	v2 =	vadd.s32 $0x79, v7  }
0x28b: {  	v7 =	vnsel vm1, $0x7E, v9;
	[tilespmem:s19+$0x8130] =	vst v3;
	v3 =	vadd.s32 $0x79, v12;
	v5 =	vld.idx.msk [tilespmem:v5+s4+$0x0], $0xffff  }
0x28c: {  	[tilespmem:s19+$0x8140] =	vst v4;
	v4 =	vadd.s32 $0x79, v7;
	v6 =	vld.idx.msk [tilespmem:v6+s4+$0x0], $0xffff  }
0x28d: {  	[tilespmem:s19+$0x8150] =	vst v1;
	v1 =	vld.idx.msk [tilespmem:v10+s4+$0x0], $0xffff  }
0x28e: {  	[tilespmem:s20+$0x8170] =	vst v11;
	v7 =	vld.idx.msk [tilespmem:v8+s4+$0x0], $0xffff  }
0x28f: {  	[tilespmem:s19+$0x8160] =	vst v0;
	v0 =	vld.idx.msk [tilespmem:v2+s4+$0x0], $0xffff  }
0x290: {  	v2 =	vld.idx.msk [tilespmem:v3+s4+$0x0], $0xffff;
	[tilespmem:s20+$0x8100] =	vst v5  }
0x291: {  	v3 =	vld.idx.msk [tilespmem:v4+s4+$0x0], $0xffff;
	[tilespmem:s20+$0x8110] =	vst v6  }
0x292: {  	[tilespmem:s20+$0x8120] =	vst v1  }
0x293: {  	[tilespmem:s20+$0x8130] =	vst v7  }
0x294: {  	[tilespmem:s20+$0x8140] =	vst v0  }
0x295: {  	[tilespmem:s20+$0x8150] =	vst v2  }
0x296: {  	[tilespmem:s20+$0x8160] =	vst v3  }
0x297: {  	s7 =	simm.s32 $0x0;
	s19 =	rddreg [dreg:$0xd]  }
0x298: {  	[hbm4b:s19+s7] =	stream.linear.scatter [tilespmem:s11], [sflag:$0x6], $0x4000, $0x38;
	[tilespmem:$0x18100] =	vst v63  }
0x299: {  	s24 =	rddreg [dreg:$0xe]  }
0x29a: {  	[tilespmem:s29], [sflag:$0x1] =	stream.linear.gather [hbm4b:s24+s7], $0x4000, $0x38;
	[tilespmem:$0x18100] =	vst v63  }
0x29b: {  	_ =	swait.ge [sflag:s0], $0x4000  }
0x29c: {  	[sflag:s0] =	ssyncset.done $0x0  }
0x29d: {  	[sflag:s0] =	ssyncadd.s32 $0xFFFFC000  }
0x29e: {  	s25 =	simm.s32 $0x0;
	_ =	swait.ge [sflag:s12], $0x4000  }
0x29f: {  	s19 =	sand.u32 $0x380, s25;
	s7 =	sand.u32 $0x3C00, s7;
	[sflag:s12] =	ssyncset.done $0x0  }
0x2a0: {  	s19 =	sor.u32 s19, s7;
	[sflag:s12] =	ssyncadd.s32 $0xFFFFC000  }
0x2a1: {  	v0 =	vld [tilespmem:s19+$0x4170];
	_ =	sdelay $0x1  }
0x2a2: {  	v1 =	vld [tilespmem:s19+$0x4100]  }
0x2a3: {  	v2 =	vld [tilespmem:s19+$0x4110]  }
0x2a4: {  	v3 =	vld [tilespmem:s19+$0x4120]  }
0x2a5: {  	s21 =	simm.s32 $0x8;
	s22 =	simm.s32 $0x400;
	v4 =	vld [tilespmem:s19+$0x4130];
	vm0 =	vgt.s32 v0, $0xFFFFFF87  }
0x2a6: {  	s26 =	sand.u32 $0x380, s21;
	s28 =	sand.u32 $0x3C00, s22;
	v5 =	vld [tilespmem:s19+$0x4140];
	v0 =	vnsel vm0, $0xFFFFFF87, v0  }
0x2a7: {  	s20 =	sor.u32 s26, s28;
	v6 =	vld [tilespmem:s19+$0x4150];
	vm0 =	vlt.s32 v0, $0x7E  }
0x2a8: {  	v16 =	vld [tilespmem:s20+$0x4140];
	v0 =	vnsel vm0, $0x7E, v0  }
0x2a9: {  	v7 =	vld [tilespmem:s19+$0x4160];
	vm1 =	vgt.s32 v2, $0xFFFFFF87;
	vm0 =	vgt.s32 v1, $0xFFFFFF87;
	v0 =	vadd.s32 $0x79, v0  }
0x2aa: {  	v2 =	vnsel vm1, $0xFFFFFF87, v2;
	v1 =	vnsel vm0, $0xFFFFFF87, v1;
	vm0 =	vgt.s32 v3, $0xFFFFFF87  }
0x2ab: {  	vm2 =	vlt.s32 v2, $0x7E;
	v3 =	vnsel vm0, $0xFFFFFF87, v3;
	vm0 =	vgt.s32 v4, $0xFFFFFF87  }
0x2ac: {  	v17 =	vld [tilespmem:s20+$0x4150];
	v2 =	vnsel vm2, $0x7E, v2;
	v4 =	vnsel vm0, $0xFFFFFF87, v4;
	vm0 =	vgt.s32 v5, $0xFFFFFF87  }
0x2ad: {  	vm2 =	vgt.s32 v16, $0xFFFFFF87;
	v5 =	vnsel vm0, $0xFFFFFF87, v5;
	vm0 =	vgt.s32 v6, $0xFFFFFF87  }
0x2ae: {  	v2 =	vadd.s32 $0x79, v2;
	v6 =	vnsel vm0, $0xFFFFFF87, v6;
	vm0 =	vgt.s32 v7, $0xFFFFFF87;
	v14 =	vld.idx.msk [tilespmem:v0+s4+$0x0], $0xffff  }
0x2af: {  	vm1 =	vlt.s32 v1, $0x7E;
	vm3 =	vlt.s32 v3, $0x7E;
	v0 =	vnsel vm0, $0xFFFFFF87, v7;
	v7 =	vld [tilespmem:s20+$0x4170]  }
0x2b0: {  	v8 =	vld [tilespmem:s20+$0x4100];
	v1 =	vnsel vm1, $0x7E, v1;
	vm4 =	vlt.s32 v4, $0x7E;
	v3 =	vnsel vm3, $0x7E, v3  }
0x2b1: {  	v11 =	vadd.s32 $0x79, v1;
	vm3 =	vgt.s32 v17, $0xFFFFFF87;
	vm5 =	vlt.s32 v5, $0x7E  }
0x2b2: {  	v10 =	vld [tilespmem:s20+$0x4110];
	v4 =	vnsel vm4, $0x7E, v4;
	v3 =	vadd.s32 $0x79, v3;
	vm0 =	vlt.s32 v6, $0x7E  }
0x2b3: {  	v12 =	vld [tilespmem:s20+$0x4120];
	v5 =	vnsel vm5, $0x7E, v5;
	v4 =	vadd.s32 $0x79, v4;
	vm1 =	vlt.s32 v0, $0x7E  }
0x2b4: {  	v9 =	vld [tilespmem:s20+$0x4160];
	v6 =	vnsel vm0, $0x7E, v6;
	v15 =	vadd.s32 $0x79, v5;
	vm0 =	vgt.s32 v7, $0xFFFFFF87  }
0x2b5: {  	v13 =	vld [tilespmem:s20+$0x4130];
	v0 =	vnsel vm1, $0x7E, v0;
	vm1 =	vgt.s32 v8, $0xFFFFFF87;
	v7 =	vnsel vm0, $0xFFFFFF87, v7  }
0x2b6: {  	v1 =	vadd.s32 $0x79, v6;
	v5 =	vnsel vm1, $0xFFFFFF87, v8;
	vm1 =	vlt.s32 v7, $0x7E  }
0x2b7: {  	v0 =	vadd.s32 $0x79, v0;
	v8 =	vld.idx.msk [tilespmem:v11+s4+$0x0], $0xffff;
	vm0 =	vgt.s32 v10, $0xFFFFFF87;
	v7 =	vnsel vm1, $0x7E, v7  }
0x2b8: {  	v6 =	vnsel vm0, $0xFFFFFF87, v10;
	vm0 =	vgt.s32 v12, $0xFFFFFF87;
	v11 =	vadd.s32 $0x79, v7;
	v7 =	vld.idx.msk [tilespmem:v2+s4+$0x0], $0xffff  }
0x2b9: {  	[tilespmem:s19+$0xC170] =	vst v14;
	v14 =	vnsel vm3, $0xFFFFFF87, v17;
	vm3 =	vgt.s32 v9, $0xFFFFFF87;
	v10 =	vnsel vm0, $0xFFFFFF87, v12;
	v2 =	vld.idx.msk [tilespmem:v3+s4+$0x0], $0xffff  }
0x2ba: {  	vm1 =	vgt.s32 v13, $0xFFFFFF87;
	vm0 =	vlt.s32 v5, $0x7E;
	v12 =	vnsel vm2, $0xFFFFFF87, v16;
	v3 =	vld.idx.msk [tilespmem:v4+s4+$0x0], $0xffff  }
0x2bb: {  	v13 =	vnsel vm1, $0xFFFFFF87, v13;
	vm1 =	vlt.s32 v6, $0x7E;
	vm2 =	vlt.s32 v10, $0x7E;
	v4 =	vld.idx.msk [tilespmem:v15+s4+$0x0], $0xffff  }
.LBB2_22:
0x2bc: {  	s21 =	sadd.s32 $0x8, s21;
	vm4 =	vlt.s32 v13, $0x7E;
	vm5 =	vlt.s32 v12, $0x7E;
	v9 =	vnsel vm3, $0xFFFFFF87, v9;
	s22 =	sadd.s32 $0x400, s22;
	v15 =	vld.idx.msk [tilespmem:v1+s4+$0x0], $0xffff  }
0x2bd: {  	v1 =	vnsel vm0, $0x7E, v5;
	vm0 =	vlt.s32 v14, $0x7E;
	s7 =	sand.u32 $0x380, s21;
	s23 =	sand.u32 $0x3C00, s22;
	p0 =	slt.u32 s21, $0x3F8;
	vm3 =	vlt.s32 v9, $0x7E;
	v5 =	vld.idx.msk [tilespmem:v11+s4+$0x0], $0xffff;
	[tilespmem:s19+$0xC100] =	vst v8  }
0x2be: {  	v6 =	vnsel vm1, $0x7E, v6;
	v8 =	vnsel vm2, $0x7E, v10;
	v10 =	vnsel vm4, $0x7E, v13;
	s7 =	sor.u32 s7, s23;
	[tilespmem:s19+$0xC110] =	vst v7;
	v7 =	vld.idx.msk [tilespmem:v0+s4+$0x0], $0xffff  }
0x2bf: {  	v0 =	vnsel vm5, $0x7E, v12;
	v12 =	vnsel vm0, $0x7E, v14;
	v9 =	vnsel vm3, $0x7E, v9;
	v11 =	vld [tilespmem:s7+$0x4170];
	[tilespmem:s19+$0xC120] =	vst v2  }
0x2c0: {  	v13 =	vadd.s32 $0x79, v1;
	v14 =	vadd.s32 $0x79, v6;
	v16 =	vadd.s32 $0x79, v8;
	v2 =	vld [tilespmem:s7+$0x4100];
	[tilespmem:s19+$0xC130] =	vst v3  }
0x2c1: {  	v17 =	vadd.s32 $0x79, v10;
	v18 =	vadd.s32 $0x79, v0;
	v1 =	vadd.s32 $0x79, v12;
	v3 =	vld [tilespmem:s7+$0x4110];
	[tilespmem:s19+$0xC140] =	vst v4  }
0x2c2: {  	v0 =	vadd.s32 $0x79, v9;
	v4 =	vld [tilespmem:s7+$0x4120];
	[tilespmem:s19+$0xC150] =	vst v15  }
0x2c3: {  	v12 =	vld [tilespmem:s7+$0x4130];
	[tilespmem:s20+$0xC170] =	vst v5  }
0x2c4: {  	v15 =	vld [tilespmem:s7+$0x4140];
	vm0 =	vgt.s32 v11, $0xFFFFFF87;
	[tilespmem:s19+$0xC160] =	vst v7;
	s19 =	smov.u32 s20;
	s20 =	smov.u32 s7  }
0x2c5: {  	vm1 =	vgt.s32 v2, $0xFFFFFF87;
	v19 =	vld [tilespmem:s20+$0x4150];
	v7 =	vnsel vm0, $0xFFFFFF87, v11  }
0x2c6: {  	v5 =	vnsel vm1, $0xFFFFFF87, v2;
	vm0 =	vgt.s32 v3, $0xFFFFFF87;
	v9 =	vld [tilespmem:s20+$0x4160];
	vm1 =	vlt.s32 v7, $0x7E  }
.Ltmp10:
0x2c7: {  	v6 =	vnsel vm0, $0xFFFFFF87, v3;
	vm0 =	vgt.s32 v4, $0xFFFFFF87;
	v2 =	vnsel vm1, $0x7E, v7;
	v8 =	vld.idx.msk [tilespmem:v13+s4+$0x0], $0xffff;
	(pc) =	sbr.rel @p0 .LBB2_22-.Ltmp10, $4  }
0x2c8: {  	v10 =	vnsel vm0, $0xFFFFFF87, v4;
	vm1 =	vgt.s32 v12, $0xFFFFFF87;
	v11 =	vadd.s32 $0x79, v2;
	v7 =	vld.idx.msk [tilespmem:v14+s4+$0x0], $0xffff  }
0x2c9: {  	vm0 =	vlt.s32 v5, $0x7E;
	v13 =	vnsel vm1, $0xFFFFFF87, v12;
	vm2 =	vgt.s32 v15, $0xFFFFFF87;
	v2 =	vld.idx.msk [tilespmem:v16+s4+$0x0], $0xffff  }
0x2ca: {  	vm1 =	vlt.s32 v6, $0x7E;
	v12 =	vnsel vm2, $0xFFFFFF87, v15;
	vm3 =	vgt.s32 v19, $0xFFFFFF87;
	v3 =	vld.idx.msk [tilespmem:v17+s4+$0x0], $0xffff  }
0x2cb: {  	vm2 =	vlt.s32 v10, $0x7E;
	v14 =	vnsel vm3, $0xFFFFFF87, v19;
	vm3 =	vgt.s32 v9, $0xFFFFFF87;
	v4 =	vld.idx.msk [tilespmem:v18+s4+$0x0], $0xffff  }
0x2cc: {  	_ = 	snop  }
0x2cd: {  	v5 =	vnsel vm0, $0x7E, v5  }
0x2ce: {  	vm0 =	vlt.s32 v13, $0x7E;
	v6 =	vnsel vm1, $0x7E, v6;
	v5 =	vadd.s32 $0x79, v5  }
0x2cf: {  	vm1 =	vlt.s32 v12, $0x7E;
	v10 =	vnsel vm2, $0x7E, v10;
	v6 =	vadd.s32 $0x79, v6  }
0x2d0: {  	v9 =	vnsel vm3, $0xFFFFFF87, v9;
	v1 =	vld.idx.msk [tilespmem:v1+s4+$0x0], $0xffff;
	[tilespmem:s19+$0xC100] =	vst v8;
	v8 =	vnsel vm0, $0x7E, v13;
	v10 =	vadd.s32 $0x79, v10  }
0x2d1: {  	v11 =	vld.idx.msk [tilespmem:v11+s4+$0x0], $0xffff;
	vm0 =	vlt.s32 v14, $0x7E;
	[tilespmem:s19+$0xC110] =	vst v7;
	v7 =	vnsel vm1, $0x7E, v12;
	v8 =	vadd.s32 $0x79, v8  }
0x2d2: {  	v0 =	vld.idx.msk [tilespmem:v0+s4+$0x0], $0xffff;
	vm1 =	vlt.s32 v9, $0x7E;
	v12 =	vnsel vm0, $0x7E, v14;
	[tilespmem:s19+$0xC120] =	vst v2;
	v2 =	vadd.s32 $0x79, v7  }
0x2d3: {  	v7 =	vnsel vm1, $0x7E, v9;
	[tilespmem:s19+$0xC130] =	vst v3;
	v3 =	vadd.s32 $0x79, v12;
	v5 =	vld.idx.msk [tilespmem:v5+s4+$0x0], $0xffff  }
0x2d4: {  	[tilespmem:s19+$0xC140] =	vst v4;
	v4 =	vadd.s32 $0x79, v7;
	v6 =	vld.idx.msk [tilespmem:v6+s4+$0x0], $0xffff  }
0x2d5: {  	[tilespmem:s19+$0xC150] =	vst v1;
	v1 =	vld.idx.msk [tilespmem:v10+s4+$0x0], $0xffff  }
0x2d6: {  	[tilespmem:s20+$0xC170] =	vst v11;
	v7 =	vld.idx.msk [tilespmem:v8+s4+$0x0], $0xffff  }
0x2d7: {  	[tilespmem:s19+$0xC160] =	vst v0;
	v0 =	vld.idx.msk [tilespmem:v2+s4+$0x0], $0xffff  }
0x2d8: {  	v2 =	vld.idx.msk [tilespmem:v3+s4+$0x0], $0xffff;
	[tilespmem:s20+$0xC100] =	vst v5  }
0x2d9: {  	v3 =	vld.idx.msk [tilespmem:v4+s4+$0x0], $0xffff;
	[tilespmem:s20+$0xC110] =	vst v6  }
0x2da: {  	[tilespmem:s20+$0xC120] =	vst v1  }
0x2db: {  	[tilespmem:s20+$0xC130] =	vst v7  }
0x2dc: {  	[tilespmem:s20+$0xC140] =	vst v0  }
0x2dd: {  	[tilespmem:s20+$0xC150] =	vst v2  }
0x2de: {  	[tilespmem:s20+$0xC160] =	vst v3  }
0x2df: {  	s7 =	simm.s32 $0x0;
	s19 =	rddreg [dreg:$0xf]  }
0x2e0: {  	[hbm4b:s19+s7] =	stream.linear.scatter [tilespmem:s2], [sflag:$0x3], $0x4000, $0x38;
	[tilespmem:$0x18100] =	vst v63  }
0x2e1: {  	s24 =	rddreg [dreg:$0x10]  }
0x2e2: {  	[tilespmem:s30], [sflag:$0x2] =	stream.linear.gather [hbm4b:s24+s7], $0x4000, $0x38;
	[tilespmem:$0x18100] =	vst v63  }
0x2e3: {  	_ =	swait.ge [sflag:s31], $0x4000  }
0x2e4: {  	[sflag:s31] =	ssyncset.done $0x0  }
0x2e5: {  	[sflag:s31] =	ssyncadd.s32 $0xFFFFC000  }
0x2e6: {  	s25 =	simm.s32 $0x0;
	_ =	swait.ge [sflag:s13], $0x4000  }
0x2e7: {  	s19 =	sand.u32 $0x380, s25;
	s7 =	sand.u32 $0x3C00, s7;
	[sflag:s13] =	ssyncset.done $0x0  }
0x2e8: {  	s19 =	sor.u32 s19, s7;
	[sflag:s13] =	ssyncadd.s32 $0xFFFFC000  }
0x2e9: {  	v0 =	vld [tilespmem:s19+$0x170];
	_ =	sdelay $0x1  }
0x2ea: {  	v1 =	vld [tilespmem:s19+$0x100]  }
0x2eb: {  	v2 =	vld [tilespmem:s19+$0x110]  }
0x2ec: {  	v3 =	vld [tilespmem:s19+$0x120]  }
0x2ed: {  	s21 =	simm.s32 $0x8;
	s22 =	simm.s32 $0x400;
	v4 =	vld [tilespmem:s19+$0x130];
	vm0 =	vgt.s32 v0, $0xFFFFFF87  }
0x2ee: {  	s26 =	sand.u32 $0x380, s21;
	s28 =	sand.u32 $0x3C00, s22;
	v5 =	vld [tilespmem:s19+$0x140];
	v0 =	vnsel vm0, $0xFFFFFF87, v0  }
0x2ef: {  	s20 =	sor.u32 s26, s28;
	v6 =	vld [tilespmem:s19+$0x150];
	vm0 =	vlt.s32 v0, $0x7E  }
0x2f0: {  	v16 =	vld [tilespmem:s20+$0x140];
	v0 =	vnsel vm0, $0x7E, v0  }
0x2f1: {  	v7 =	vld [tilespmem:s19+$0x160];
	vm1 =	vgt.s32 v2, $0xFFFFFF87;
	vm0 =	vgt.s32 v1, $0xFFFFFF87;
	v0 =	vadd.s32 $0x79, v0  }
0x2f2: {  	v2 =	vnsel vm1, $0xFFFFFF87, v2;
	v1 =	vnsel vm0, $0xFFFFFF87, v1;
	vm0 =	vgt.s32 v3, $0xFFFFFF87  }
0x2f3: {  	vm2 =	vlt.s32 v2, $0x7E;
	v3 =	vnsel vm0, $0xFFFFFF87, v3;
	vm0 =	vgt.s32 v4, $0xFFFFFF87  }
0x2f4: {  	v17 =	vld [tilespmem:s20+$0x150];
	v2 =	vnsel vm2, $0x7E, v2;
	v4 =	vnsel vm0, $0xFFFFFF87, v4;
	vm0 =	vgt.s32 v5, $0xFFFFFF87  }
0x2f5: {  	vm2 =	vgt.s32 v16, $0xFFFFFF87;
	v5 =	vnsel vm0, $0xFFFFFF87, v5;
	vm0 =	vgt.s32 v6, $0xFFFFFF87  }
0x2f6: {  	v2 =	vadd.s32 $0x79, v2;
	v6 =	vnsel vm0, $0xFFFFFF87, v6;
	vm0 =	vgt.s32 v7, $0xFFFFFF87;
	v14 =	vld.idx.msk [tilespmem:v0+s4+$0x0], $0xffff  }
0x2f7: {  	vm1 =	vlt.s32 v1, $0x7E;
	vm3 =	vlt.s32 v3, $0x7E;
	v0 =	vnsel vm0, $0xFFFFFF87, v7;
	v7 =	vld [tilespmem:s20+$0x170]  }
0x2f8: {  	v8 =	vld [tilespmem:s20+$0x100];
	v1 =	vnsel vm1, $0x7E, v1;
	vm4 =	vlt.s32 v4, $0x7E;
	v3 =	vnsel vm3, $0x7E, v3  }
0x2f9: {  	v11 =	vadd.s32 $0x79, v1;
	vm3 =	vgt.s32 v17, $0xFFFFFF87;
	vm5 =	vlt.s32 v5, $0x7E  }
0x2fa: {  	v10 =	vld [tilespmem:s20+$0x110];
	v4 =	vnsel vm4, $0x7E, v4;
	v3 =	vadd.s32 $0x79, v3;
	vm0 =	vlt.s32 v6, $0x7E  }
0x2fb: {  	v12 =	vld [tilespmem:s20+$0x120];
	v5 =	vnsel vm5, $0x7E, v5;
	v4 =	vadd.s32 $0x79, v4;
	vm1 =	vlt.s32 v0, $0x7E  }
0x2fc: {  	v9 =	vld [tilespmem:s20+$0x160];
	v6 =	vnsel vm0, $0x7E, v6;
	v15 =	vadd.s32 $0x79, v5;
	vm0 =	vgt.s32 v7, $0xFFFFFF87  }
0x2fd: {  	v13 =	vld [tilespmem:s20+$0x130];
	v0 =	vnsel vm1, $0x7E, v0;
	vm1 =	vgt.s32 v8, $0xFFFFFF87;
	v7 =	vnsel vm0, $0xFFFFFF87, v7  }
0x2fe: {  	v1 =	vadd.s32 $0x79, v6;
	v5 =	vnsel vm1, $0xFFFFFF87, v8;
	vm1 =	vlt.s32 v7, $0x7E  }
0x2ff: {  	v0 =	vadd.s32 $0x79, v0;
	v8 =	vld.idx.msk [tilespmem:v11+s4+$0x0], $0xffff;
	vm0 =	vgt.s32 v10, $0xFFFFFF87;
	v7 =	vnsel vm1, $0x7E, v7  }
0x300: {  	v6 =	vnsel vm0, $0xFFFFFF87, v10;
	vm0 =	vgt.s32 v12, $0xFFFFFF87;
	v11 =	vadd.s32 $0x79, v7;
	v7 =	vld.idx.msk [tilespmem:v2+s4+$0x0], $0xffff  }
0x301: {  	[tilespmem:s19+$0x10170] =	vst v14;
	v14 =	vnsel vm3, $0xFFFFFF87, v17;
	vm3 =	vgt.s32 v9, $0xFFFFFF87;
	v10 =	vnsel vm0, $0xFFFFFF87, v12;
	v2 =	vld.idx.msk [tilespmem:v3+s4+$0x0], $0xffff  }
0x302: {  	vm1 =	vgt.s32 v13, $0xFFFFFF87;
	vm0 =	vlt.s32 v5, $0x7E;
	v12 =	vnsel vm2, $0xFFFFFF87, v16;
	v3 =	vld.idx.msk [tilespmem:v4+s4+$0x0], $0xffff  }
0x303: {  	v13 =	vnsel vm1, $0xFFFFFF87, v13;
	vm1 =	vlt.s32 v6, $0x7E;
	vm2 =	vlt.s32 v10, $0x7E;
	v4 =	vld.idx.msk [tilespmem:v15+s4+$0x0], $0xffff  }
.LBB2_24:
0x304: {  	s21 =	sadd.s32 $0x8, s21;
	vm4 =	vlt.s32 v13, $0x7E;
	vm5 =	vlt.s32 v12, $0x7E;
	v9 =	vnsel vm3, $0xFFFFFF87, v9;
	s22 =	sadd.s32 $0x400, s22;
	v15 =	vld.idx.msk [tilespmem:v1+s4+$0x0], $0xffff  }
0x305: {  	v1 =	vnsel vm0, $0x7E, v5;
	vm0 =	vlt.s32 v14, $0x7E;
	s7 =	sand.u32 $0x380, s21;
	s23 =	sand.u32 $0x3C00, s22;
	p0 =	slt.u32 s21, $0x3F8;
	vm3 =	vlt.s32 v9, $0x7E;
	v5 =	vld.idx.msk [tilespmem:v11+s4+$0x0], $0xffff;
	[tilespmem:s19+$0x10100] =	vst v8  }
0x306: {  	v6 =	vnsel vm1, $0x7E, v6;
	v8 =	vnsel vm2, $0x7E, v10;
	v10 =	vnsel vm4, $0x7E, v13;
	s7 =	sor.u32 s7, s23;
	[tilespmem:s19+$0x10110] =	vst v7;
	v7 =	vld.idx.msk [tilespmem:v0+s4+$0x0], $0xffff  }
0x307: {  	v0 =	vnsel vm5, $0x7E, v12;
	v12 =	vnsel vm0, $0x7E, v14;
	v9 =	vnsel vm3, $0x7E, v9;
	v11 =	vld [tilespmem:s7+$0x170];
	[tilespmem:s19+$0x10120] =	vst v2  }
0x308: {  	v13 =	vadd.s32 $0x79, v1;
	v14 =	vadd.s32 $0x79, v6;
	v16 =	vadd.s32 $0x79, v8;
	v2 =	vld [tilespmem:s7+$0x100];
	[tilespmem:s19+$0x10130] =	vst v3  }
0x309: {  	v17 =	vadd.s32 $0x79, v10;
	v18 =	vadd.s32 $0x79, v0;
	v1 =	vadd.s32 $0x79, v12;
	v3 =	vld [tilespmem:s7+$0x110];
	[tilespmem:s19+$0x10140] =	vst v4  }
0x30a: {  	v0 =	vadd.s32 $0x79, v9;
	v4 =	vld [tilespmem:s7+$0x120];
	[tilespmem:s19+$0x10150] =	vst v15  }
0x30b: {  	v12 =	vld [tilespmem:s7+$0x130];
	[tilespmem:s20+$0x10170] =	vst v5  }
0x30c: {  	v15 =	vld [tilespmem:s7+$0x140];
	vm0 =	vgt.s32 v11, $0xFFFFFF87;
	[tilespmem:s19+$0x10160] =	vst v7;
	s19 =	smov.u32 s20;
	s20 =	smov.u32 s7  }
0x30d: {  	vm1 =	vgt.s32 v2, $0xFFFFFF87;
	v19 =	vld [tilespmem:s20+$0x150];
	v7 =	vnsel vm0, $0xFFFFFF87, v11  }
0x30e: {  	v5 =	vnsel vm1, $0xFFFFFF87, v2;
	vm0 =	vgt.s32 v3, $0xFFFFFF87;
	v9 =	vld [tilespmem:s20+$0x160];
	vm1 =	vlt.s32 v7, $0x7E  }
.Ltmp11:
0x30f: {  	v6 =	vnsel vm0, $0xFFFFFF87, v3;
	vm0 =	vgt.s32 v4, $0xFFFFFF87;
	v2 =	vnsel vm1, $0x7E, v7;
	v8 =	vld.idx.msk [tilespmem:v13+s4+$0x0], $0xffff;
	(pc) =	sbr.rel @p0 .LBB2_24-.Ltmp11, $4  }
0x310: {  	v10 =	vnsel vm0, $0xFFFFFF87, v4;
	vm1 =	vgt.s32 v12, $0xFFFFFF87;
	v11 =	vadd.s32 $0x79, v2;
	v7 =	vld.idx.msk [tilespmem:v14+s4+$0x0], $0xffff  }
0x311: {  	vm0 =	vlt.s32 v5, $0x7E;
	v13 =	vnsel vm1, $0xFFFFFF87, v12;
	vm2 =	vgt.s32 v15, $0xFFFFFF87;
	v2 =	vld.idx.msk [tilespmem:v16+s4+$0x0], $0xffff  }
0x312: {  	vm1 =	vlt.s32 v6, $0x7E;
	v12 =	vnsel vm2, $0xFFFFFF87, v15;
	vm3 =	vgt.s32 v19, $0xFFFFFF87;
	v3 =	vld.idx.msk [tilespmem:v17+s4+$0x0], $0xffff  }
0x313: {  	vm2 =	vlt.s32 v10, $0x7E;
	v14 =	vnsel vm3, $0xFFFFFF87, v19;
	vm3 =	vgt.s32 v9, $0xFFFFFF87;
	v4 =	vld.idx.msk [tilespmem:v18+s4+$0x0], $0xffff  }
0x314: {  	_ = 	snop  }
0x315: {  	v5 =	vnsel vm0, $0x7E, v5  }
0x316: {  	vm5 =	vlt.s32 v13, $0x7E;
	v6 =	vnsel vm1, $0x7E, v6;
	v5 =	vadd.s32 $0x79, v5  }
0x317: {  	vm6 =	vlt.s32 v12, $0x7E;
	v10 =	vnsel vm2, $0x7E, v10;
	v6 =	vadd.s32 $0x79, v6  }
0x318: {  	v9 =	vnsel vm3, $0xFFFFFF87, v9;
	v1 =	vld.idx.msk [tilespmem:v1+s4+$0x0], $0xffff;
	[tilespmem:s19+$0x10100] =	vst v8;
	v58 =	vnsel vm5, $0x7E, v13;
	v10 =	vadd.s32 $0x79, v10  }
0x319: {  	vm7 =	vlt.s32 v14, $0x7E;
	v11 =	vld.idx.msk [tilespmem:v11+s4+$0x0], $0xffff;
	[tilespmem:s19+$0x10110] =	vst v7;
	v59 =	vnsel vm6, $0x7E, v12;
	v8 =	vadd.s32 $0x79, v58  }
0x31a: {  	v0 =	vld.idx.msk [tilespmem:v0+s4+$0x0], $0xffff;
	vm8 =	vlt.s32 v9, $0x7E;
	v60 =	vnsel vm7, $0x7E, v14;
	[tilespmem:s19+$0x10120] =	vst v2;
	v2 =	vadd.s32 $0x79, v59  }
0x31b: {  	v61 =	vnsel vm8, $0x7E, v9;
	[tilespmem:s19+$0x10130] =	vst v3;
	v3 =	vadd.s32 $0x79, v60;
	v5 =	vld.idx.msk [tilespmem:v5+s4+$0x0], $0xffff  }
0x31c: {  	v62 =	vadd.s32 $0x79, v61;
	[tilespmem:s19+$0x10140] =	vst v4;
	v6 =	vld.idx.msk [tilespmem:v6+s4+$0x0], $0xffff  }
0x31d: {  	[tilespmem:s19+$0x10150] =	vst v1;
	v1 =	vld.idx.msk [tilespmem:v10+s4+$0x0], $0xffff  }
0x31e: {  	[tilespmem:s20+$0x10170] =	vst v11;
	v63 =	vld.idx.msk [tilespmem:v8+s4+$0x0], $0xffff  }
0x31f: {  	[tilespmem:s19+$0x10160] =	vst v0;
	v0 =	vld.idx.msk [tilespmem:v2+s4+$0x0], $0xffff  }
0x320: {  	v2 =	vld.idx.msk [tilespmem:v3+s4+$0x0], $0xffff;
	[tilespmem:s20+$0x10100] =	vst v5  }
0x321: {  	v3 =	vld.idx.msk [tilespmem:v62+s4+$0x0], $0xffff;
	[tilespmem:s20+$0x10110] =	vst v6  }
0x322: {  	[tilespmem:s20+$0x10120] =	vst v1  }
0x323: {  	[tilespmem:s20+$0x10130] =	vst v63  }
0x324: {  	[tilespmem:s20+$0x10140] =	vst v0  }
0x325: {  	[tilespmem:s20+$0x10150] =	vst v2  }
0x326: {  	[tilespmem:s20+$0x10160] =	vst v3  }
0x327: {  	s19 =	simm.s32 $0x0;
	s7 =	rddreg [dreg:$0x14]  }
0x328: {  	[hbm4b:s7+s19] =	stream.linear.scatter [tilespmem:s6], [sflag:$0x4], $0x4000, $0x38;
	[tilespmem:$0x18100] =	vst v63  }
0x329: {  	_ =	swait.ge [sflag:s0], $0x4000  }
0x32a: {  	[sflag:s0] =	ssyncset.done $0x0  }
0x32b: {  	[sflag:s0] =	ssyncadd.s32 $0xFFFFC000  }
0x32c: {  	s21 =	simm.s32 $0x0;
	_ =	swait.ge [sflag:s14], $0x4000  }
0x32d: {  	s26 =	sand.u32 $0x380, s21;
	s28 =	sand.u32 $0x3C00, s19;
	[sflag:s14] =	ssyncset.done $0x0  }
0x32e: {  	s20 =	sor.u32 s26, s28;
	[sflag:s14] =	ssyncadd.s32 $0xFFFFC000  }
0x32f: {  	v0 =	vld [tilespmem:s20+$0x4100];
	_ =	sdelay $0x4  }
0x330: {  	vm9 =	vgt.s32 v0, $0xFFFFFF87  }
0x331: {  	v1 =	vld [tilespmem:s20+$0x4110];
	v0 =	vnsel vm9, $0xFFFFFF87, v0  }
0x332: {  	vm0 =	vlt.s32 v0, $0x7E  }
0x333: {  	v0 =	vnsel vm0, $0x7E, v0  }
0x334: {  	v0 =	vadd.s32 $0x79, v0;
	_ =	sdelay $0x1  }
0x335: {  	vm10 =	vgt.s32 v1, $0xFFFFFF87  }
0x336: {  	v1 =	vnsel vm10, $0xFFFFFF87, v1  }
0x337: {  	v2 =	vld [tilespmem:s20+$0x4120];
	vm0 =	vlt.s32 v1, $0x7E  }
0x338: {  	v1 =	vnsel vm0, $0x7E, v1;
	v0 =	vld.idx.msk [tilespmem:v0+s4+$0x0], $0xffff  }
0x339: {  	v1 =	vadd.s32 $0x79, v1;
	_ =	sdelay $0x2  }
0x33a: {  	vm11 =	vgt.s32 v2, $0xFFFFFF87  }
0x33b: {  	[tilespmem:s20+$0x14100] =	vst v0;
	v0 =	vnsel vm11, $0xFFFFFF87, v2;
	v2 =	vld [tilespmem:s20+$0x4130]  }
0x33c: {  	v1 =	vld.idx.msk [tilespmem:v1+s4+$0x0], $0xffff;
	vm0 =	vlt.s32 v0, $0x7E  }
0x33d: {  	v0 =	vnsel vm0, $0x7E, v0  }
0x33e: {  	v0 =	vadd.s32 $0x79, v0;
	_ =	sdelay $0x1  }
0x33f: {  	vm12 =	vgt.s32 v2, $0xFFFFFF87  }
0x340: {  	[tilespmem:s20+$0x14110] =	vst v1;
	v1 =	vnsel vm12, $0xFFFFFF87, v2  }
0x341: {  	v2 =	vld [tilespmem:s20+$0x4140];
	vm0 =	vlt.s32 v1, $0x7E  }
0x342: {  	v0 =	vld.idx.msk [tilespmem:v0+s4+$0x0], $0xffff;
	v1 =	vnsel vm0, $0x7E, v1  }
0x343: {  	v1 =	vadd.s32 $0x79, v1;
	_ =	sdelay $0x2  }
0x344: {  	vm13 =	vgt.s32 v2, $0xFFFFFF87  }
0x345: {  	[tilespmem:s20+$0x14120] =	vst v0;
	v0 =	vnsel vm13, $0xFFFFFF87, v2;
	v2 =	vld [tilespmem:s20+$0x4150]  }
0x346: {  	v1 =	vld.idx.msk [tilespmem:v1+s4+$0x0], $0xffff;
	vm0 =	vlt.s32 v0, $0x7E  }
0x347: {  	v0 =	vnsel vm0, $0x7E, v0  }
0x348: {  	v0 =	vadd.s32 $0x79, v0;
	_ =	sdelay $0x1  }
0x349: {  	vm14 =	vgt.s32 v2, $0xFFFFFF87  }
0x34a: {  	[tilespmem:s20+$0x14130] =	vst v1;
	v1 =	vld [tilespmem:s20+$0x4160];
	v2 =	vnsel vm14, $0xFFFFFF87, v2  }
0x34b: {  	vm0 =	vlt.s32 v2, $0x7E  }
0x34c: {  	v0 =	vld.idx.msk [tilespmem:v0+s4+$0x0], $0xffff;
	v2 =	vnsel vm0, $0x7E, v2  }
0x34d: {  	v2 =	vadd.s32 $0x79, v2;
	_ =	sdelay $0x1  }
0x34e: {  	vm15 =	vgt.s32 v1, $0xFFFFFF87  }
0x34f: {  	v1 =	vnsel vm15, $0xFFFFFF87, v1  }
0x350: {  	[tilespmem:s20+$0x14140] =	vst v0;
	vm0 =	vlt.s32 v1, $0x7E;
	v0 =	vld [tilespmem:s20+$0x4170]  }
0x351: {  	v3 =	vnsel vm0, $0x7E, v1;
	v1 =	vld.idx.msk [tilespmem:v2+s4+$0x0], $0xffff  }
0x352: {  	v2 =	vadd.s32 $0x79, v3  }
.LBB2_26:
0x353: {  	s21 =	sadd.s32 $0x8, s21;
	s19 =	sadd.s32 $0x400, s19  }
0x354: {  	s7 =	sand.u32 $0x380, s21;
	s22 =	sand.u32 $0x3C00, s19;
	p0 =	slt.u32 s21, $0x3F8  }
0x355: {  	vm0 =	vgt.s32 v0, $0xFFFFFF87;
	s7 =	sor.u32 s7, s22  }
0x356: {  	v0 =	vnsel vm0, $0xFFFFFF87, v0;
	v3 =	vld [tilespmem:s7+$0x4100];
	[tilespmem:s20+$0x14150] =	vst v1  }
0x357: {  	vm0 =	vlt.s32 v0, $0x7E;
	v1 =	vld.idx.msk [tilespmem:v2+s4+$0x0], $0xffff  }
0x358: {  	v0 =	vnsel vm0, $0x7E, v0  }
0x359: {  	v0 =	vadd.s32 $0x79, v0;
	_ =	sdelay $0x2  }
0x35a: {  	vm0 =	vgt.s32 v3, $0xFFFFFF87  }
0x35b: {  	v2 =	vnsel vm0, $0xFFFFFF87, v3;
	v3 =	vld [tilespmem:s7+$0x4110];
	[tilespmem:s20+$0x14160] =	vst v1  }
0x35c: {  	vm0 =	vlt.s32 v2, $0x7E;
	v0 =	vld.idx.msk [tilespmem:v0+s4+$0x0], $0xffff  }
0x35d: {  	v1 =	vnsel vm0, $0x7E, v2  }
0x35e: {  	v1 =	vadd.s32 $0x79, v1;
	_ =	sdelay $0x2  }
0x35f: {  	vm0 =	vgt.s32 v3, $0xFFFFFF87  }
0x360: {  	v2 =	vnsel vm0, $0xFFFFFF87, v3;
	v3 =	vld [tilespmem:s7+$0x4120];
	[tilespmem:s20+$0x14170] =	vst v0;
	s20 =	smov.u32 s7  }
0x361: {  	vm0 =	vlt.s32 v2, $0x7E;
	v0 =	vld.idx.msk [tilespmem:v1+s4+$0x0], $0xffff  }
0x362: {  	v1 =	vnsel vm0, $0x7E, v2  }
0x363: {  	v1 =	vadd.s32 $0x79, v1;
	_ =	sdelay $0x2  }
0x364: {  	vm0 =	vgt.s32 v3, $0xFFFFFF87  }
0x365: {  	[tilespmem:s20+$0x14100] =	vst v0;
	v0 =	vnsel vm0, $0xFFFFFF87, v3;
	v2 =	vld [tilespmem:s20+$0x4130]  }
0x366: {  	v1 =	vld.idx.msk [tilespmem:v1+s4+$0x0], $0xffff;
	vm0 =	vlt.s32 v0, $0x7E  }
0x367: {  	v0 =	vnsel vm0, $0x7E, v0  }
0x368: {  	v0 =	vadd.s32 $0x79, v0;
	_ =	sdelay $0x2  }
0x369: {  	vm0 =	vgt.s32 v2, $0xFFFFFF87  }
0x36a: {  	[tilespmem:s20+$0x14110] =	vst v1;
	v1 =	vnsel vm0, $0xFFFFFF87, v2;
	v2 =	vld [tilespmem:s20+$0x4140]  }
0x36b: {  	v0 =	vld.idx.msk [tilespmem:v0+s4+$0x0], $0xffff;
	vm0 =	vlt.s32 v1, $0x7E  }
0x36c: {  	v1 =	vnsel vm0, $0x7E, v1  }
0x36d: {  	v1 =	vadd.s32 $0x79, v1;
	_ =	sdelay $0x2  }
0x36e: {  	vm0 =	vgt.s32 v2, $0xFFFFFF87  }
0x36f: {  	[tilespmem:s20+$0x14120] =	vst v0;
	v0 =	vnsel vm0, $0xFFFFFF87, v2;
	v2 =	vld [tilespmem:s20+$0x4150]  }
0x370: {  	v1 =	vld.idx.msk [tilespmem:v1+s4+$0x0], $0xffff;
	vm0 =	vlt.s32 v0, $0x7E  }
0x371: {  	v0 =	vnsel vm0, $0x7E, v0  }
0x372: {  	v0 =	vadd.s32 $0x79, v0;
	_ =	sdelay $0x2  }
0x373: {  	vm0 =	vgt.s32 v2, $0xFFFFFF87  }
0x374: {  	[tilespmem:s20+$0x14130] =	vst v1;
	v1 =	vnsel vm0, $0xFFFFFF87, v2;
	v2 =	vld [tilespmem:s20+$0x4160]  }
0x375: {  	v0 =	vld.idx.msk [tilespmem:v0+s4+$0x0], $0xffff;
	vm0 =	vlt.s32 v1, $0x7E  }
0x376: {  	v1 =	vnsel vm0, $0x7E, v1  }
0x377: {  	v1 =	vadd.s32 $0x79, v1;
	_ =	sdelay $0x2  }
.Ltmp12:
0x378: {  	vm0 =	vgt.s32 v2, $0xFFFFFF87;
	(pc) =	sbr.rel @p0 .LBB2_26-.Ltmp12, $4  }
0x379: {  	v2 =	vnsel vm0, $0xFFFFFF87, v2;
	[tilespmem:s20+$0x14140] =	vst v0;
	v0 =	vld [tilespmem:s20+$0x4170]  }
0x37a: {  	vm0 =	vlt.s32 v2, $0x7E;
	v1 =	vld.idx.msk [tilespmem:v1+s4+$0x0], $0xffff  }
0x37b: {  	v2 =	vnsel vm0, $0x7E, v2  }
0x37c: {  	v2 =	vadd.s32 $0x79, v2  }
0x37d: {  	_ = 	snop  }
0x37e: {  	vm0 =	vgt.s32 v0, $0xFFFFFF87  }
0x37f: {  	v0 =	vnsel vm0, $0xFFFFFF87, v0  }
0x380: {  	[tilespmem:s20+$0x14150] =	vst v1;
	vm0 =	vlt.s32 v0, $0x7E  }
0x381: {  	v1 =	vld.idx.msk [tilespmem:v2+s4+$0x0], $0xffff;
	v0 =	vnsel vm0, $0x7E, v0  }
0x382: {  	v0 =	vadd.s32 $0x79, v0;
	_ =	sdelay $0x3  }
0x383: {  	[tilespmem:s20+$0x14160] =	vst v1  }
0x384: {  	v0 =	vld.idx.msk [tilespmem:v0+s4+$0x0], $0xffff;
	_ =	sdelay $0x4  }
0x385: {  	s7 =	rddreg [dreg:$0x11];
	[tilespmem:s20+$0x14170] =	vst v0  }
0x386: {  	[hbm4b:s7+s4] =	stream.linear.scatter [tilespmem:s8], [sflag:$0x5], $0x4000, $0x38;
	[tilespmem:$0x18100] =	vst v63  }
0x387: {  	_ =	swait.ge [sflag:s9], $0x4000  }
0x388: {  	[sflag:s9] =	ssyncset.done $0x0  }
0x389: {  	[sflag:s9] =	ssyncadd.s32 $0xFFFFC000  }
0x38a: {  	_ =	swait.ge [sflag:s12], $0x4000  }
0x38b: {  	[sflag:s12] =	ssyncset.done $0x0  }
0x38c: {  	[sflag:s12] =	ssyncadd.s32 $0xFFFFC000  }
0x38d: {  	_ =	swait.ge [sflag:s13], $0x4000  }
0x38e: {  	[sflag:s13] =	ssyncset.done $0x0  }
0x38f: {  	s26 =	rddreg [dreg:$0x12];
	[sflag:s13] =	ssyncadd.s32 $0xFFFFC000  }
0x390: {  	[hbm4b:s26+s4] =	stream.linear.scatter [tilespmem:s11], [sflag:$0x6], $0x4000, $0x38;
	[tilespmem:$0x18100] =	vst v63  }
0x391: {  	_ =	swait.ge [sflag:s14], $0x4000  }
0x392: {  	s15 =	sadd.s32 $0x1, s15;
	s28 =	rddreg [dreg:$0x13]  }
0x393: {  	p0 =	sne.s32 s15, s28  }
.Ltmp13:
0x394: {  	_ = 	snop;
	(pc) =	sbr.rel @p0 .LBB2_1-.Ltmp13, $3  }
0x395: {  	_ =	sdelay $0x1  }
0x396: {  	[sflag:s14] =	ssyncset.done $0x0  }
0x397: {  	[sflag:s14] =	ssyncadd.s32 $0xFFFFC000  }
0x398: {  	_ =	sfence.sel $0x180000  }
0x399: {  	[bflag:$0x0] =	sbarrier.arrive $0xFFFF  }
0x39a: {  	_ =	strace $0x90000047  }
0x39b: {  	s0 =	stileid.u32;
	[bflag:$0x2] =	sbarrier.arrive $0xFFFF  }
0x39c: {  	p0 =	sne.s32 s0, $0x0;
	s0 =	rddreg [dreg:$0x3]  }
0x39d: {  	s0 =	sadd.s32 @!p0 $0x100000, s0  }
0x39e: {  	[sflag:s0] =	ssyncadd.tile.s32 @!p0 $0x1;
	_ =	shalt  }
.Lfunc_end2:
_tile_overlayer_lowered:
.L_overlay_start_2:
0x39f: {  	(tag) =	ssettag $0x2  }
0x3a0: {  	s0 =	rddreg [dreg:$0x0];
	s2 =	stileid.u32  }
0x3a1: {  	s1 =	rddreg [dreg:$0x1];
	p0 =	sne.s32 s2, $0x0  }
0x3a2: {  	s3 =	rddreg [dreg:$0x2];
	[bflag:$0x3] =	sbarrier.arrive $0xFFFF;
	s2 =	simm.s32 @!p0 $0x1C07  }
0x3a3: {  	[timem:s3], [sflag:s2] =	dma.local @!p0 [hbm:s0], s1  }
0x3a4: {  	s0 =	simm.s32 @!p0 $0x7  }
0x3a5: {  	_ =	swait.ge @!p0 [sflag:s0], s1  }
0x3a6: {  	s1 =	ssub.s32 @!p0 $0x0, s1;
	[sflag:s0] =	ssyncset.done @!p0 $0x0  }
0x3a7: {  	[sflag:s0] =	ssyncadd.s32 @!p0 s1  }
0x3a8: {  	[bflag:$0x3] =	sbarrier.arrive $0xFFFF  }
0x3a9: {  	_ =	shalt  }

</sc_bundles>
